<compile_context>
chip_gen: v7x
topology: tpu7x:2x2x1
jax: 0.10.2.dev20260603
libtpu: 0.0.44.dev20260713+nightly
codegen_flags: <defaults>
</compile_context>

<pallas_src>
import functools

import jax
import jax.numpy as jnp
from jax import lax
from jax.experimental import pallas as pl
from jax.experimental.pallas import tpu as pltpu
from jax.experimental.pallas import tpu_sc as plsc

N = 10000
D = 128
DH = 64
E = 320000
NP = 10240
TILES = 16
CH = 158
EPT = CH * 128
EP = TILES * EPT
RPT = NP // TILES
HEADS = 16
HD = 64
HIDDEN = 256
NCLS = 40
R = 0.3
SLOPE = 0.2

_f32 = jnp.float32


def _sc_message_passing(xs, nidx, hidx):
    mesh = plsc.VectorSubcoreMesh(core_axis_name="c", subcore_axis_name="s")

    @functools.partial(
        pl.kernel,
        out_type=(
            jax.ShapeDtypeStruct((2, NP, DH), _f32),
            jax.ShapeDtypeStruct((NP,), _f32),
            jax.ShapeDtypeStruct((2 * NP, DH), _f32),
        ),
        mesh=mesh,
        scratch_types=[
            pltpu.VMEM((CH, 128), jnp.int32),
            pltpu.VMEM((CH, 128), jnp.int32),
            pltpu.VMEM((2, 128, DH), _f32),
            pltpu.VMEM((128,), _f32),
            pltpu.VMEM((128,), _f32),
            pltpu.VMEM((64, DH), _f32),
            pltpu.VMEM_SHARED((NP, DH), _f32),
            pltpu.VMEM_SHARED((NP,), _f32),
            pltpu.VMEM_SHARED((NP,), _f32),
            pltpu.SemaphoreType.DMA,
            pltpu.SemaphoreType.DMA,
            pltpu.SemaphoreType.DMA,
            pltpu.SemaphoreType.DMA,
        ],
        compiler_params=pltpu.CompilerParams(use_tc_tiling_on_sc=False),
    )
    def k(xs_hbm, nidx_hbm, hidx_hbm, agg_out, ncnt_out, he_stage,
          idx_n, idx_h, rows, ones_v, cbuf, zbuf,
          acc, he_cnt, n_cnt, gsem, ssem, csem, nsem):
        c = lax.axis_index("c")
        s = lax.axis_index("s")
        off = c * NP
        base = s * RPT

        with jax.named_scope("sc_setup"):
            pltpu.sync_copy(nidx_hbm.at[s], idx_n)
            pltpu.sync_copy(hidx_hbm.at[s], idx_h)

            for q in range(8):
                ones_v[pl.ds(q * 16, 16)] = jnp.full((16,), 1.0, _f32)

            def zrow(r, carry):
                for q in range(4):
                    zbuf[r, pl.ds(q * 16, 16)] = jnp.zeros((16,), _f32)
                return carry
            lax.fori_loop(0, 64, zrow, 0)

            def adj1(j, carry):
                for q in range(8):
                    sl = pl.ds(q * 16, 16)
                    idx_n[j, sl] = idx_n[j, sl] + off
                return carry
            lax.fori_loop(0, CH, adj1, 0)

            def zcp(kk, carry):
                rb = base + kk * 64
                pltpu.sync_copy(zbuf, acc.at[pl.ds(rb, 64), :])
                pltpu.sync_copy(zbuf.at[0], he_cnt.at[pl.ds(rb, 64)])
                pltpu.sync_copy(zbuf.at[0], n_cnt.at[pl.ds(rb, 64)])
                return carry
            lax.fori_loop(0, RPT // 64, zcp, 0)

        plsc.subcore_barrier()

        with jax.named_scope("sc_pass1"):
            pltpu.async_copy(xs_hbm.at[idx_n.at[0]], rows.at[0], gsem)

            def p1(i, carry):
                for b in range(2):
                    j = 2 * i + b
                    nb = 1 - b
                    pltpu.make_async_copy(
                        xs_hbm.at[idx_n.at[j]], rows.at[b], gsem).wait()

                    @pl.when(j >= 1)
                    def _():
                        pltpu.make_async_copy(
                            rows.at[nb], acc.at[idx_h.at[j - 1]],
                            ssem).wait()

                    @pl.when(j + 1 < CH)
                    def _():
                        pltpu.async_copy(xs_hbm.at[idx_n.at[j + 1]],
                                         rows.at[nb], gsem)

                    pltpu.async_copy(rows.at[b], acc.at[idx_h.at[j]],
                                     ssem, add=True)
                    pltpu.async_copy(ones_v, he_cnt.at[idx_h.at[j]],
                                     csem, add=True)

                    @pl.when(c == 0)
                    def _():
                        pltpu.async_copy(ones_v, n_cnt.at[idx_n.at[j]],
                                         nsem, add=True)
                return carry
            lax.fori_loop(0, CH // 2, p1, 0)

            pltpu.make_async_copy(
                rows.at[1], acc.at[idx_h.at[CH - 1]], ssem).wait()

            pltpu.make_async_copy(nidx_hbm.at[s], idx_n, csem).wait()

            @pl.when(c == 0)
            def _():
                pltpu.make_async_copy(nidx_hbm.at[s], idx_n, nsem).wait()

        plsc.subcore_barrier()

        with jax.named_scope("sc_scale"):
            def adj2(j, carry):
                for q in range(8):
                    sl = pl.ds(q * 16, 16)
                    idx_n[j, sl] = idx_n[j, sl] - off
                    idx_h[j, sl] = idx_h[j, sl] + off
                return carry
            lax.fori_loop(0, CH, adj2, 0)

            def sc_chunk(kk, carry):
                rb = base + kk * 128
                pltpu.sync_copy(acc.at[pl.ds(rb, 128), :], rows.at[0])
                pltpu.sync_copy(he_cnt.at[pl.ds(rb, 128)], cbuf)
                for q in range(8):
                    sl = pl.ds(q * 16, 16)
                    cbuf[sl] = 1.0 / jnp.maximum(cbuf[sl], 1.0)

                def sgrp(g, carry2):
                    invvec = cbuf[pl.ds(g * 16, 16)]
                    for ri in range(16):
                        inv = invvec[ri]
                        r = g * 16 + ri
                        for q in range(4):
                            sl = pl.ds(q * 16, 16)
                            rows[0, r, sl] = rows[0, r, sl] * inv
                    return carry2
                lax.fori_loop(0, 8, sgrp, 0)
                pltpu.sync_copy(rows.at[0],
                                he_stage.at[pl.ds(off + rb, 128), :])
                return carry
            lax.fori_loop(0, RPT // 128, sc_chunk, 0)

        plsc.subcore_barrier()

        with jax.named_scope("sc_zero2"):
            def zcp2(kk, carry):
                pltpu.sync_copy(zbuf, acc.at[pl.ds(base + kk * 64, 64), :])
                return carry
            lax.fori_loop(0, RPT // 64, zcp2, 0)

        plsc.subcore_barrier()

        with jax.named_scope("sc_pass2"):
            pltpu.async_copy(he_stage.at[idx_h.at[0]], rows.at[0], gsem)

            def p2(i, carry):
                for b in range(2):
                    j = 2 * i + b
                    nb = 1 - b
                    pltpu.make_async_copy(
                        he_stage.at[idx_h.at[j]], rows.at[b], gsem).wait()

                    @pl.when(j >= 1)
                    def _():
                        pltpu.make_async_copy(
                            rows.at[nb], acc.at[idx_n.at[j - 1]],
                            ssem).wait()

                    @pl.when(j + 1 < CH)
                    def _():
                        pltpu.async_copy(he_stage.at[idx_h.at[j + 1]],
                                         rows.at[nb], gsem)

                    pltpu.async_copy(rows.at[b], acc.at[idx_n.at[j]],
                                     ssem, add=True)
                return carry
            lax.fori_loop(0, CH // 2, p2, 0)
            pltpu.make_async_copy(
                rows.at[1], acc.at[idx_n.at[CH - 1]], ssem).wait()

        plsc.subcore_barrier()

        with jax.named_scope("sc_writeback"):
            pltpu.sync_copy(acc.at[pl.ds(base, RPT), :],
                            agg_out.at[c, pl.ds(base, RPT), :])

            @pl.when(c == 0)
            def _():
                pltpu.sync_copy(n_cnt.at[pl.ds(base, RPT)],
                                ncnt_out.at[pl.ds(base, RPT)])

    return k(xs, nidx, hidx)


def _tc_body(x_ref, agg_ref, ncnt_ref, wv_ref, wo_ref, bo_ref, wc_ref,
             bc_ref, out_ref):
    xb = x_ref[...]
    a = jnp.concatenate([agg_ref[0], agg_ref[1]], axis=-1)
    inv = 1.0 / jnp.maximum(ncnt_ref[...], 1.0)
    z = R * xb + (1.0 - R) * (a * inv)
    h = jnp.dot(z, wv_ref[...], preferred_element_type=_f32)
    h = jnp.where(h > 0, h, SLOPE * h)
    hid = jnp.dot(h, wo_ref[...], preferred_element_type=_f32) + bo_ref[...]
    hid = jnp.where(hid > 0, hid, SLOPE * hid)
    out_ref[...] = jnp.dot(hid, wc_ref[...], preferred_element_type=_f32) \
        + bc_ref[...]


def _tc_mlp(x, agg, ncnt, wvt, wot, bo2, wct, bc2):
    bm = 400
    grid = (N // bm,)
    return pl.pallas_call(
        _tc_body,
        grid=grid,
        in_specs=[
            pl.BlockSpec((bm, D), lambda i: (i, 0)),
            pl.BlockSpec((2, bm, DH), lambda i: (0, i, 0)),
            pl.BlockSpec((bm, 1), lambda i: (i, 0)),
            pl.BlockSpec((D, HEADS * HD), lambda i: (0, 0)),
            pl.BlockSpec((HEADS * HD, HIDDEN), lambda i: (0, 0)),
            pl.BlockSpec((1, HIDDEN), lambda i: (0, 0)),
            pl.BlockSpec((HIDDEN, NCLS), lambda i: (0, 0)),
            pl.BlockSpec((1, NCLS), lambda i: (0, 0)),
        ],
        out_specs=pl.BlockSpec((bm, NCLS), lambda i: (i, 0)),
        out_shape=jax.ShapeDtypeStruct((N, NCLS), _f32),
    )(x, agg, ncnt, wvt, wot, bo2, wct, bc2)


def kernel(x, hyperedge_index, Wq, Wk, Wv, Wo, bo, Wc, bc):
    node_idx = hyperedge_index[0]
    he_idx = hyperedge_index[1]

    pad = EP - E
    padv = jnp.full((pad,), N, jnp.int32)
    nidx = jnp.concatenate([node_idx, padv]).reshape(TILES, CH, 128)
    hidx = jnp.concatenate([he_idx, padv]).reshape(TILES, CH, 128)

    xpad = jnp.zeros((NP, D), _f32).at[:N].set(x)
    xs = jnp.concatenate([xpad[:, :DH], xpad[:, DH:]], axis=0)

    agg, ncnt, _ = _sc_message_passing(xs, nidx, hidx)

    wvt = Wv.reshape(HEADS * HD, D).T
    wot = Wo.T
    wct = Wc.T
    out = _tc_mlp(x, agg, ncnt.reshape(NP, 1), wvt, wot,
                  bo.reshape(1, HIDDEN), wct, bc.reshape(1, NCLS))
    return out

# --- scband reference (transcript-rebuilt; emitter-appended) ---
"""Pipeline reference for scband-shgatclassifier-37228776522461 (READ-ONLY COPY).

The authoritative reference and input builder live on the scoring server;
editing this copy changes nothing except your own understanding.
"""

import jax, jax.numpy as jnp
import numpy as np

N_NODES = 10000
IN_DIM = 128
N_EDGES = 320000
NUM_HEADS = 16
HEAD_DIM = 64
HIDDEN = 256
NUM_CLASSES = 40
R = 0.3
SLOPE = 0.2


def setup_inputs(seed: int = 0) -> dict:
    key = jax.random.key(seed)
    ks = jax.random.split(key, 12)
    x = jax.random.normal(ks[0], (N_NODES, IN_DIM), dtype=jnp.float32)
    node_idx = jax.random.randint(ks[1], (N_EDGES,), 0, N_NODES, dtype=jnp.int32)
    he_idx = jax.random.randint(ks[2], (N_EDGES,), 0, N_NODES, dtype=jnp.int32)
    hyperedge_index = jnp.stack([node_idx, he_idx], axis=0)
    s = 1.0 / np.sqrt(IN_DIM)
    # stacked per-head Linear weights, torch layout [out, in] per head
    Wq = jax.random.uniform(ks[3], (NUM_HEADS, HEAD_DIM, IN_DIM), jnp.float32, -s, s)
    Wk = jax.random.uniform(ks[4], (NUM_HEADS, HEAD_DIM, IN_DIM), jnp.float32, -s, s)
    Wv = jax.random.uniform(ks[5], (NUM_HEADS, HEAD_DIM, IN_DIM), jnp.float32, -s, s)
    s2 = 1.0 / np.sqrt(NUM_HEADS * HEAD_DIM)
    Wo = jax.random.uniform(ks[6], (HIDDEN, NUM_HEADS * HEAD_DIM), jnp.float32, -s2, s2)
    bo = jax.random.uniform(ks[7], (HIDDEN,), jnp.float32, -s2, s2)
    s3 = 1.0 / np.sqrt(HIDDEN)
    Wc = jax.random.uniform(ks[8], (NUM_CLASSES, HIDDEN), jnp.float32, -s3, s3)
    bc = jax.random.uniform(ks[9], (NUM_CLASSES,), jnp.float32, -s3, s3)
    return {"x": x, "hyperedge_index": hyperedge_index, "Wq": Wq, "Wk": Wk,
            "Wv": Wv, "Wo": Wo, "bo": bo, "Wc": Wc, "bc": bc}


def reference(x, hyperedge_index, Wq, Wk, Wv, Wo, bo, Wc, bc):
    node_idx = hyperedge_index[0]
    he_idx = hyperedge_index[1]
    num_nodes = x.shape[0]
    num_hyperedges = x.shape[0]
    ones_e = jnp.ones((node_idx.shape[0],), jnp.float32)
    he_cnt = jax.ops.segment_sum(ones_e, he_idx, num_segments=num_hyperedges)
    he_cnt = jnp.maximum(he_cnt, 1.0)
    n_cnt = jax.ops.segment_sum(ones_e, node_idx, num_segments=num_nodes)
    n_cnt = jnp.maximum(n_cnt, 1.0)
    head_outputs = []
    for h in range(NUM_HEADS):
        Q = x @ Wq[h].T  # computed, unused (faithful to original)
        K = x @ Wk[h].T  # computed, unused (faithful to original)
        V = x @ Wv[h].T  # [N, Dh]
        he_emb = jax.ops.segment_sum(V[node_idx], he_idx, num_segments=num_hyperedges)
        he_emb = he_emb / he_cnt[:, None]
        node_agg = jax.ops.segment_sum(he_emb[he_idx], node_idx, num_segments=num_nodes)
        node_agg = node_agg / n_cnt[:, None]
        head_outputs.append(R * V + (1.0 - R) * node_agg)
    hcat = jnp.concatenate(head_outputs, axis=-1)
    hcat = jnp.where(hcat > 0, hcat, SLOPE * hcat)
    # dropout is identity in eval mode
    hid = hcat @ Wo.T + bo
    hid = jnp.where(hid > 0, hid, SLOPE * hid)
    return hid @ Wc.T + bc

if __name__ == "__main__":
    import jax
    _d = setup_inputs()
    print(jax.jit(kernel)(*tuple(_d.values())))

</pallas_src>

<mosaic_0001>
#map = affine_map<(d0, d1) -> (0, 0)>
#map1 = affine_map<(d0, d1) -> (0, 0, 0)>
#map2 = affine_map<(d0, d1) -> (0)>
module attributes {stable_mosaic.version = 14 : i64} {
  func.func @k(%arg0: i32, %arg1: i32, %arg2: memref<20480x64xf32, #tpu.memory_space<hbm>>, %arg3: memref<16x158x128xi32, #tpu.memory_space<hbm>>, %arg4: memref<16x158x128xi32, #tpu.memory_space<hbm>>, %arg5: memref<2x10240x64xf32, #tpu.memory_space<hbm>>, %arg6: memref<10240xf32, #tpu.memory_space<hbm>>, %arg7: memref<20480x64xf32, #tpu.memory_space<hbm>>, %arg8: memref<158x128xi32, #tpu.memory_space<vmem>>, %arg9: memref<158x128xi32, #tpu.memory_space<vmem>>, %arg10: memref<2x128x64xf32, #tpu.memory_space<vmem>>, %arg11: memref<128xf32, #tpu.memory_space<vmem>>, %arg12: memref<128xf32, #tpu.memory_space<vmem>>, %arg13: memref<64x64xf32, #tpu.memory_space<vmem>>, %arg14: memref<10240x64xf32, #tpu.memory_space<vmem_shared>>, %arg15: memref<10240xf32, #tpu.memory_space<vmem_shared>>, %arg16: memref<10240xf32, #tpu.memory_space<vmem_shared>>, %arg17: memref<!tpu.dma_semaphore, #tpu.memory_space<semaphore_mem>>, %arg18: memref<!tpu.dma_semaphore, #tpu.memory_space<semaphore_mem>>, %arg19: memref<!tpu.dma_semaphore, #tpu.memory_space<semaphore_mem>>, %arg20: memref<!tpu.dma_semaphore, #tpu.memory_space<semaphore_mem>>) attributes {dimension_semantics = [#tpu.dimension_semantics<core_parallel>, #tpu.dimension_semantics<subcore_parallel>], iteration_bounds = array<i64: 2, 16>, scalar_prefetch = 0 : i64, scratch_operands = 13 : i64, tpu.core_type = #tpu.core_type<sc_vector_subcore>, window_params = [{transform_indices = #map}, {transform_indices = #map1}, {transform_indices = #map1}, {transform_indices = #map1}, {transform_indices = #map2}, {transform_indices = #map}]} {
    %mul3A = arith.constant 10240 : i32
    %mul3A_0 = arith.muli %arg0, %mul3A : i32
    %mul3A_1 = arith.constant 640 : i32
    %mul3A_2 = arith.muli %arg1, %mul3A_1 : i32
    "tpu.trace_start"() <{level = 10 : i32, message = "sc_setup"}> : () -> ()
    "tpu.region"() ({
      %run_scoped3A = tpu.sem_alloc : memref<!tpu.dma_semaphore, #tpu.memory_space<semaphore_mem>>
      %dma_start3A_161 = arith.constant 0 : i32
      %dma_start3A_162 = arith.constant 0 : i32
      %dma_start3A_163 = tpu.memref_slice %arg3[%arg1, %dma_start3A_161, %dma_start3A_162] : memref<16x158x128xi32, #tpu.memory_space<hbm>> -> memref<1x158x128xi32, #tpu.memory_space<hbm>>
      %dma_start3A_164 = tpu.memref_squeeze %dma_start3A_163 : memref<1x158x128xi32, #tpu.memory_space<hbm>> -> memref<158x128xi32, #tpu.memory_space<hbm>>
      %dma_start3A_165 = arith.constant 0 : i32
      %dma_start3A_166 = arith.constant 0 : i32
      %dma_start3A_167 = tpu.memref_slice %arg3[%arg1, %dma_start3A_165, %dma_start3A_166] : memref<16x158x128xi32, #tpu.memory_space<hbm>> -> memref<1x158x128xi32, #tpu.memory_space<hbm>>
      %dma_start3A_168 = tpu.memref_squeeze %dma_start3A_167 : memref<1x158x128xi32, #tpu.memory_space<hbm>> -> memref<158x128xi32, #tpu.memory_space<hbm>>
      tpu.enqueue_dma source(%dma_start3A_168 : memref<158x128xi32, #tpu.memory_space<hbm>>) target(%arg8 : memref<158x128xi32, #tpu.memory_space<vmem>>) target_semaphore(%run_scoped3A : memref<!tpu.dma_semaphore, #tpu.memory_space<semaphore_mem>>)
      %dma_wait3A_169 = arith.constant 0 : i32
      %dma_wait3A_170 = arith.constant 0 : i32
      %dma_wait3A_171 = tpu.memref_slice %arg3[%arg1, %dma_wait3A_169, %dma_wait3A_170] : memref<16x158x128xi32, #tpu.memory_space<hbm>> -> memref<1x158x128xi32, #tpu.memory_space<hbm>>
      %dma_wait3A_172 = tpu.memref_squeeze %dma_wait3A_171 : memref<1x158x128xi32, #tpu.memory_space<hbm>> -> memref<158x128xi32, #tpu.memory_space<hbm>>
      %dma_wait3A_173 = arith.constant 0 : i32
      %dma_wait3A_174 = arith.constant 0 : i32
      %dma_wait3A_175 = tpu.memref_slice %arg3[%arg1, %dma_wait3A_173, %dma_wait3A_174] : memref<16x158x128xi32, #tpu.memory_space<hbm>> -> memref<1x158x128xi32, #tpu.memory_space<hbm>>
      %dma_wait3A_176 = tpu.memref_squeeze %dma_wait3A_175 : memref<1x158x128xi32, #tpu.memory_space<hbm>> -> memref<158x128xi32, #tpu.memory_space<hbm>>
      tpu.wait_dma2 semaphore(%run_scoped3A : memref<!tpu.dma_semaphore, #tpu.memory_space<semaphore_mem>>) src(%dma_wait3A_176 : memref<158x128xi32, #tpu.memory_space<hbm>>) dst(%arg8 : memref<158x128xi32, #tpu.memory_space<vmem>>)
      tpu.yield
    }) : () -> ()
    "tpu.region"() ({
      %run_scoped3A = tpu.sem_alloc : memref<!tpu.dma_semaphore, #tpu.memory_space<semaphore_mem>>
      %dma_start3A_161 = arith.constant 0 : i32
      %dma_start3A_162 = arith.constant 0 : i32
      %dma_start3A_163 = tpu.memref_slice %arg4[%arg1, %dma_start3A_161, %dma_start3A_162] : memref<16x158x128xi32, #tpu.memory_space<hbm>> -> memref<1x158x128xi32, #tpu.memory_space<hbm>>
      %dma_start3A_164 = tpu.memref_squeeze %dma_start3A_163 : memref<1x158x128xi32, #tpu.memory_space<hbm>> -> memref<158x128xi32, #tpu.memory_space<hbm>>
      %dma_start3A_165 = arith.constant 0 : i32
      %dma_start3A_166 = arith.constant 0 : i32
      %dma_start3A_167 = tpu.memref_slice %arg4[%arg1, %dma_start3A_165, %dma_start3A_166] : memref<16x158x128xi32, #tpu.memory_space<hbm>> -> memref<1x158x128xi32, #tpu.memory_space<hbm>>
      %dma_start3A_168 = tpu.memref_squeeze %dma_start3A_167 : memref<1x158x128xi32, #tpu.memory_space<hbm>> -> memref<158x128xi32, #tpu.memory_space<hbm>>
      tpu.enqueue_dma source(%dma_start3A_168 : memref<158x128xi32, #tpu.memory_space<hbm>>) target(%arg9 : memref<158x128xi32, #tpu.memory_space<vmem>>) target_semaphore(%run_scoped3A : memref<!tpu.dma_semaphore, #tpu.memory_space<semaphore_mem>>)
      %dma_wait3A_169 = arith.constant 0 : i32
      %dma_wait3A_170 = arith.constant 0 : i32
      %dma_wait3A_171 = tpu.memref_slice %arg4[%arg1, %dma_wait3A_169, %dma_wait3A_170] : memref<16x158x128xi32, #tpu.memory_space<hbm>> -> memref<1x158x128xi32, #tpu.memory_space<hbm>>
      %dma_wait3A_172 = tpu.memref_squeeze %dma_wait3A_171 : memref<1x158x128xi32, #tpu.memory_space<hbm>> -> memref<158x128xi32, #tpu.memory_space<hbm>>
      %dma_wait3A_173 = arith.constant 0 : i32
      %dma_wait3A_174 = arith.constant 0 : i32
      %dma_wait3A_175 = tpu.memref_slice %arg4[%arg1, %dma_wait3A_173, %dma_wait3A_174] : memref<16x158x128xi32, #tpu.memory_space<hbm>> -> memref<1x158x128xi32, #tpu.memory_space<hbm>>
      %dma_wait3A_176 = tpu.memref_squeeze %dma_wait3A_175 : memref<1x158x128xi32, #tpu.memory_space<hbm>> -> memref<158x128xi32, #tpu.memory_space<hbm>>
      tpu.wait_dma2 semaphore(%run_scoped3A : memref<!tpu.dma_semaphore, #tpu.memory_space<semaphore_mem>>) src(%dma_wait3A_176 : memref<158x128xi32, #tpu.memory_space<hbm>>) dst(%arg9 : memref<158x128xi32, #tpu.memory_space<vmem>>)
      tpu.yield
    }) : () -> ()
    %broadcast_in_dim3A = arith.constant 1.000000e+00 : f32
    %broadcast_in_dim3A_3 = vector.broadcast %broadcast_in_dim3A : f32 to vector<16xf32>
    %swap3A = arith.constant 0 : index
    %swap3A_4 = tpu.vector_load %arg11[%swap3A] {strides = array<i32>} : memref<128xf32, #tpu.memory_space<vmem>>, vector<16xf32>,
    %swap3A_5 = vector.shape_cast %swap3A_4 : vector<16xf32> to vector<16xf32>
    %swap3A_6 = vector.shape_cast %broadcast_in_dim3A_3 : vector<16xf32> to vector<16xf32>
    tpu.vector_store %arg11[%swap3A], %swap3A_6 {strides = array<i32>} : memref<128xf32, #tpu.memory_space<vmem>>, vector<16xf32>,
    %broadcast_in_dim3A_7 = arith.constant 1.000000e+00 : f32
    %broadcast_in_dim3A_8 = vector.broadcast %broadcast_in_dim3A_7 : f32 to vector<16xf32>
    %swap3A_9 = arith.constant 16 : index
    %swap3A_10 = tpu.vector_load %arg11[%swap3A_9] {strides = array<i32>} : memref<128xf32, #tpu.memory_space<vmem>>, vector<16xf32>,
    %swap3A_11 = vector.shape_cast %swap3A_10 : vector<16xf32> to vector<16xf32>
    %swap3A_12 = vector.shape_cast %broadcast_in_dim3A_8 : vector<16xf32> to vector<16xf32>
    tpu.vector_store %arg11[%swap3A_9], %swap3A_12 {strides = array<i32>} : memref<128xf32, #tpu.memory_space<vmem>>, vector<16xf32>,
    %broadcast_in_dim3A_13 = arith.constant 1.000000e+00 : f32
    %broadcast_in_dim3A_14 = vector.broadcast %broadcast_in_dim3A_13 : f32 to vector<16xf32>
    %swap3A_15 = arith.constant 32 : index
    %swap3A_16 = tpu.vector_load %arg11[%swap3A_15] {strides = array<i32>} : memref<128xf32, #tpu.memory_space<vmem>>, vector<16xf32>,
    %swap3A_17 = vector.shape_cast %swap3A_16 : vector<16xf32> to vector<16xf32>
    %swap3A_18 = vector.shape_cast %broadcast_in_dim3A_14 : vector<16xf32> to vector<16xf32>
    tpu.vector_store %arg11[%swap3A_15], %swap3A_18 {strides = array<i32>} : memref<128xf32, #tpu.memory_space<vmem>>, vector<16xf32>,
    %broadcast_in_dim3A_19 = arith.constant 1.000000e+00 : f32
    %broadcast_in_dim3A_20 = vector.broadcast %broadcast_in_dim3A_19 : f32 to vector<16xf32>
    %swap3A_21 = arith.constant 48 : index
    %swap3A_22 = tpu.vector_load %arg11[%swap3A_21] {strides = array<i32>} : memref<128xf32, #tpu.memory_space<vmem>>, vector<16xf32>,
    %swap3A_23 = vector.shape_cast %swap3A_22 : vector<16xf32> to vector<16xf32>
    %swap3A_24 = vector.shape_cast %broadcast_in_dim3A_20 : vector<16xf32> to vector<16xf32>
    tpu.vector_store %arg11[%swap3A_21], %swap3A_24 {strides = array<i32>} : memref<128xf32, #tpu.memory_space<vmem>>, vector<16xf32>,
    %broadcast_in_dim3A_25 = arith.constant 1.000000e+00 : f32
    %broadcast_in_dim3A_26 = vector.broadcast %broadcast_in_dim3A_25 : f32 to vector<16xf32>
    %swap3A_27 = arith.constant 64 : index
    %swap3A_28 = tpu.vector_load %arg11[%swap3A_27] {strides = array<i32>} : memref<128xf32, #tpu.memory_space<vmem>>, vector<16xf32>,
    %swap3A_29 = vector.shape_cast %swap3A_28 : vector<16xf32> to vector<16xf32>
    %swap3A_30 = vector.shape_cast %broadcast_in_dim3A_26 : vector<16xf32> to vector<16xf32>
    tpu.vector_store %arg11[%swap3A_27], %swap3A_30 {strides = array<i32>} : memref<128xf32, #tpu.memory_space<vmem>>, vector<16xf32>,
    %broadcast_in_dim3A_31 = arith.constant 1.000000e+00 : f32
    %broadcast_in_dim3A_32 = vector.broadcast %broadcast_in_dim3A_31 : f32 to vector<16xf32>
    %swap3A_33 = arith.constant 80 : index
    %swap3A_34 = tpu.vector_load %arg11[%swap3A_33] {strides = array<i32>} : memref<128xf32, #tpu.memory_space<vmem>>, vector<16xf32>,
    %swap3A_35 = vector.shape_cast %swap3A_34 : vector<16xf32> to vector<16xf32>
    %swap3A_36 = vector.shape_cast %broadcast_in_dim3A_32 : vector<16xf32> to vector<16xf32>
    tpu.vector_store %arg11[%swap3A_33], %swap3A_36 {strides = array<i32>} : memref<128xf32, #tpu.memory_space<vmem>>, vector<16xf32>,
    %broadcast_in_dim3A_37 = arith.constant 1.000000e+00 : f32
    %broadcast_in_dim3A_38 = vector.broadcast %broadcast_in_dim3A_37 : f32 to vector<16xf32>
    %swap3A_39 = arith.constant 96 : index
    %swap3A_40 = tpu.vector_load %arg11[%swap3A_39] {strides = array<i32>} : memref<128xf32, #tpu.memory_space<vmem>>, vector<16xf32>,
    %swap3A_41 = vector.shape_cast %swap3A_40 : vector<16xf32> to vector<16xf32>
    %swap3A_42 = vector.shape_cast %broadcast_in_dim3A_38 : vector<16xf32> to vector<16xf32>
    tpu.vector_store %arg11[%swap3A_39], %swap3A_42 {strides = array<i32>} : memref<128xf32, #tpu.memory_space<vmem>>, vector<16xf32>,
    %broadcast_in_dim3A_43 = arith.constant 1.000000e+00 : f32
    %broadcast_in_dim3A_44 = vector.broadcast %broadcast_in_dim3A_43 : f32 to vector<16xf32>
    %swap3A_45 = arith.constant 112 : index
    %swap3A_46 = tpu.vector_load %arg11[%swap3A_45] {strides = array<i32>} : memref<128xf32, #tpu.memory_space<vmem>>, vector<16xf32>,
    %swap3A_47 = vector.shape_cast %swap3A_46 : vector<16xf32> to vector<16xf32>
    %swap3A_48 = vector.shape_cast %broadcast_in_dim3A_44 : vector<16xf32> to vector<16xf32>
    tpu.vector_store %arg11[%swap3A_45], %swap3A_48 {strides = array<i32>} : memref<128xf32, #tpu.memory_space<vmem>>, vector<16xf32>,
    %scan3A = arith.constant 0 : i32
    %scan3A_49 = arith.constant 0 : i32
    %scan3A_50 = arith.constant 64 : i32
    %scan3A_51 = arith.addi %scan3A_49, %scan3A_50 : i32
    %scan3A_52 = arith.constant 1 : i32
    scf.for %scan3A_161 = %scan3A_49 to %scan3A_51 step %scan3A_52  : i32 {
      %broadcast_in_dim3A_162 = arith.constant 0.000000e+00 : f32
      %broadcast_in_dim3A_163 = vector.broadcast %broadcast_in_dim3A_162 : f32 to vector<16xf32>
      %swap3A_164 = arith.index_cast %scan3A_161 : i32 to index
      %swap3A_165 = arith.constant 0 : index
      %swap3A_166 = tpu.vector_load %arg13[%swap3A_164, %swap3A_165] {strides = array<i32>} : memref<64x64xf32, #tpu.memory_space<vmem>>, vector<1x16xf32>,
      %swap3A_167 = vector.shape_cast %swap3A_166 : vector<1x16xf32> to vector<16xf32>
      %swap3A_168 = vector.shape_cast %broadcast_in_dim3A_163 : vector<16xf32> to vector<1x16xf32>
      tpu.vector_store %arg13[%swap3A_164, %swap3A_165], %swap3A_168 {strides = array<i32>} : memref<64x64xf32, #tpu.memory_space<vmem>>, vector<1x16xf32>,
      %broadcast_in_dim3A_169 = arith.constant 0.000000e+00 : f32
      %broadcast_in_dim3A_170 = vector.broadcast %broadcast_in_dim3A_169 : f32 to vector<16xf32>
      %swap3A_171 = arith.index_cast %scan3A_161 : i32 to index
      %swap3A_172 = arith.constant 16 : index
      %swap3A_173 = tpu.vector_load %arg13[%swap3A_171, %swap3A_172] {strides = array<i32>} : memref<64x64xf32, #tpu.memory_space<vmem>>, vector<1x16xf32>,
      %swap3A_174 = vector.shape_cast %swap3A_173 : vector<1x16xf32> to vector<16xf32>
      %swap3A_175 = vector.shape_cast %broadcast_in_dim3A_170 : vector<16xf32> to vector<1x16xf32>
      tpu.vector_store %arg13[%swap3A_171, %swap3A_172], %swap3A_175 {strides = array<i32>} : memref<64x64xf32, #tpu.memory_space<vmem>>, vector<1x16xf32>,
      %broadcast_in_dim3A_176 = arith.constant 0.000000e+00 : f32
      %broadcast_in_dim3A_177 = vector.broadcast %broadcast_in_dim3A_176 : f32 to vector<16xf32>
      %swap3A_178 = arith.index_cast %scan3A_161 : i32 to index
      %swap3A_179 = arith.constant 32 : index
      %swap3A_180 = tpu.vector_load %arg13[%swap3A_178, %swap3A_179] {strides = array<i32>} : memref<64x64xf32, #tpu.memory_space<vmem>>, vector<1x16xf32>,
      %swap3A_181 = vector.shape_cast %swap3A_180 : vector<1x16xf32> to vector<16xf32>
      %swap3A_182 = vector.shape_cast %broadcast_in_dim3A_177 : vector<16xf32> to vector<1x16xf32>
      tpu.vector_store %arg13[%swap3A_178, %swap3A_179], %swap3A_182 {strides = array<i32>} : memref<64x64xf32, #tpu.memory_space<vmem>>, vector<1x16xf32>,
      %broadcast_in_dim3A_183 = arith.constant 0.000000e+00 : f32
      %broadcast_in_dim3A_184 = vector.broadcast %broadcast_in_dim3A_183 : f32 to vector<16xf32>
      %swap3A_185 = arith.index_cast %scan3A_161 : i32 to index
      %swap3A_186 = arith.constant 48 : index
      %swap3A_187 = tpu.vector_load %arg13[%swap3A_185, %swap3A_186] {strides = array<i32>} : memref<64x64xf32, #tpu.memory_space<vmem>>, vector<1x16xf32>,
      %swap3A_188 = vector.shape_cast %swap3A_187 : vector<1x16xf32> to vector<16xf32>
      %swap3A_189 = vector.shape_cast %broadcast_in_dim3A_184 : vector<16xf32> to vector<1x16xf32>
      tpu.vector_store %arg13[%swap3A_185, %swap3A_186], %swap3A_189 {strides = array<i32>} : memref<64x64xf32, #tpu.memory_space<vmem>>, vector<1x16xf32>,
    }
    %scan3A_53 = arith.constant 64 : i32
    %scan3A_54 = arith.constant 0 : i32
    %scan3A_55 = arith.constant 0 : i32
    %scan3A_56 = arith.constant 158 : i32
    %scan3A_57 = arith.addi %scan3A_55, %scan3A_56 : i32
    %scan3A_58 = arith.constant 1 : i32
    scf.for %scan3A_161 = %scan3A_55 to %scan3A_57 step %scan3A_58  : i32 {
      %get3A = arith.index_cast %scan3A_161 : i32 to index
      %get3A_162 = arith.constant 0 : index
      %get3A_163 = tpu.vector_load %arg8[%get3A, %get3A_162] {strides = array<i32>} : memref<158x128xi32, #tpu.memory_space<vmem>>, vector<1x16xi32>,
      %get3A_164 = vector.shape_cast %get3A_163 : vector<1x16xi32> to vector<16xi32>
      %add3A = vector.broadcast %mul3A_0 : i32 to vector<16xi32>
      %add3A_165 = arith.addi %get3A_164, %add3A : vector<16xi32>
      %swap3A_166 = arith.index_cast %scan3A_161 : i32 to index
      %swap3A_167 = arith.constant 0 : index
      %swap3A_168 = tpu.vector_load %arg8[%swap3A_166, %swap3A_167] {strides = array<i32>} : memref<158x128xi32, #tpu.memory_space<vmem>>, vector<1x16xi32>,
      %swap3A_169 = vector.shape_cast %swap3A_168 : vector<1x16xi32> to vector<16xi32>
      %swap3A_170 = vector.shape_cast %add3A_165 : vector<16xi32> to vector<1x16xi32>
      tpu.vector_store %arg8[%swap3A_166, %swap3A_167], %swap3A_170 {strides = array<i32>} : memref<158x128xi32, #tpu.memory_space<vmem>>, vector<1x16xi32>,
      %get3A_171 = arith.index_cast %scan3A_161 : i32 to index
      %get3A_172 = arith.constant 16 : index
      %get3A_173 = tpu.vector_load %arg8[%get3A_171, %get3A_172] {strides = array<i32>} : memref<158x128xi32, #tpu.memory_space<vmem>>, vector<1x16xi32>,
      %get3A_174 = vector.shape_cast %get3A_173 : vector<1x16xi32> to vector<16xi32>
      %add3A_175 = vector.broadcast %mul3A_0 : i32 to vector<16xi32>
      %add3A_176 = arith.addi %get3A_174, %add3A_175 : vector<16xi32>
      %swap3A_177 = arith.index_cast %scan3A_161 : i32 to index
      %swap3A_178 = arith.constant 16 : index
      %swap3A_179 = tpu.vector_load %arg8[%swap3A_177, %swap3A_178] {strides = array<i32>} : memref<158x128xi32, #tpu.memory_space<vmem>>, vector<1x16xi32>,
      %swap3A_180 = vector.shape_cast %swap3A_179 : vector<1x16xi32> to vector<16xi32>
      %swap3A_181 = vector.shape_cast %add3A_176 : vector<16xi32> to vector<1x16xi32>
      tpu.vector_store %arg8[%swap3A_177, %swap3A_178], %swap3A_181 {strides = array<i32>} : memref<158x128xi32, #tpu.memory_space<vmem>>, vector<1x16xi32>,
      %get3A_182 = arith.index_cast %scan3A_161 : i32 to index
      %get3A_183 = arith.constant 32 : index
      %get3A_184 = tpu.vector_load %arg8[%get3A_182, %get3A_183] {strides = array<i32>} : memref<158x128xi32, #tpu.memory_space<vmem>>, vector<1x16xi32>,
      %get3A_185 = vector.shape_cast %get3A_184 : vector<1x16xi32> to vector<16xi32>
      %add3A_186 = vector.broadcast %mul3A_0 : i32 to vector<16xi32>
      %add3A_187 = arith.addi %get3A_185, %add3A_186 : vector<16xi32>
      %swap3A_188 = arith.index_cast %scan3A_161 : i32 to index
      %swap3A_189 = arith.constant 32 : index
      %swap3A_190 = tpu.vector_load %arg8[%swap3A_188, %swap3A_189] {strides = array<i32>} : memref<158x128xi32, #tpu.memory_space<vmem>>, vector<1x16xi32>,
      %swap3A_191 = vector.shape_cast %swap3A_190 : vector<1x16xi32> to vector<16xi32>
      %swap3A_192 = vector.shape_cast %add3A_187 : vector<16xi32> to vector<1x16xi32>
      tpu.vector_store %arg8[%swap3A_188, %swap3A_189], %swap3A_192 {strides = array<i32>} : memref<158x128xi32, #tpu.memory_space<vmem>>, vector<1x16xi32>,
      %get3A_193 = arith.index_cast %scan3A_161 : i32 to index
      %get3A_194 = arith.constant 48 : index
      %get3A_195 = tpu.vector_load %arg8[%get3A_193, %get3A_194] {strides = array<i32>} : memref<158x128xi32, #tpu.memory_space<vmem>>, vector<1x16xi32>,
      %get3A_196 = vector.shape_cast %get3A_195 : vector<1x16xi32> to vector<16xi32>
      %add3A_197 = vector.broadcast %mul3A_0 : i32 to vector<16xi32>
      %add3A_198 = arith.addi %get3A_196, %add3A_197 : vector<16xi32>
      %swap3A_199 = arith.index_cast %scan3A_161 : i32 to index
      %swap3A_200 = arith.constant 48 : index
      %swap3A_201 = tpu.vector_load %arg8[%swap3A_199, %swap3A_200] {strides = array<i32>} : memref<158x128xi32, #tpu.memory_space<vmem>>, vector<1x16xi32>,
      %swap3A_202 = vector.shape_cast %swap3A_201 : vector<1x16xi32> to vector<16xi32>
      %swap3A_203 = vector.shape_cast %add3A_198 : vector<16xi32> to vector<1x16xi32>
      tpu.vector_store %arg8[%swap3A_199, %swap3A_200], %swap3A_203 {strides = array<i32>} : memref<158x128xi32, #tpu.memory_space<vmem>>, vector<1x16xi32>,
      %get3A_204 = arith.index_cast %scan3A_161 : i32 to index
      %get3A_205 = arith.constant 64 : index
      %get3A_206 = tpu.vector_load %arg8[%get3A_204, %get3A_205] {strides = array<i32>} : memref<158x128xi32, #tpu.memory_space<vmem>>, vector<1x16xi32>,
      %get3A_207 = vector.shape_cast %get3A_206 : vector<1x16xi32> to vector<16xi32>
      %add3A_208 = vector.broadcast %mul3A_0 : i32 to vector<16xi32>
      %add3A_209 = arith.addi %get3A_207, %add3A_208 : vector<16xi32>
      %swap3A_210 = arith.index_cast %scan3A_161 : i32 to index
      %swap3A_211 = arith.constant 64 : index
      %swap3A_212 = tpu.vector_load %arg8[%swap3A_210, %swap3A_211] {strides = array<i32>} : memref<158x128xi32, #tpu.memory_space<vmem>>, vector<1x16xi32>,
      %swap3A_213 = vector.shape_cast %swap3A_212 : vector<1x16xi32> to vector<16xi32>
      %swap3A_214 = vector.shape_cast %add3A_209 : vector<16xi32> to vector<1x16xi32>
      tpu.vector_store %arg8[%swap3A_210, %swap3A_211], %swap3A_214 {strides = array<i32>} : memref<158x128xi32, #tpu.memory_space<vmem>>, vector<1x16xi32>,
      %get3A_215 = arith.index_cast %scan3A_161 : i32 to index
      %get3A_216 = arith.constant 80 : index
      %get3A_217 = tpu.vector_load %arg8[%get3A_215, %get3A_216] {strides = array<i32>} : memref<158x128xi32, #tpu.memory_space<vmem>>, vector<1x16xi32>,
      %get3A_218 = vector.shape_cast %get3A_217 : vector<1x16xi32> to vector<16xi32>
      %add3A_219 = vector.broadcast %mul3A_0 : i32 to vector<16xi32>
      %add3A_220 = arith.addi %get3A_218, %add3A_219 : vector<16xi32>
      %swap3A_221 = arith.index_cast %scan3A_161 : i32 to index
      %swap3A_222 = arith.constant 80 : index
      %swap3A_223 = tpu.vector_load %arg8[%swap3A_221, %swap3A_222] {strides = array<i32>} : memref<158x128xi32, #tpu.memory_space<vmem>>, vector<1x16xi32>,
      %swap3A_224 = vector.shape_cast %swap3A_223 : vector<1x16xi32> to vector<16xi32>
      %swap3A_225 = vector.shape_cast %add3A_220 : vector<16xi32> to vector<1x16xi32>
      tpu.vector_store %arg8[%swap3A_221, %swap3A_222], %swap3A_225 {strides = array<i32>} : memref<158x128xi32, #tpu.memory_space<vmem>>, vector<1x16xi32>,
      %get3A_226 = arith.index_cast %scan3A_161 : i32 to index
      %get3A_227 = arith.constant 96 : index
      %get3A_228 = tpu.vector_load %arg8[%get3A_226, %get3A_227] {strides = array<i32>} : memref<158x128xi32, #tpu.memory_space<vmem>>, vector<1x16xi32>,
      %get3A_229 = vector.shape_cast %get3A_228 : vector<1x16xi32> to vector<16xi32>
      %add3A_230 = vector.broadcast %mul3A_0 : i32 to vector<16xi32>
      %add3A_231 = arith.addi %get3A_229, %add3A_230 : vector<16xi32>
      %swap3A_232 = arith.index_cast %scan3A_161 : i32 to index
      %swap3A_233 = arith.constant 96 : index
      %swap3A_234 = tpu.vector_load %arg8[%swap3A_232, %swap3A_233] {strides = array<i32>} : memref<158x128xi32, #tpu.memory_space<vmem>>, vector<1x16xi32>,
      %swap3A_235 = vector.shape_cast %swap3A_234 : vector<1x16xi32> to vector<16xi32>
      %swap3A_236 = vector.shape_cast %add3A_231 : vector<16xi32> to vector<1x16xi32>
      tpu.vector_store %arg8[%swap3A_232, %swap3A_233], %swap3A_236 {strides = array<i32>} : memref<158x128xi32, #tpu.memory_space<vmem>>, vector<1x16xi32>,
      %get3A_237 = arith.index_cast %scan3A_161 : i32 to index
      %get3A_238 = arith.constant 112 : index
      %get3A_239 = tpu.vector_load %arg8[%get3A_237, %get3A_238] {strides = array<i32>} : memref<158x128xi32, #tpu.memory_space<vmem>>, vector<1x16xi32>,
      %get3A_240 = vector.shape_cast %get3A_239 : vector<1x16xi32> to vector<16xi32>
      %add3A_241 = vector.broadcast %mul3A_0 : i32 to vector<16xi32>
      %add3A_242 = arith.addi %get3A_240, %add3A_241 : vector<16xi32>
      %swap3A_243 = arith.index_cast %scan3A_161 : i32 to index
      %swap3A_244 = arith.constant 112 : index
      %swap3A_245 = tpu.vector_load %arg8[%swap3A_243, %swap3A_244] {strides = array<i32>} : memref<158x128xi32, #tpu.memory_space<vmem>>, vector<1x16xi32>,
      %swap3A_246 = vector.shape_cast %swap3A_245 : vector<1x16xi32> to vector<16xi32>
      %swap3A_247 = vector.shape_cast %add3A_242 : vector<16xi32> to vector<1x16xi32>
      tpu.vector_store %arg8[%swap3A_243, %swap3A_244], %swap3A_247 {strides = array<i32>} : memref<158x128xi32, #tpu.memory_space<vmem>>, vector<1x16xi32>,
    }
    %scan3A_59 = arith.constant 158 : i32
    %scan3A_60 = arith.constant 0 : i32
    %scan3A_61 = arith.constant 0 : i32
    %scan3A_62 = arith.constant 10 : i32
    %scan3A_63 = arith.addi %scan3A_61, %scan3A_62 : i32
    %scan3A_64 = arith.constant 1 : i32
    scf.for %scan3A_161 = %scan3A_61 to %scan3A_63 step %scan3A_64  : i32 {
      %mul3A_162 = arith.constant 64 : i32
      %mul3A_163 = arith.muli %scan3A_161, %mul3A_162 : i32
      %add3A = arith.addi %mul3A_2, %mul3A_163 : i32
      "tpu.region"() ({
        %run_scoped3A_165 = tpu.sem_alloc : memref<!tpu.dma_semaphore, #tpu.memory_space<semaphore_mem>>
        %dma_start3A_166 = arith.constant 0 : i32
        %dma_start3A_167 = tpu.memref_slice %arg14[%add3A, %dma_start3A_166] : memref<10240x64xf32, #tpu.memory_space<vmem_shared>> -> memref<64x64xf32, #tpu.memory_space<vmem_shared>>
        %dma_start3A_168 = arith.constant 0 : i32
        %dma_start3A_169 = tpu.memref_slice %arg14[%add3A, %dma_start3A_168] : memref<10240x64xf32, #tpu.memory_space<vmem_shared>> -> memref<64x64xf32, #tpu.memory_space<vmem_shared>>
        tpu.enqueue_dma source(%arg13 : memref<64x64xf32, #tpu.memory_space<vmem>>) target(%dma_start3A_169 : memref<64x64xf32, #tpu.memory_space<vmem_shared>>) target_semaphore(%run_scoped3A_165 : memref<!tpu.dma_semaphore, #tpu.memory_space<semaphore_mem>>)
        %dma_wait3A_170 = arith.constant 0 : i32
        %dma_wait3A_171 = tpu.memref_slice %arg14[%add3A, %dma_wait3A_170] : memref<10240x64xf32, #tpu.memory_space<vmem_shared>> -> memref<64x64xf32, #tpu.memory_space<vmem_shared>>
        %dma_wait3A_172 = arith.constant 0 : i32
        %dma_wait3A_173 = tpu.memref_slice %arg14[%add3A, %dma_wait3A_172] : memref<10240x64xf32, #tpu.memory_space<vmem_shared>> -> memref<64x64xf32, #tpu.memory_space<vmem_shared>>
        tpu.wait_dma2 semaphore(%run_scoped3A_165 : memref<!tpu.dma_semaphore, #tpu.memory_space<semaphore_mem>>) src(%arg13 : memref<64x64xf32, #tpu.memory_space<vmem>>) dst(%dma_wait3A_173 : memref<64x64xf32, #tpu.memory_space<vmem_shared>>)
        tpu.yield
      }) : () -> ()
      %run_scoped3A = arith.constant 0 : i32
      "tpu.region"() ({
        %run_scoped3A_165 = tpu.sem_alloc : memref<!tpu.dma_semaphore, #tpu.memory_space<semaphore_mem>>
        %dma_start3A_166 = arith.constant 0 : i32
        %dma_start3A_167 = tpu.memref_slice %arg13[%run_scoped3A, %dma_start3A_166] : memref<64x64xf32, #tpu.memory_space<vmem>> -> memref<1x64xf32, #tpu.memory_space<vmem>>
        %dma_start3A_168 = tpu.memref_squeeze %dma_start3A_167 : memref<1x64xf32, #tpu.memory_space<vmem>> -> memref<64xf32, #tpu.memory_space<vmem>>
        %dma_start3A_169 = tpu.memref_slice %arg15[%add3A] : memref<10240xf32, #tpu.memory_space<vmem_shared>> -> memref<64xf32, #tpu.memory_space<vmem_shared>>
        %dma_start3A_170 = tpu.memref_slice %arg15[%add3A] : memref<10240xf32, #tpu.memory_space<vmem_shared>> -> memref<64xf32, #tpu.memory_space<vmem_shared>>
        %dma_start3A_171 = arith.constant 0 : i32
        %dma_start3A_172 = tpu.memref_slice %arg13[%run_scoped3A, %dma_start3A_171] : memref<64x64xf32, #tpu.memory_space<vmem>> -> memref<1x64xf32, #tpu.memory_space<vmem>>
        %dma_start3A_173 = tpu.memref_squeeze %dma_start3A_172 : memref<1x64xf32, #tpu.memory_space<vmem>> -> memref<64xf32, #tpu.memory_space<vmem>>
        tpu.enqueue_dma source(%dma_start3A_173 : memref<64xf32, #tpu.memory_space<vmem>>) target(%dma_start3A_170 : memref<64xf32, #tpu.memory_space<vmem_shared>>) target_semaphore(%run_scoped3A_165 : memref<!tpu.dma_semaphore, #tpu.memory_space<semaphore_mem>>)
        %dma_wait3A_174 = arith.constant 0 : i32
        %dma_wait3A_175 = tpu.memref_slice %arg13[%run_scoped3A, %dma_wait3A_174] : memref<64x64xf32, #tpu.memory_space<vmem>> -> memref<1x64xf32, #tpu.memory_space<vmem>>
        %dma_wait3A_176 = tpu.memref_squeeze %dma_wait3A_175 : memref<1x64xf32, #tpu.memory_space<vmem>> -> memref<64xf32, #tpu.memory_space<vmem>>
        %dma_wait3A_177 = tpu.memref_slice %arg15[%add3A] : memref<10240xf32, #tpu.memory_space<vmem_shared>> -> memref<64xf32, #tpu.memory_space<vmem_shared>>
        %dma_wait3A_178 = tpu.memref_slice %arg15[%add3A] : memref<10240xf32, #tpu.memory_space<vmem_shared>> -> memref<64xf32, #tpu.memory_space<vmem_shared>>
        %dma_wait3A_179 = arith.constant 0 : i32
        %dma_wait3A_180 = tpu.memref_slice %arg13[%run_scoped3A, %dma_wait3A_179] : memref<64x64xf32, #tpu.memory_space<vmem>> -> memref<1x64xf32, #tpu.memory_space<vmem>>
        %dma_wait3A_181 = tpu.memref_squeeze %dma_wait3A_180 : memref<1x64xf32, #tpu.memory_space<vmem>> -> memref<64xf32, #tpu.memory_space<vmem>>
        tpu.wait_dma2 semaphore(%run_scoped3A_165 : memref<!tpu.dma_semaphore, #tpu.memory_space<semaphore_mem>>) src(%dma_wait3A_181 : memref<64xf32, #tpu.memory_space<vmem>>) dst(%dma_wait3A_178 : memref<64xf32, #tpu.memory_space<vmem_shared>>)
        tpu.yield
      }) : () -> ()
      %run_scoped3A_164 = arith.constant 0 : i32
      "tpu.region"() ({
        %run_scoped3A_165 = tpu.sem_alloc : memref<!tpu.dma_semaphore, #tpu.memory_space<semaphore_mem>>
        %dma_start3A_166 = arith.constant 0 : i32
        %dma_start3A_167 = tpu.memref_slice %arg13[%run_scoped3A_164, %dma_start3A_166] : memref<64x64xf32, #tpu.memory_space<vmem>> -> memref<1x64xf32, #tpu.memory_space<vmem>>
        %dma_start3A_168 = tpu.memref_squeeze %dma_start3A_167 : memref<1x64xf32, #tpu.memory_space<vmem>> -> memref<64xf32, #tpu.memory_space<vmem>>
        %dma_start3A_169 = tpu.memref_slice %arg16[%add3A] : memref<10240xf32, #tpu.memory_space<vmem_shared>> -> memref<64xf32, #tpu.memory_space<vmem_shared>>
        %dma_start3A_170 = tpu.memref_slice %arg16[%add3A] : memref<10240xf32, #tpu.memory_space<vmem_shared>> -> memref<64xf32, #tpu.memory_space<vmem_shared>>
        %dma_start3A_171 = arith.constant 0 : i32
        %dma_start3A_172 = tpu.memref_slice %arg13[%run_scoped3A_164, %dma_start3A_171] : memref<64x64xf32, #tpu.memory_space<vmem>> -> memref<1x64xf32, #tpu.memory_space<vmem>>
        %dma_start3A_173 = tpu.memref_squeeze %dma_start3A_172 : memref<1x64xf32, #tpu.memory_space<vmem>> -> memref<64xf32, #tpu.memory_space<vmem>>
        tpu.enqueue_dma source(%dma_start3A_173 : memref<64xf32, #tpu.memory_space<vmem>>) target(%dma_start3A_170 : memref<64xf32, #tpu.memory_space<vmem_shared>>) target_semaphore(%run_scoped3A_165 : memref<!tpu.dma_semaphore, #tpu.memory_space<semaphore_mem>>)
        %dma_wait3A_174 = arith.constant 0 : i32
        %dma_wait3A_175 = tpu.memref_slice %arg13[%run_scoped3A_164, %dma_wait3A_174] : memref<64x64xf32, #tpu.memory_space<vmem>> -> memref<1x64xf32, #tpu.memory_space<vmem>>
        %dma_wait3A_176 = tpu.memref_squeeze %dma_wait3A_175 : memref<1x64xf32, #tpu.memory_space<vmem>> -> memref<64xf32, #tpu.memory_space<vmem>>
        %dma_wait3A_177 = tpu.memref_slice %arg16[%add3A] : memref<10240xf32, #tpu.memory_space<vmem_shared>> -> memref<64xf32, #tpu.memory_space<vmem_shared>>
        %dma_wait3A_178 = tpu.memref_slice %arg16[%add3A] : memref<10240xf32, #tpu.memory_space<vmem_shared>> -> memref<64xf32, #tpu.memory_space<vmem_shared>>
        %dma_wait3A_179 = arith.constant 0 : i32
        %dma_wait3A_180 = tpu.memref_slice %arg13[%run_scoped3A_164, %dma_wait3A_179] : memref<64x64xf32, #tpu.memory_space<vmem>> -> memref<1x64xf32, #tpu.memory_space<vmem>>
        %dma_wait3A_181 = tpu.memref_squeeze %dma_wait3A_180 : memref<1x64xf32, #tpu.memory_space<vmem>> -> memref<64xf32, #tpu.memory_space<vmem>>
        tpu.wait_dma2 semaphore(%run_scoped3A_165 : memref<!tpu.dma_semaphore, #tpu.memory_space<semaphore_mem>>) src(%dma_wait3A_181 : memref<64xf32, #tpu.memory_space<vmem>>) dst(%dma_wait3A_178 : memref<64xf32, #tpu.memory_space<vmem_shared>>)
        tpu.yield
      }) : () -> ()
    }
    %scan3A_65 = arith.constant 10 : i32
    "tpu.trace_stop"() : () -> ()
    %barrier3A = arith.constant 0 : index
    tpu.barrier barrier_id(%barrier3A)
    %dma_start3A = arith.constant 0 : i32
    %dma_start3A_66 = arith.constant 0 : i32
    "tpu.trace_start"() <{level = 10 : i32, message = "sc_pass1"}> : () -> ()
    %dma_start3A_67 = arith.constant 0 : i32
    %dma_start3A_68 = arith.constant 0 : i32
    %dma_start3A_69 = tpu.memref_slice %arg10[%dma_start3A_66, %dma_start3A_67, %dma_start3A_68] : memref<2x128x64xf32, #tpu.memory_space<vmem>> -> memref<1x128x64xf32, #tpu.memory_space<vmem>>
    %dma_start3A_70 = tpu.memref_squeeze %dma_start3A_69 : memref<1x128x64xf32, #tpu.memory_space<vmem>> -> memref<128x64xf32, #tpu.memory_space<vmem>>
    %dma_start3A_71 = arith.constant 0 : i32
    %dma_start3A_72 = tpu.memref_slice %arg8[%dma_start3A, %dma_start3A_71] : memref<158x128xi32, #tpu.memory_space<vmem>> -> memref<1x128xi32, #tpu.memory_space<vmem>>
    %dma_start3A_73 = tpu.memref_squeeze %dma_start3A_72 : memref<1x128xi32, #tpu.memory_space<vmem>> -> memref<128xi32, #tpu.memory_space<vmem>>
    %dma_start3A_74 = arith.constant 0 : i32
    %dma_start3A_75 = arith.constant 0 : i32
    %dma_start3A_76 = tpu.memref_slice %arg2[%dma_start3A_74, %dma_start3A_75] : memref<20480x64xf32, #tpu.memory_space<hbm>> -> memref<20480x64xf32, #tpu.memory_space<hbm>>
    tpu.enqueue_indirect_dma source(%dma_start3A_76 : memref<20480x64xf32, #tpu.memory_space<hbm>>) target(%dma_start3A_70 : memref<128x64xf32, #tpu.memory_space<vmem>>) offsets(%dma_start3A_73 : memref<128xi32, #tpu.memory_space<vmem>>) semaphore(%arg17 : memref<!tpu.dma_semaphore, #tpu.memory_space<semaphore_mem>>)
    %scan3A_77 = arith.constant 0 : i32
    %scan3A_78 = arith.constant 0 : i32
    %scan3A_79 = arith.constant 79 : i32
    %scan3A_80 = arith.addi %scan3A_78, %scan3A_79 : i32
    %scan3A_81 = arith.constant 1 : i32
    scf.for %scan3A_161 = %scan3A_78 to %scan3A_80 step %scan3A_81  : i32 {
      %mul3A_162 = arith.constant 2 : i32
      %mul3A_163 = arith.muli %mul3A_162, %scan3A_161 : i32
      %add3A = arith.constant 0 : i32
      %add3A_164 = arith.addi %mul3A_163, %add3A : i32
      %dma_wait3A_165 = arith.constant 0 : i32
      %dma_wait3A_166 = arith.constant 0 : i32
      %dma_wait3A_167 = arith.constant 0 : i32
      %dma_wait3A_168 = tpu.memref_slice %arg10[%dma_wait3A_165, %dma_wait3A_166, %dma_wait3A_167] : memref<2x128x64xf32, #tpu.memory_space<vmem>> -> memref<1x128x64xf32, #tpu.memory_space<vmem>>
      %dma_wait3A_169 = tpu.memref_squeeze %dma_wait3A_168 : memref<1x128x64xf32, #tpu.memory_space<vmem>> -> memref<128x64xf32, #tpu.memory_space<vmem>>
      %dma_wait3A_170 = arith.constant 0 : i32
      %dma_wait3A_171 = tpu.memref_slice %arg8[%add3A_164, %dma_wait3A_170] : memref<158x128xi32, #tpu.memory_space<vmem>> -> memref<1x128xi32, #tpu.memory_space<vmem>>
      %dma_wait3A_172 = tpu.memref_squeeze %dma_wait3A_171 : memref<1x128xi32, #tpu.memory_space<vmem>> -> memref<128xi32, #tpu.memory_space<vmem>>
      %dma_wait3A_173 = arith.constant 0 : i32
      %dma_wait3A_174 = arith.constant 0 : i32
      %dma_wait3A_175 = tpu.memref_slice %arg2[%dma_wait3A_173, %dma_wait3A_174] : memref<20480x64xf32, #tpu.memory_space<hbm>> -> memref<20480x64xf32, #tpu.memory_space<hbm>>
      tpu.wait_indirect_dma semaphore(%arg17 : memref<!tpu.dma_semaphore, #tpu.memory_space<semaphore_mem>>) src(%dma_wait3A_175 : memref<20480x64xf32, #tpu.memory_space<hbm>>) dst(%dma_wait3A_169 : memref<128x64xf32, #tpu.memory_space<vmem>>)
      %ge3A = arith.constant 1 : i32
      %ge3A_176 = arith.cmpi sge, %add3A_164, %ge3A : i32
      %convert_element_type3A_177 = arith.extui %ge3A_176 : i1 to i32
      %cond3A_178 = arith.constant 0 : i32
      %cond3A_179 = arith.cmpi ne, %convert_element_type3A_177, %cond3A_178 : i32
      scf.if %cond3A_179 {
        %sub3A = arith.constant 1 : i32
        %sub3A_255 = arith.subi %add3A_164, %sub3A : i32
        %dma_wait3A_256 = arith.constant 1 : i32
        %dma_wait3A_257 = arith.constant 0 : i32
        %dma_wait3A_258 = arith.constant 0 : i32
        %dma_wait3A_259 = tpu.memref_slice %arg10[%dma_wait3A_256, %dma_wait3A_257, %dma_wait3A_258] : memref<2x128x64xf32, #tpu.memory_space<vmem>> -> memref<1x128x64xf32, #tpu.memory_space<vmem>>
        %dma_wait3A_260 = tpu.memref_squeeze %dma_wait3A_259 : memref<1x128x64xf32, #tpu.memory_space<vmem>> -> memref<128x64xf32, #tpu.memory_space<vmem>>
        %dma_wait3A_261 = arith.constant 0 : i32
        %dma_wait3A_262 = tpu.memref_slice %arg9[%sub3A_255, %dma_wait3A_261] : memref<158x128xi32, #tpu.memory_space<vmem>> -> memref<1x128xi32, #tpu.memory_space<vmem>>
        %dma_wait3A_263 = tpu.memref_squeeze %dma_wait3A_262 : memref<1x128xi32, #tpu.memory_space<vmem>> -> memref<128xi32, #tpu.memory_space<vmem>>
        %dma_wait3A_264 = arith.constant 0 : i32
        %dma_wait3A_265 = arith.constant 0 : i32
        %dma_wait3A_266 = tpu.memref_slice %arg14[%dma_wait3A_264, %dma_wait3A_265] : memref<10240x64xf32, #tpu.memory_space<vmem_shared>> -> memref<10240x64xf32, #tpu.memory_space<vmem_shared>>
        tpu.wait_indirect_dma semaphore(%arg18 : memref<!tpu.dma_semaphore, #tpu.memory_space<semaphore_mem>>) src(%dma_wait3A_260 : memref<128x64xf32, #tpu.memory_space<vmem>>) dst(%dma_wait3A_266 : memref<10240x64xf32, #tpu.memory_space<vmem_shared>>)
      } else {
      }
      %add3A_180 = arith.constant 1 : i32
      %add3A_181 = arith.addi %add3A_164, %add3A_180 : i32
      %lt3A = arith.constant 158 : i32
      %lt3A_182 = arith.cmpi slt, %add3A_181, %lt3A : i32
      %convert_element_type3A_183 = arith.extui %lt3A_182 : i1 to i32
      %cond3A_184 = arith.constant 0 : i32
      %cond3A_185 = arith.cmpi ne, %convert_element_type3A_183, %cond3A_184 : i32
      scf.if %cond3A_185 {
        %add3A_255 = arith.constant 1 : i32
        %add3A_256 = arith.addi %add3A_164, %add3A_255 : i32
        %dma_start3A_257 = arith.constant 1 : i32
        %dma_start3A_258 = arith.constant 0 : i32
        %dma_start3A_259 = arith.constant 0 : i32
        %dma_start3A_260 = tpu.memref_slice %arg10[%dma_start3A_257, %dma_start3A_258, %dma_start3A_259] : memref<2x128x64xf32, #tpu.memory_space<vmem>> -> memref<1x128x64xf32, #tpu.memory_space<vmem>>
        %dma_start3A_261 = tpu.memref_squeeze %dma_start3A_260 : memref<1x128x64xf32, #tpu.memory_space<vmem>> -> memref<128x64xf32, #tpu.memory_space<vmem>>
        %dma_start3A_262 = arith.constant 0 : i32
        %dma_start3A_263 = tpu.memref_slice %arg8[%add3A_256, %dma_start3A_262] : memref<158x128xi32, #tpu.memory_space<vmem>> -> memref<1x128xi32, #tpu.memory_space<vmem>>
        %dma_start3A_264 = tpu.memref_squeeze %dma_start3A_263 : memref<1x128xi32, #tpu.memory_space<vmem>> -> memref<128xi32, #tpu.memory_space<vmem>>
        %dma_start3A_265 = arith.constant 0 : i32
        %dma_start3A_266 = arith.constant 0 : i32
        %dma_start3A_267 = tpu.memref_slice %arg2[%dma_start3A_265, %dma_start3A_266] : memref<20480x64xf32, #tpu.memory_space<hbm>> -> memref<20480x64xf32, #tpu.memory_space<hbm>>
        tpu.enqueue_indirect_dma source(%dma_start3A_267 : memref<20480x64xf32, #tpu.memory_space<hbm>>) target(%dma_start3A_261 : memref<128x64xf32, #tpu.memory_space<vmem>>) offsets(%dma_start3A_264 : memref<128xi32, #tpu.memory_space<vmem>>) semaphore(%arg17 : memref<!tpu.dma_semaphore, #tpu.memory_space<semaphore_mem>>)
      } else {
      }
      %dma_start3A_186 = arith.constant 0 : i32
      %dma_start3A_187 = arith.constant 0 : i32
      %dma_start3A_188 = arith.constant 0 : i32
      %dma_start3A_189 = tpu.memref_slice %arg10[%dma_start3A_186, %dma_start3A_187, %dma_start3A_188] : memref<2x128x64xf32, #tpu.memory_space<vmem>> -> memref<1x128x64xf32, #tpu.memory_space<vmem>>
      %dma_start3A_190 = tpu.memref_squeeze %dma_start3A_189 : memref<1x128x64xf32, #tpu.memory_space<vmem>> -> memref<128x64xf32, #tpu.memory_space<vmem>>
      %dma_start3A_191 = arith.constant 0 : i32
      %dma_start3A_192 = tpu.memref_slice %arg9[%add3A_164, %dma_start3A_191] : memref<158x128xi32, #tpu.memory_space<vmem>> -> memref<1x128xi32, #tpu.memory_space<vmem>>
      %dma_start3A_193 = tpu.memref_squeeze %dma_start3A_192 : memref<1x128xi32, #tpu.memory_space<vmem>> -> memref<128xi32, #tpu.memory_space<vmem>>
      %dma_start3A_194 = arith.constant 0 : i32
      %dma_start3A_195 = arith.constant 0 : i32
      %dma_start3A_196 = tpu.memref_slice %arg14[%dma_start3A_194, %dma_start3A_195] : memref<10240x64xf32, #tpu.memory_space<vmem_shared>> -> memref<10240x64xf32, #tpu.memory_space<vmem_shared>>
      tpu.enqueue_indirect_dma source(%dma_start3A_190 : memref<128x64xf32, #tpu.memory_space<vmem>>) target(%dma_start3A_196 : memref<10240x64xf32, #tpu.memory_space<vmem_shared>>) offsets(%dma_start3A_193 : memref<128xi32, #tpu.memory_space<vmem>>) semaphore(%arg18 : memref<!tpu.dma_semaphore, #tpu.memory_space<semaphore_mem>>) {add = true}
      %dma_start3A_197 = arith.constant 0 : i32
      %dma_start3A_198 = tpu.memref_slice %arg9[%add3A_164, %dma_start3A_197] : memref<158x128xi32, #tpu.memory_space<vmem>> -> memref<1x128xi32, #tpu.memory_space<vmem>>
      %dma_start3A_199 = tpu.memref_squeeze %dma_start3A_198 : memref<1x128xi32, #tpu.memory_space<vmem>> -> memref<128xi32, #tpu.memory_space<vmem>>
      %dma_start3A_200 = arith.constant 0 : i32
      %dma_start3A_201 = tpu.memref_slice %arg15[%dma_start3A_200] : memref<10240xf32, #tpu.memory_space<vmem_shared>> -> memref<10240xf32, #tpu.memory_space<vmem_shared>>
      tpu.enqueue_indirect_dma source(%arg11 : memref<128xf32, #tpu.memory_space<vmem>>) target(%dma_start3A_201 : memref<10240xf32, #tpu.memory_space<vmem_shared>>) offsets(%dma_start3A_199 : memref<128xi32, #tpu.memory_space<vmem>>) semaphore(%arg19 : memref<!tpu.dma_semaphore, #tpu.memory_space<semaphore_mem>>) {add = true}
      %eq3A_202 = arith.constant 0 : i32
      %eq3A_203 = arith.cmpi eq, %arg0, %eq3A_202 : i32
      %convert_element_type3A_204 = arith.extui %eq3A_203 : i1 to i32
      %cond3A_205 = arith.constant 0 : i32
      %cond3A_206 = arith.cmpi ne, %convert_element_type3A_204, %cond3A_205 : i32
      scf.if %cond3A_206 {
        %dma_start3A_255 = arith.constant 0 : i32
        %dma_start3A_256 = tpu.memref_slice %arg8[%add3A_164, %dma_start3A_255] : memref<158x128xi32, #tpu.memory_space<vmem>> -> memref<1x128xi32, #tpu.memory_space<vmem>>
        %dma_start3A_257 = tpu.memref_squeeze %dma_start3A_256 : memref<1x128xi32, #tpu.memory_space<vmem>> -> memref<128xi32, #tpu.memory_space<vmem>>
        %dma_start3A_258 = arith.constant 0 : i32
        %dma_start3A_259 = tpu.memref_slice %arg16[%dma_start3A_258] : memref<10240xf32, #tpu.memory_space<vmem_shared>> -> memref<10240xf32, #tpu.memory_space<vmem_shared>>
        tpu.enqueue_indirect_dma source(%arg11 : memref<128xf32, #tpu.memory_space<vmem>>) target(%dma_start3A_259 : memref<10240xf32, #tpu.memory_space<vmem_shared>>) offsets(%dma_start3A_257 : memref<128xi32, #tpu.memory_space<vmem>>) semaphore(%arg20 : memref<!tpu.dma_semaphore, #tpu.memory_space<semaphore_mem>>) {add = true}
      } else {
      }
      %mul3A_207 = arith.constant 2 : i32
      %mul3A_208 = arith.muli %mul3A_207, %scan3A_161 : i32
      %add3A_209 = arith.constant 1 : i32
      %add3A_210 = arith.addi %mul3A_208, %add3A_209 : i32
      %dma_wait3A_211 = arith.constant 1 : i32
      %dma_wait3A_212 = arith.constant 0 : i32
      %dma_wait3A_213 = arith.constant 0 : i32
      %dma_wait3A_214 = tpu.memref_slice %arg10[%dma_wait3A_211, %dma_wait3A_212, %dma_wait3A_213] : memref<2x128x64xf32, #tpu.memory_space<vmem>> -> memref<1x128x64xf32, #tpu.memory_space<vmem>>
      %dma_wait3A_215 = tpu.memref_squeeze %dma_wait3A_214 : memref<1x128x64xf32, #tpu.memory_space<vmem>> -> memref<128x64xf32, #tpu.memory_space<vmem>>
      %dma_wait3A_216 = arith.constant 0 : i32
      %dma_wait3A_217 = tpu.memref_slice %arg8[%add3A_210, %dma_wait3A_216] : memref<158x128xi32, #tpu.memory_space<vmem>> -> memref<1x128xi32, #tpu.memory_space<vmem>>
      %dma_wait3A_218 = tpu.memref_squeeze %dma_wait3A_217 : memref<1x128xi32, #tpu.memory_space<vmem>> -> memref<128xi32, #tpu.memory_space<vmem>>
      %dma_wait3A_219 = arith.constant 0 : i32
      %dma_wait3A_220 = arith.constant 0 : i32
      %dma_wait3A_221 = tpu.memref_slice %arg2[%dma_wait3A_219, %dma_wait3A_220] : memref<20480x64xf32, #tpu.memory_space<hbm>> -> memref<20480x64xf32, #tpu.memory_space<hbm>>
      tpu.wait_indirect_dma semaphore(%arg17 : memref<!tpu.dma_semaphore, #tpu.memory_space<semaphore_mem>>) src(%dma_wait3A_221 : memref<20480x64xf32, #tpu.memory_space<hbm>>) dst(%dma_wait3A_215 : memref<128x64xf32, #tpu.memory_space<vmem>>)
      %ge3A_222 = arith.constant 1 : i32
      %ge3A_223 = arith.cmpi sge, %add3A_210, %ge3A_222 : i32
      %convert_element_type3A_224 = arith.extui %ge3A_223 : i1 to i32
      %cond3A_225 = arith.constant 0 : i32
      %cond3A_226 = arith.cmpi ne, %convert_element_type3A_224, %cond3A_225 : i32
      scf.if %cond3A_226 {
        %sub3A = arith.constant 1 : i32
        %sub3A_255 = arith.subi %add3A_210, %sub3A : i32
        %dma_wait3A_256 = arith.constant 0 : i32
        %dma_wait3A_257 = arith.constant 0 : i32
        %dma_wait3A_258 = arith.constant 0 : i32
        %dma_wait3A_259 = tpu.memref_slice %arg10[%dma_wait3A_256, %dma_wait3A_257, %dma_wait3A_258] : memref<2x128x64xf32, #tpu.memory_space<vmem>> -> memref<1x128x64xf32, #tpu.memory_space<vmem>>
        %dma_wait3A_260 = tpu.memref_squeeze %dma_wait3A_259 : memref<1x128x64xf32, #tpu.memory_space<vmem>> -> memref<128x64xf32, #tpu.memory_space<vmem>>
        %dma_wait3A_261 = arith.constant 0 : i32
        %dma_wait3A_262 = tpu.memref_slice %arg9[%sub3A_255, %dma_wait3A_261] : memref<158x128xi32, #tpu.memory_space<vmem>> -> memref<1x128xi32, #tpu.memory_space<vmem>>
        %dma_wait3A_263 = tpu.memref_squeeze %dma_wait3A_262 : memref<1x128xi32, #tpu.memory_space<vmem>> -> memref<128xi32, #tpu.memory_space<vmem>>
        %dma_wait3A_264 = arith.constant 0 : i32
        %dma_wait3A_265 = arith.constant 0 : i32
        %dma_wait3A_266 = tpu.memref_slice %arg14[%dma_wait3A_264, %dma_wait3A_265] : memref<10240x64xf32, #tpu.memory_space<vmem_shared>> -> memref<10240x64xf32, #tpu.memory_space<vmem_shared>>
        tpu.wait_indirect_dma semaphore(%arg18 : memref<!tpu.dma_semaphore, #tpu.memory_space<semaphore_mem>>) src(%dma_wait3A_260 : memref<128x64xf32, #tpu.memory_space<vmem>>) dst(%dma_wait3A_266 : memref<10240x64xf32, #tpu.memory_space<vmem_shared>>)
      } else {
      }
      %add3A_227 = arith.constant 1 : i32
      %add3A_228 = arith.addi %add3A_210, %add3A_227 : i32
      %lt3A_229 = arith.constant 158 : i32
      %lt3A_230 = arith.cmpi slt, %add3A_228, %lt3A_229 : i32
      %convert_element_type3A_231 = arith.extui %lt3A_230 : i1 to i32
      %cond3A_232 = arith.constant 0 : i32
      %cond3A_233 = arith.cmpi ne, %convert_element_type3A_231, %cond3A_232 : i32
      scf.if %cond3A_233 {
        %add3A_255 = arith.constant 1 : i32
        %add3A_256 = arith.addi %add3A_210, %add3A_255 : i32
        %dma_start3A_257 = arith.constant 0 : i32
        %dma_start3A_258 = arith.constant 0 : i32
        %dma_start3A_259 = arith.constant 0 : i32
        %dma_start3A_260 = tpu.memref_slice %arg10[%dma_start3A_257, %dma_start3A_258, %dma_start3A_259] : memref<2x128x64xf32, #tpu.memory_space<vmem>> -> memref<1x128x64xf32, #tpu.memory_space<vmem>>
        %dma_start3A_261 = tpu.memref_squeeze %dma_start3A_260 : memref<1x128x64xf32, #tpu.memory_space<vmem>> -> memref<128x64xf32, #tpu.memory_space<vmem>>
        %dma_start3A_262 = arith.constant 0 : i32
        %dma_start3A_263 = tpu.memref_slice %arg8[%add3A_256, %dma_start3A_262] : memref<158x128xi32, #tpu.memory_space<vmem>> -> memref<1x128xi32, #tpu.memory_space<vmem>>
        %dma_start3A_264 = tpu.memref_squeeze %dma_start3A_263 : memref<1x128xi32, #tpu.memory_space<vmem>> -> memref<128xi32, #tpu.memory_space<vmem>>
        %dma_start3A_265 = arith.constant 0 : i32
        %dma_start3A_266 = arith.constant 0 : i32
        %dma_start3A_267 = tpu.memref_slice %arg2[%dma_start3A_265, %dma_start3A_266] : memref<20480x64xf32, #tpu.memory_space<hbm>> -> memref<20480x64xf32, #tpu.memory_space<hbm>>
        tpu.enqueue_indirect_dma source(%dma_start3A_267 : memref<20480x64xf32, #tpu.memory_space<hbm>>) target(%dma_start3A_261 : memref<128x64xf32, #tpu.memory_space<vmem>>) offsets(%dma_start3A_264 : memref<128xi32, #tpu.memory_space<vmem>>) semaphore(%arg17 : memref<!tpu.dma_semaphore, #tpu.memory_space<semaphore_mem>>)
      } else {
      }
      %dma_start3A_234 = arith.constant 1 : i32
      %dma_start3A_235 = arith.constant 0 : i32
      %dma_start3A_236 = arith.constant 0 : i32
      %dma_start3A_237 = tpu.memref_slice %arg10[%dma_start3A_234, %dma_start3A_235, %dma_start3A_236] : memref<2x128x64xf32, #tpu.memory_space<vmem>> -> memref<1x128x64xf32, #tpu.memory_space<vmem>>
      %dma_start3A_238 = tpu.memref_squeeze %dma_start3A_237 : memref<1x128x64xf32, #tpu.memory_space<vmem>> -> memref<128x64xf32, #tpu.memory_space<vmem>>
      %dma_start3A_239 = arith.constant 0 : i32
      %dma_start3A_240 = tpu.memref_slice %arg9[%add3A_210, %dma_start3A_239] : memref<158x128xi32, #tpu.memory_space<vmem>> -> memref<1x128xi32, #tpu.memory_space<vmem>>
      %dma_start3A_241 = tpu.memref_squeeze %dma_start3A_240 : memref<1x128xi32, #tpu.memory_space<vmem>> -> memref<128xi32, #tpu.memory_space<vmem>>
      %dma_start3A_242 = arith.constant 0 : i32
      %dma_start3A_243 = arith.constant 0 : i32
      %dma_start3A_244 = tpu.memref_slice %arg14[%dma_start3A_242, %dma_start3A_243] : memref<10240x64xf32, #tpu.memory_space<vmem_shared>> -> memref<10240x64xf32, #tpu.memory_space<vmem_shared>>
      tpu.enqueue_indirect_dma source(%dma_start3A_238 : memref<128x64xf32, #tpu.memory_space<vmem>>) target(%dma_start3A_244 : memref<10240x64xf32, #tpu.memory_space<vmem_shared>>) offsets(%dma_start3A_241 : memref<128xi32, #tpu.memory_space<vmem>>) semaphore(%arg18 : memref<!tpu.dma_semaphore, #tpu.memory_space<semaphore_mem>>) {add = true}
      %dma_start3A_245 = arith.constant 0 : i32
      %dma_start3A_246 = tpu.memref_slice %arg9[%add3A_210, %dma_start3A_245] : memref<158x128xi32, #tpu.memory_space<vmem>> -> memref<1x128xi32, #tpu.memory_space<vmem>>
      %dma_start3A_247 = tpu.memref_squeeze %dma_start3A_246 : memref<1x128xi32, #tpu.memory_space<vmem>> -> memref<128xi32, #tpu.memory_space<vmem>>
      %dma_start3A_248 = arith.constant 0 : i32
      %dma_start3A_249 = tpu.memref_slice %arg15[%dma_start3A_248] : memref<10240xf32, #tpu.memory_space<vmem_shared>> -> memref<10240xf32, #tpu.memory_space<vmem_shared>>
      tpu.enqueue_indirect_dma source(%arg11 : memref<128xf32, #tpu.memory_space<vmem>>) target(%dma_start3A_249 : memref<10240xf32, #tpu.memory_space<vmem_shared>>) offsets(%dma_start3A_247 : memref<128xi32, #tpu.memory_space<vmem>>) semaphore(%arg19 : memref<!tpu.dma_semaphore, #tpu.memory_space<semaphore_mem>>) {add = true}
      %eq3A_250 = arith.constant 0 : i32
      %eq3A_251 = arith.cmpi eq, %arg0, %eq3A_250 : i32
      %convert_element_type3A_252 = arith.extui %eq3A_251 : i1 to i32
      %cond3A_253 = arith.constant 0 : i32
      %cond3A_254 = arith.cmpi ne, %convert_element_type3A_252, %cond3A_253 : i32
      scf.if %cond3A_254 {
        %dma_start3A_255 = arith.constant 0 : i32
        %dma_start3A_256 = tpu.memref_slice %arg8[%add3A_210, %dma_start3A_255] : memref<158x128xi32, #tpu.memory_space<vmem>> -> memref<1x128xi32, #tpu.memory_space<vmem>>
        %dma_start3A_257 = tpu.memref_squeeze %dma_start3A_256 : memref<1x128xi32, #tpu.memory_space<vmem>> -> memref<128xi32, #tpu.memory_space<vmem>>
        %dma_start3A_258 = arith.constant 0 : i32
        %dma_start3A_259 = tpu.memref_slice %arg16[%dma_start3A_258] : memref<10240xf32, #tpu.memory_space<vmem_shared>> -> memref<10240xf32, #tpu.memory_space<vmem_shared>>
        tpu.enqueue_indirect_dma source(%arg11 : memref<128xf32, #tpu.memory_space<vmem>>) target(%dma_start3A_259 : memref<10240xf32, #tpu.memory_space<vmem_shared>>) offsets(%dma_start3A_257 : memref<128xi32, #tpu.memory_space<vmem>>) semaphore(%arg20 : memref<!tpu.dma_semaphore, #tpu.memory_space<semaphore_mem>>) {add = true}
      } else {
      }
    }
    %scan3A_82 = arith.constant 79 : i32
    %dma_wait3A = arith.constant 1 : i32
    %dma_wait3A_83 = arith.constant 157 : i32
    %dma_wait3A_84 = arith.constant 0 : i32
    %dma_wait3A_85 = arith.constant 0 : i32
    %dma_wait3A_86 = tpu.memref_slice %arg10[%dma_wait3A, %dma_wait3A_84, %dma_wait3A_85] : memref<2x128x64xf32, #tpu.memory_space<vmem>> -> memref<1x128x64xf32, #tpu.memory_space<vmem>>
    %dma_wait3A_87 = tpu.memref_squeeze %dma_wait3A_86 : memref<1x128x64xf32, #tpu.memory_space<vmem>> -> memref<128x64xf32, #tpu.memory_space<vmem>>
    %dma_wait3A_88 = arith.constant 0 : i32
    %dma_wait3A_89 = tpu.memref_slice %arg9[%dma_wait3A_83, %dma_wait3A_88] : memref<158x128xi32, #tpu.memory_space<vmem>> -> memref<1x128xi32, #tpu.memory_space<vmem>>
    %dma_wait3A_90 = tpu.memref_squeeze %dma_wait3A_89 : memref<1x128xi32, #tpu.memory_space<vmem>> -> memref<128xi32, #tpu.memory_space<vmem>>
    %dma_wait3A_91 = arith.constant 0 : i32
    %dma_wait3A_92 = arith.constant 0 : i32
    %dma_wait3A_93 = tpu.memref_slice %arg14[%dma_wait3A_91, %dma_wait3A_92] : memref<10240x64xf32, #tpu.memory_space<vmem_shared>> -> memref<10240x64xf32, #tpu.memory_space<vmem_shared>>
    tpu.wait_indirect_dma semaphore(%arg18 : memref<!tpu.dma_semaphore, #tpu.memory_space<semaphore_mem>>) src(%dma_wait3A_87 : memref<128x64xf32, #tpu.memory_space<vmem>>) dst(%dma_wait3A_93 : memref<10240x64xf32, #tpu.memory_space<vmem_shared>>)
    %dma_wait3A_94 = arith.constant 0 : i32
    %dma_wait3A_95 = arith.constant 0 : i32
    %dma_wait3A_96 = tpu.memref_slice %arg3[%arg1, %dma_wait3A_94, %dma_wait3A_95] : memref<16x158x128xi32, #tpu.memory_space<hbm>> -> memref<1x158x128xi32, #tpu.memory_space<hbm>>
    %dma_wait3A_97 = tpu.memref_squeeze %dma_wait3A_96 : memref<1x158x128xi32, #tpu.memory_space<hbm>> -> memref<158x128xi32, #tpu.memory_space<hbm>>
    %dma_wait3A_98 = arith.constant 0 : i32
    %dma_wait3A_99 = arith.constant 0 : i32
    %dma_wait3A_100 = tpu.memref_slice %arg3[%arg1, %dma_wait3A_98, %dma_wait3A_99] : memref<16x158x128xi32, #tpu.memory_space<hbm>> -> memref<1x158x128xi32, #tpu.memory_space<hbm>>
    %dma_wait3A_101 = tpu.memref_squeeze %dma_wait3A_100 : memref<1x158x128xi32, #tpu.memory_space<hbm>> -> memref<158x128xi32, #tpu.memory_space<hbm>>
    tpu.wait_dma2 semaphore(%arg19 : memref<!tpu.dma_semaphore, #tpu.memory_space<semaphore_mem>>) src(%dma_wait3A_101 : memref<158x128xi32, #tpu.memory_space<hbm>>) dst(%arg8 : memref<158x128xi32, #tpu.memory_space<vmem>>)
    %eq3A = arith.constant 0 : i32
    %eq3A_102 = arith.cmpi eq, %arg0, %eq3A : i32
    %convert_element_type3A = arith.extui %eq3A_102 : i1 to i32
    %cond3A = arith.constant 0 : i32
    %cond3A_103 = arith.cmpi ne, %convert_element_type3A, %cond3A : i32
    scf.if %cond3A_103 {
      %dma_wait3A_161 = arith.constant 0 : i32
      %dma_wait3A_162 = arith.constant 0 : i32
      %dma_wait3A_163 = tpu.memref_slice %arg3[%arg1, %dma_wait3A_161, %dma_wait3A_162] : memref<16x158x128xi32, #tpu.memory_space<hbm>> -> memref<1x158x128xi32, #tpu.memory_space<hbm>>
      %dma_wait3A_164 = tpu.memref_squeeze %dma_wait3A_163 : memref<1x158x128xi32, #tpu.memory_space<hbm>> -> memref<158x128xi32, #tpu.memory_space<hbm>>
      %dma_wait3A_165 = arith.constant 0 : i32
      %dma_wait3A_166 = arith.constant 0 : i32
      %dma_wait3A_167 = tpu.memref_slice %arg3[%arg1, %dma_wait3A_165, %dma_wait3A_166] : memref<16x158x128xi32, #tpu.memory_space<hbm>> -> memref<1x158x128xi32, #tpu.memory_space<hbm>>
      %dma_wait3A_168 = tpu.memref_squeeze %dma_wait3A_167 : memref<1x158x128xi32, #tpu.memory_space<hbm>> -> memref<158x128xi32, #tpu.memory_space<hbm>>
      tpu.wait_dma2 semaphore(%arg20 : memref<!tpu.dma_semaphore, #tpu.memory_space<semaphore_mem>>) src(%dma_wait3A_168 : memref<158x128xi32, #tpu.memory_space<hbm>>) dst(%arg8 : memref<158x128xi32, #tpu.memory_space<vmem>>)
    } else {
    }
    "tpu.trace_stop"() : () -> ()
    %barrier3A_104 = arith.constant 0 : index
    tpu.barrier barrier_id(%barrier3A_104)
    "tpu.trace_start"() <{level = 10 : i32, message = "sc_scale"}> : () -> ()
    %scan3A_105 = arith.constant 0 : i32
    %scan3A_106 = arith.constant 0 : i32
    %scan3A_107 = arith.constant 158 : i32
    %scan3A_108 = arith.addi %scan3A_106, %scan3A_107 : i32
    %scan3A_109 = arith.constant 1 : i32
    scf.for %scan3A_161 = %scan3A_106 to %scan3A_108 step %scan3A_109  : i32 {
      %get3A = arith.index_cast %scan3A_161 : i32 to index
      %get3A_162 = arith.constant 0 : index
      %get3A_163 = tpu.vector_load %arg8[%get3A, %get3A_162] {strides = array<i32>} : memref<158x128xi32, #tpu.memory_space<vmem>>, vector<1x16xi32>,
      %get3A_164 = vector.shape_cast %get3A_163 : vector<1x16xi32> to vector<16xi32>
      %sub3A = vector.broadcast %mul3A_0 : i32 to vector<16xi32>
      %sub3A_165 = arith.subi %get3A_164, %sub3A : vector<16xi32>
      %swap3A_166 = arith.index_cast %scan3A_161 : i32 to index
      %swap3A_167 = arith.constant 0 : index
      %swap3A_168 = tpu.vector_load %arg8[%swap3A_166, %swap3A_167] {strides = array<i32>} : memref<158x128xi32, #tpu.memory_space<vmem>>, vector<1x16xi32>,
      %swap3A_169 = vector.shape_cast %swap3A_168 : vector<1x16xi32> to vector<16xi32>
      %swap3A_170 = vector.shape_cast %sub3A_165 : vector<16xi32> to vector<1x16xi32>
      tpu.vector_store %arg8[%swap3A_166, %swap3A_167], %swap3A_170 {strides = array<i32>} : memref<158x128xi32, #tpu.memory_space<vmem>>, vector<1x16xi32>,
      %get3A_171 = arith.index_cast %scan3A_161 : i32 to index
      %get3A_172 = arith.constant 0 : index
      %get3A_173 = tpu.vector_load %arg9[%get3A_171, %get3A_172] {strides = array<i32>} : memref<158x128xi32, #tpu.memory_space<vmem>>, vector<1x16xi32>,
      %get3A_174 = vector.shape_cast %get3A_173 : vector<1x16xi32> to vector<16xi32>
      %add3A = vector.broadcast %mul3A_0 : i32 to vector<16xi32>
      %add3A_175 = arith.addi %get3A_174, %add3A : vector<16xi32>
      %swap3A_176 = arith.index_cast %scan3A_161 : i32 to index
      %swap3A_177 = arith.constant 0 : index
      %swap3A_178 = tpu.vector_load %arg9[%swap3A_176, %swap3A_177] {strides = array<i32>} : memref<158x128xi32, #tpu.memory_space<vmem>>, vector<1x16xi32>,
      %swap3A_179 = vector.shape_cast %swap3A_178 : vector<1x16xi32> to vector<16xi32>
      %swap3A_180 = vector.shape_cast %add3A_175 : vector<16xi32> to vector<1x16xi32>
      tpu.vector_store %arg9[%swap3A_176, %swap3A_177], %swap3A_180 {strides = array<i32>} : memref<158x128xi32, #tpu.memory_space<vmem>>, vector<1x16xi32>,
      %get3A_181 = arith.index_cast %scan3A_161 : i32 to index
      %get3A_182 = arith.constant 16 : index
      %get3A_183 = tpu.vector_load %arg8[%get3A_181, %get3A_182] {strides = array<i32>} : memref<158x128xi32, #tpu.memory_space<vmem>>, vector<1x16xi32>,
      %get3A_184 = vector.shape_cast %get3A_183 : vector<1x16xi32> to vector<16xi32>
      %sub3A_185 = vector.broadcast %mul3A_0 : i32 to vector<16xi32>
      %sub3A_186 = arith.subi %get3A_184, %sub3A_185 : vector<16xi32>
      %swap3A_187 = arith.index_cast %scan3A_161 : i32 to index
      %swap3A_188 = arith.constant 16 : index
      %swap3A_189 = tpu.vector_load %arg8[%swap3A_187, %swap3A_188] {strides = array<i32>} : memref<158x128xi32, #tpu.memory_space<vmem>>, vector<1x16xi32>,
      %swap3A_190 = vector.shape_cast %swap3A_189 : vector<1x16xi32> to vector<16xi32>
      %swap3A_191 = vector.shape_cast %sub3A_186 : vector<16xi32> to vector<1x16xi32>
      tpu.vector_store %arg8[%swap3A_187, %swap3A_188], %swap3A_191 {strides = array<i32>} : memref<158x128xi32, #tpu.memory_space<vmem>>, vector<1x16xi32>,
      %get3A_192 = arith.index_cast %scan3A_161 : i32 to index
      %get3A_193 = arith.constant 16 : index
      %get3A_194 = tpu.vector_load %arg9[%get3A_192, %get3A_193] {strides = array<i32>} : memref<158x128xi32, #tpu.memory_space<vmem>>, vector<1x16xi32>,
      %get3A_195 = vector.shape_cast %get3A_194 : vector<1x16xi32> to vector<16xi32>
      %add3A_196 = vector.broadcast %mul3A_0 : i32 to vector<16xi32>
      %add3A_197 = arith.addi %get3A_195, %add3A_196 : vector<16xi32>
      %swap3A_198 = arith.index_cast %scan3A_161 : i32 to index
      %swap3A_199 = arith.constant 16 : index
      %swap3A_200 = tpu.vector_load %arg9[%swap3A_198, %swap3A_199] {strides = array<i32>} : memref<158x128xi32, #tpu.memory_space<vmem>>, vector<1x16xi32>,
      %swap3A_201 = vector.shape_cast %swap3A_200 : vector<1x16xi32> to vector<16xi32>
      %swap3A_202 = vector.shape_cast %add3A_197 : vector<16xi32> to vector<1x16xi32>
      tpu.vector_store %arg9[%swap3A_198, %swap3A_199], %swap3A_202 {strides = array<i32>} : memref<158x128xi32, #tpu.memory_space<vmem>>, vector<1x16xi32>,
      %get3A_203 = arith.index_cast %scan3A_161 : i32 to index
      %get3A_204 = arith.constant 32 : index
      %get3A_205 = tpu.vector_load %arg8[%get3A_203, %get3A_204] {strides = array<i32>} : memref<158x128xi32, #tpu.memory_space<vmem>>, vector<1x16xi32>,
      %get3A_206 = vector.shape_cast %get3A_205 : vector<1x16xi32> to vector<16xi32>
      %sub3A_207 = vector.broadcast %mul3A_0 : i32 to vector<16xi32>
      %sub3A_208 = arith.subi %get3A_206, %sub3A_207 : vector<16xi32>
      %swap3A_209 = arith.index_cast %scan3A_161 : i32 to index
      %swap3A_210 = arith.constant 32 : index
      %swap3A_211 = tpu.vector_load %arg8[%swap3A_209, %swap3A_210] {strides = array<i32>} : memref<158x128xi32, #tpu.memory_space<vmem>>, vector<1x16xi32>,
      %swap3A_212 = vector.shape_cast %swap3A_211 : vector<1x16xi32> to vector<16xi32>
      %swap3A_213 = vector.shape_cast %sub3A_208 : vector<16xi32> to vector<1x16xi32>
      tpu.vector_store %arg8[%swap3A_209, %swap3A_210], %swap3A_213 {strides = array<i32>} : memref<158x128xi32, #tpu.memory_space<vmem>>, vector<1x16xi32>,
      %get3A_214 = arith.index_cast %scan3A_161 : i32 to index
      %get3A_215 = arith.constant 32 : index
      %get3A_216 = tpu.vector_load %arg9[%get3A_214, %get3A_215] {strides = array<i32>} : memref<158x128xi32, #tpu.memory_space<vmem>>, vector<1x16xi32>,
      %get3A_217 = vector.shape_cast %get3A_216 : vector<1x16xi32> to vector<16xi32>
      %add3A_218 = vector.broadcast %mul3A_0 : i32 to vector<16xi32>
      %add3A_219 = arith.addi %get3A_217, %add3A_218 : vector<16xi32>
      %swap3A_220 = arith.index_cast %scan3A_161 : i32 to index
      %swap3A_221 = arith.constant 32 : index
      %swap3A_222 = tpu.vector_load %arg9[%swap3A_220, %swap3A_221] {strides = array<i32>} : memref<158x128xi32, #tpu.memory_space<vmem>>, vector<1x16xi32>,
      %swap3A_223 = vector.shape_cast %swap3A_222 : vector<1x16xi32> to vector<16xi32>
      %swap3A_224 = vector.shape_cast %add3A_219 : vector<16xi32> to vector<1x16xi32>
      tpu.vector_store %arg9[%swap3A_220, %swap3A_221], %swap3A_224 {strides = array<i32>} : memref<158x128xi32, #tpu.memory_space<vmem>>, vector<1x16xi32>,
      %get3A_225 = arith.index_cast %scan3A_161 : i32 to index
      %get3A_226 = arith.constant 48 : index
      %get3A_227 = tpu.vector_load %arg8[%get3A_225, %get3A_226] {strides = array<i32>} : memref<158x128xi32, #tpu.memory_space<vmem>>, vector<1x16xi32>,
      %get3A_228 = vector.shape_cast %get3A_227 : vector<1x16xi32> to vector<16xi32>
      %sub3A_229 = vector.broadcast %mul3A_0 : i32 to vector<16xi32>
      %sub3A_230 = arith.subi %get3A_228, %sub3A_229 : vector<16xi32>
      %swap3A_231 = arith.index_cast %scan3A_161 : i32 to index
      %swap3A_232 = arith.constant 48 : index
      %swap3A_233 = tpu.vector_load %arg8[%swap3A_231, %swap3A_232] {strides = array<i32>} : memref<158x128xi32, #tpu.memory_space<vmem>>, vector<1x16xi32>,
      %swap3A_234 = vector.shape_cast %swap3A_233 : vector<1x16xi32> to vector<16xi32>
      %swap3A_235 = vector.shape_cast %sub3A_230 : vector<16xi32> to vector<1x16xi32>
      tpu.vector_store %arg8[%swap3A_231, %swap3A_232], %swap3A_235 {strides = array<i32>} : memref<158x128xi32, #tpu.memory_space<vmem>>, vector<1x16xi32>,
      %get3A_236 = arith.index_cast %scan3A_161 : i32 to index
      %get3A_237 = arith.constant 48 : index
      %get3A_238 = tpu.vector_load %arg9[%get3A_236, %get3A_237] {strides = array<i32>} : memref<158x128xi32, #tpu.memory_space<vmem>>, vector<1x16xi32>,
      %get3A_239 = vector.shape_cast %get3A_238 : vector<1x16xi32> to vector<16xi32>
      %add3A_240 = vector.broadcast %mul3A_0 : i32 to vector<16xi32>
      %add3A_241 = arith.addi %get3A_239, %add3A_240 : vector<16xi32>
      %swap3A_242 = arith.index_cast %scan3A_161 : i32 to index
      %swap3A_243 = arith.constant 48 : index
      %swap3A_244 = tpu.vector_load %arg9[%swap3A_242, %swap3A_243] {strides = array<i32>} : memref<158x128xi32, #tpu.memory_space<vmem>>, vector<1x16xi32>,
      %swap3A_245 = vector.shape_cast %swap3A_244 : vector<1x16xi32> to vector<16xi32>
      %swap3A_246 = vector.shape_cast %add3A_241 : vector<16xi32> to vector<1x16xi32>
      tpu.vector_store %arg9[%swap3A_242, %swap3A_243], %swap3A_246 {strides = array<i32>} : memref<158x128xi32, #tpu.memory_space<vmem>>, vector<1x16xi32>,
      %get3A_247 = arith.index_cast %scan3A_161 : i32 to index
      %get3A_248 = arith.constant 64 : index
      %get3A_249 = tpu.vector_load %arg8[%get3A_247, %get3A_248] {strides = array<i32>} : memref<158x128xi32, #tpu.memory_space<vmem>>, vector<1x16xi32>,
      %get3A_250 = vector.shape_cast %get3A_249 : vector<1x16xi32> to vector<16xi32>
      %sub3A_251 = vector.broadcast %mul3A_0 : i32 to vector<16xi32>
      %sub3A_252 = arith.subi %get3A_250, %sub3A_251 : vector<16xi32>
      %swap3A_253 = arith.index_cast %scan3A_161 : i32 to index
      %swap3A_254 = arith.constant 64 : index
      %swap3A_255 = tpu.vector_load %arg8[%swap3A_253, %swap3A_254] {strides = array<i32>} : memref<158x128xi32, #tpu.memory_space<vmem>>, vector<1x16xi32>,
      %swap3A_256 = vector.shape_cast %swap3A_255 : vector<1x16xi32> to vector<16xi32>
      %swap3A_257 = vector.shape_cast %sub3A_252 : vector<16xi32> to vector<1x16xi32>
      tpu.vector_store %arg8[%swap3A_253, %swap3A_254], %swap3A_257 {strides = array<i32>} : memref<158x128xi32, #tpu.memory_space<vmem>>, vector<1x16xi32>,
      %get3A_258 = arith.index_cast %scan3A_161 : i32 to index
      %get3A_259 = arith.constant 64 : index
      %get3A_260 = tpu.vector_load %arg9[%get3A_258, %get3A_259] {strides = array<i32>} : memref<158x128xi32, #tpu.memory_space<vmem>>, vector<1x16xi32>,
      %get3A_261 = vector.shape_cast %get3A_260 : vector<1x16xi32> to vector<16xi32>
      %add3A_262 = vector.broadcast %mul3A_0 : i32 to vector<16xi32>
      %add3A_263 = arith.addi %get3A_261, %add3A_262 : vector<16xi32>
      %swap3A_264 = arith.index_cast %scan3A_161 : i32 to index
      %swap3A_265 = arith.constant 64 : index
      %swap3A_266 = tpu.vector_load %arg9[%swap3A_264, %swap3A_265] {strides = array<i32>} : memref<158x128xi32, #tpu.memory_space<vmem>>, vector<1x16xi32>,
      %swap3A_267 = vector.shape_cast %swap3A_266 : vector<1x16xi32> to vector<16xi32>
      %swap3A_268 = vector.shape_cast %add3A_263 : vector<16xi32> to vector<1x16xi32>
      tpu.vector_store %arg9[%swap3A_264, %swap3A_265], %swap3A_268 {strides = array<i32>} : memref<158x128xi32, #tpu.memory_space<vmem>>, vector<1x16xi32>,
      %get3A_269 = arith.index_cast %scan3A_161 : i32 to index
      %get3A_270 = arith.constant 80 : index
      %get3A_271 = tpu.vector_load %arg8[%get3A_269, %get3A_270] {strides = array<i32>} : memref<158x128xi32, #tpu.memory_space<vmem>>, vector<1x16xi32>,
      %get3A_272 = vector.shape_cast %get3A_271 : vector<1x16xi32> to vector<16xi32>
      %sub3A_273 = vector.broadcast %mul3A_0 : i32 to vector<16xi32>
      %sub3A_274 = arith.subi %get3A_272, %sub3A_273 : vector<16xi32>
      %swap3A_275 = arith.index_cast %scan3A_161 : i32 to index
      %swap3A_276 = arith.constant 80 : index
      %swap3A_277 = tpu.vector_load %arg8[%swap3A_275, %swap3A_276] {strides = array<i32>} : memref<158x128xi32, #tpu.memory_space<vmem>>, vector<1x16xi32>,
      %swap3A_278 = vector.shape_cast %swap3A_277 : vector<1x16xi32> to vector<16xi32>
      %swap3A_279 = vector.shape_cast %sub3A_274 : vector<16xi32> to vector<1x16xi32>
      tpu.vector_store %arg8[%swap3A_275, %swap3A_276], %swap3A_279 {strides = array<i32>} : memref<158x128xi32, #tpu.memory_space<vmem>>, vector<1x16xi32>,
      %get3A_280 = arith.index_cast %scan3A_161 : i32 to index
      %get3A_281 = arith.constant 80 : index
      %get3A_282 = tpu.vector_load %arg9[%get3A_280, %get3A_281] {strides = array<i32>} : memref<158x128xi32, #tpu.memory_space<vmem>>, vector<1x16xi32>,
      %get3A_283 = vector.shape_cast %get3A_282 : vector<1x16xi32> to vector<16xi32>
      %add3A_284 = vector.broadcast %mul3A_0 : i32 to vector<16xi32>
      %add3A_285 = arith.addi %get3A_283, %add3A_284 : vector<16xi32>
      %swap3A_286 = arith.index_cast %scan3A_161 : i32 to index
      %swap3A_287 = arith.constant 80 : index
      %swap3A_288 = tpu.vector_load %arg9[%swap3A_286, %swap3A_287] {strides = array<i32>} : memref<158x128xi32, #tpu.memory_space<vmem>>, vector<1x16xi32>,
      %swap3A_289 = vector.shape_cast %swap3A_288 : vector<1x16xi32> to vector<16xi32>
      %swap3A_290 = vector.shape_cast %add3A_285 : vector<16xi32> to vector<1x16xi32>
      tpu.vector_store %arg9[%swap3A_286, %swap3A_287], %swap3A_290 {strides = array<i32>} : memref<158x128xi32, #tpu.memory_space<vmem>>, vector<1x16xi32>,
      %get3A_291 = arith.index_cast %scan3A_161 : i32 to index
      %get3A_292 = arith.constant 96 : index
      %get3A_293 = tpu.vector_load %arg8[%get3A_291, %get3A_292] {strides = array<i32>} : memref<158x128xi32, #tpu.memory_space<vmem>>, vector<1x16xi32>,
      %get3A_294 = vector.shape_cast %get3A_293 : vector<1x16xi32> to vector<16xi32>
      %sub3A_295 = vector.broadcast %mul3A_0 : i32 to vector<16xi32>
      %sub3A_296 = arith.subi %get3A_294, %sub3A_295 : vector<16xi32>
      %swap3A_297 = arith.index_cast %scan3A_161 : i32 to index
      %swap3A_298 = arith.constant 96 : index
      %swap3A_299 = tpu.vector_load %arg8[%swap3A_297, %swap3A_298] {strides = array<i32>} : memref<158x128xi32, #tpu.memory_space<vmem>>, vector<1x16xi32>,
      %swap3A_300 = vector.shape_cast %swap3A_299 : vector<1x16xi32> to vector<16xi32>
      %swap3A_301 = vector.shape_cast %sub3A_296 : vector<16xi32> to vector<1x16xi32>
      tpu.vector_store %arg8[%swap3A_297, %swap3A_298], %swap3A_301 {strides = array<i32>} : memref<158x128xi32, #tpu.memory_space<vmem>>, vector<1x16xi32>,
      %get3A_302 = arith.index_cast %scan3A_161 : i32 to index
      %get3A_303 = arith.constant 96 : index
      %get3A_304 = tpu.vector_load %arg9[%get3A_302, %get3A_303] {strides = array<i32>} : memref<158x128xi32, #tpu.memory_space<vmem>>, vector<1x16xi32>,
      %get3A_305 = vector.shape_cast %get3A_304 : vector<1x16xi32> to vector<16xi32>
      %add3A_306 = vector.broadcast %mul3A_0 : i32 to vector<16xi32>
      %add3A_307 = arith.addi %get3A_305, %add3A_306 : vector<16xi32>
      %swap3A_308 = arith.index_cast %scan3A_161 : i32 to index
      %swap3A_309 = arith.constant 96 : index
      %swap3A_310 = tpu.vector_load %arg9[%swap3A_308, %swap3A_309] {strides = array<i32>} : memref<158x128xi32, #tpu.memory_space<vmem>>, vector<1x16xi32>,
      %swap3A_311 = vector.shape_cast %swap3A_310 : vector<1x16xi32> to vector<16xi32>
      %swap3A_312 = vector.shape_cast %add3A_307 : vector<16xi32> to vector<1x16xi32>
      tpu.vector_store %arg9[%swap3A_308, %swap3A_309], %swap3A_312 {strides = array<i32>} : memref<158x128xi32, #tpu.memory_space<vmem>>, vector<1x16xi32>,
      %get3A_313 = arith.index_cast %scan3A_161 : i32 to index
      %get3A_314 = arith.constant 112 : index
      %get3A_315 = tpu.vector_load %arg8[%get3A_313, %get3A_314] {strides = array<i32>} : memref<158x128xi32, #tpu.memory_space<vmem>>, vector<1x16xi32>,
      %get3A_316 = vector.shape_cast %get3A_315 : vector<1x16xi32> to vector<16xi32>
      %sub3A_317 = vector.broadcast %mul3A_0 : i32 to vector<16xi32>
      %sub3A_318 = arith.subi %get3A_316, %sub3A_317 : vector<16xi32>
      %swap3A_319 = arith.index_cast %scan3A_161 : i32 to index
      %swap3A_320 = arith.constant 112 : index
      %swap3A_321 = tpu.vector_load %arg8[%swap3A_319, %swap3A_320] {strides = array<i32>} : memref<158x128xi32, #tpu.memory_space<vmem>>, vector<1x16xi32>,
      %swap3A_322 = vector.shape_cast %swap3A_321 : vector<1x16xi32> to vector<16xi32>
      %swap3A_323 = vector.shape_cast %sub3A_318 : vector<16xi32> to vector<1x16xi32>
      tpu.vector_store %arg8[%swap3A_319, %swap3A_320], %swap3A_323 {strides = array<i32>} : memref<158x128xi32, #tpu.memory_space<vmem>>, vector<1x16xi32>,
      %get3A_324 = arith.index_cast %scan3A_161 : i32 to index
      %get3A_325 = arith.constant 112 : index
      %get3A_326 = tpu.vector_load %arg9[%get3A_324, %get3A_325] {strides = array<i32>} : memref<158x128xi32, #tpu.memory_space<vmem>>, vector<1x16xi32>,
      %get3A_327 = vector.shape_cast %get3A_326 : vector<1x16xi32> to vector<16xi32>
      %add3A_328 = vector.broadcast %mul3A_0 : i32 to vector<16xi32>
      %add3A_329 = arith.addi %get3A_327, %add3A_328 : vector<16xi32>
      %swap3A_330 = arith.index_cast %scan3A_161 : i32 to index
      %swap3A_331 = arith.constant 112 : index
      %swap3A_332 = tpu.vector_load %arg9[%swap3A_330, %swap3A_331] {strides = array<i32>} : memref<158x128xi32, #tpu.memory_space<vmem>>, vector<1x16xi32>,
      %swap3A_333 = vector.shape_cast %swap3A_332 : vector<1x16xi32> to vector<16xi32>
      %swap3A_334 = vector.shape_cast %add3A_329 : vector<16xi32> to vector<1x16xi32>
      tpu.vector_store %arg9[%swap3A_330, %swap3A_331], %swap3A_334 {strides = array<i32>} : memref<158x128xi32, #tpu.memory_space<vmem>>, vector<1x16xi32>,
    }
    %scan3A_110 = arith.constant 158 : i32
    %scan3A_111 = arith.constant 0 : i32
    %scan3A_112 = arith.constant 0 : i32
    %scan3A_113 = arith.constant 5 : i32
    %scan3A_114 = arith.addi %scan3A_112, %scan3A_113 : i32
    %scan3A_115 = arith.constant 1 : i32
    scf.for %scan3A_161 = %scan3A_112 to %scan3A_114 step %scan3A_115  : i32 {
      %mul3A_162 = arith.constant 128 : i32
      %mul3A_163 = arith.muli %scan3A_161, %mul3A_162 : i32
      %add3A = arith.addi %mul3A_2, %mul3A_163 : i32
      %run_scoped3A = arith.constant 0 : i32
      "tpu.region"() ({
        %run_scoped3A_273 = tpu.sem_alloc : memref<!tpu.dma_semaphore, #tpu.memory_space<semaphore_mem>>
        %dma_start3A_274 = arith.constant 0 : i32
        %dma_start3A_275 = arith.constant 0 : i32
        %dma_start3A_276 = tpu.memref_slice %arg10[%run_scoped3A, %dma_start3A_274, %dma_start3A_275] : memref<2x128x64xf32, #tpu.memory_space<vmem>> -> memref<1x128x64xf32, #tpu.memory_space<vmem>>
        %dma_start3A_277 = tpu.memref_squeeze %dma_start3A_276 : memref<1x128x64xf32, #tpu.memory_space<vmem>> -> memref<128x64xf32, #tpu.memory_space<vmem>>
        %dma_start3A_278 = arith.constant 0 : i32
        %dma_start3A_279 = tpu.memref_slice %arg14[%add3A, %dma_start3A_278] : memref<10240x64xf32, #tpu.memory_space<vmem_shared>> -> memref<128x64xf32, #tpu.memory_space<vmem_shared>>
        %dma_start3A_280 = arith.constant 0 : i32
        %dma_start3A_281 = arith.constant 0 : i32
        %dma_start3A_282 = tpu.memref_slice %arg10[%run_scoped3A, %dma_start3A_280, %dma_start3A_281] : memref<2x128x64xf32, #tpu.memory_space<vmem>> -> memref<1x128x64xf32, #tpu.memory_space<vmem>>
        %dma_start3A_283 = tpu.memref_squeeze %dma_start3A_282 : memref<1x128x64xf32, #tpu.memory_space<vmem>> -> memref<128x64xf32, #tpu.memory_space<vmem>>
        %dma_start3A_284 = arith.constant 0 : i32
        %dma_start3A_285 = tpu.memref_slice %arg14[%add3A, %dma_start3A_284] : memref<10240x64xf32, #tpu.memory_space<vmem_shared>> -> memref<128x64xf32, #tpu.memory_space<vmem_shared>>
        tpu.enqueue_dma source(%dma_start3A_285 : memref<128x64xf32, #tpu.memory_space<vmem_shared>>) target(%dma_start3A_283 : memref<128x64xf32, #tpu.memory_space<vmem>>) target_semaphore(%run_scoped3A_273 : memref<!tpu.dma_semaphore, #tpu.memory_space<semaphore_mem>>)
        %dma_wait3A_286 = arith.constant 0 : i32
        %dma_wait3A_287 = arith.constant 0 : i32
        %dma_wait3A_288 = tpu.memref_slice %arg10[%run_scoped3A, %dma_wait3A_286, %dma_wait3A_287] : memref<2x128x64xf32, #tpu.memory_space<vmem>> -> memref<1x128x64xf32, #tpu.memory_space<vmem>>
        %dma_wait3A_289 = tpu.memref_squeeze %dma_wait3A_288 : memref<1x128x64xf32, #tpu.memory_space<vmem>> -> memref<128x64xf32, #tpu.memory_space<vmem>>
        %dma_wait3A_290 = arith.constant 0 : i32
        %dma_wait3A_291 = tpu.memref_slice %arg14[%add3A, %dma_wait3A_290] : memref<10240x64xf32, #tpu.memory_space<vmem_shared>> -> memref<128x64xf32, #tpu.memory_space<vmem_shared>>
        %dma_wait3A_292 = arith.constant 0 : i32
        %dma_wait3A_293 = arith.constant 0 : i32
        %dma_wait3A_294 = tpu.memref_slice %arg10[%run_scoped3A, %dma_wait3A_292, %dma_wait3A_293] : memref<2x128x64xf32, #tpu.memory_space<vmem>> -> memref<1x128x64xf32, #tpu.memory_space<vmem>>
        %dma_wait3A_295 = tpu.memref_squeeze %dma_wait3A_294 : memref<1x128x64xf32, #tpu.memory_space<vmem>> -> memref<128x64xf32, #tpu.memory_space<vmem>>
        %dma_wait3A_296 = arith.constant 0 : i32
        %dma_wait3A_297 = tpu.memref_slice %arg14[%add3A, %dma_wait3A_296] : memref<10240x64xf32, #tpu.memory_space<vmem_shared>> -> memref<128x64xf32, #tpu.memory_space<vmem_shared>>
        tpu.wait_dma2 semaphore(%run_scoped3A_273 : memref<!tpu.dma_semaphore, #tpu.memory_space<semaphore_mem>>) src(%dma_wait3A_297 : memref<128x64xf32, #tpu.memory_space<vmem_shared>>) dst(%dma_wait3A_295 : memref<128x64xf32, #tpu.memory_space<vmem>>)
        tpu.yield
      }) : () -> ()
      "tpu.region"() ({
        %run_scoped3A_273 = tpu.sem_alloc : memref<!tpu.dma_semaphore, #tpu.memory_space<semaphore_mem>>
        %dma_start3A_274 = tpu.memref_slice %arg15[%add3A] : memref<10240xf32, #tpu.memory_space<vmem_shared>> -> memref<128xf32, #tpu.memory_space<vmem_shared>>
        %dma_start3A_275 = tpu.memref_slice %arg15[%add3A] : memref<10240xf32, #tpu.memory_space<vmem_shared>> -> memref<128xf32, #tpu.memory_space<vmem_shared>>
        tpu.enqueue_dma source(%dma_start3A_275 : memref<128xf32, #tpu.memory_space<vmem_shared>>) target(%arg12 : memref<128xf32, #tpu.memory_space<vmem>>) target_semaphore(%run_scoped3A_273 : memref<!tpu.dma_semaphore, #tpu.memory_space<semaphore_mem>>)
        %dma_wait3A_276 = tpu.memref_slice %arg15[%add3A] : memref<10240xf32, #tpu.memory_space<vmem_shared>> -> memref<128xf32, #tpu.memory_space<vmem_shared>>
        %dma_wait3A_277 = tpu.memref_slice %arg15[%add3A] : memref<10240xf32, #tpu.memory_space<vmem_shared>> -> memref<128xf32, #tpu.memory_space<vmem_shared>>
        tpu.wait_dma2 semaphore(%run_scoped3A_273 : memref<!tpu.dma_semaphore, #tpu.memory_space<semaphore_mem>>) src(%dma_wait3A_277 : memref<128xf32, #tpu.memory_space<vmem_shared>>) dst(%arg12 : memref<128xf32, #tpu.memory_space<vmem>>)
        tpu.yield
      }) : () -> ()
      %get3A = arith.constant 0 : index
      %get3A_164 = tpu.vector_load %arg12[%get3A] {strides = array<i32>} : memref<128xf32, #tpu.memory_space<vmem>>, vector<16xf32>,
      %get3A_165 = vector.shape_cast %get3A_164 : vector<16xf32> to vector<16xf32>
      %max3A = arith.constant 1.000000e+00 : f32
      %max3A_166 = vector.broadcast %max3A : f32 to vector<16xf32>
      %max3A_167 = arith.maximumf %get3A_165, %max3A_166 : vector<16xf32>
      %div3A = arith.constant 1.000000e+00 : f32
      %div3A_168 = vector.broadcast %div3A : f32 to vector<16xf32>
      %div3A_169 = arith.divf %div3A_168, %max3A_167 : vector<16xf32>
      %swap3A_170 = arith.constant 0 : index
      %swap3A_171 = tpu.vector_load %arg12[%swap3A_170] {strides = array<i32>} : memref<128xf32, #tpu.memory_space<vmem>>, vector<16xf32>,
      %swap3A_172 = vector.shape_cast %swap3A_171 : vector<16xf32> to vector<16xf32>
      %swap3A_173 = vector.shape_cast %div3A_169 : vector<16xf32> to vector<16xf32>
      tpu.vector_store %arg12[%swap3A_170], %swap3A_173 {strides = array<i32>} : memref<128xf32, #tpu.memory_space<vmem>>, vector<16xf32>,
      %get3A_174 = arith.constant 16 : index
      %get3A_175 = tpu.vector_load %arg12[%get3A_174] {strides = array<i32>} : memref<128xf32, #tpu.memory_space<vmem>>, vector<16xf32>,
      %get3A_176 = vector.shape_cast %get3A_175 : vector<16xf32> to vector<16xf32>
      %max3A_177 = arith.constant 1.000000e+00 : f32
      %max3A_178 = vector.broadcast %max3A_177 : f32 to vector<16xf32>
      %max3A_179 = arith.maximumf %get3A_176, %max3A_178 : vector<16xf32>
      %div3A_180 = arith.constant 1.000000e+00 : f32
      %div3A_181 = vector.broadcast %div3A_180 : f32 to vector<16xf32>
      %div3A_182 = arith.divf %div3A_181, %max3A_179 : vector<16xf32>
      %swap3A_183 = arith.constant 16 : index
      %swap3A_184 = tpu.vector_load %arg12[%swap3A_183] {strides = array<i32>} : memref<128xf32, #tpu.memory_space<vmem>>, vector<16xf32>,
      %swap3A_185 = vector.shape_cast %swap3A_184 : vector<16xf32> to vector<16xf32>
      %swap3A_186 = vector.shape_cast %div3A_182 : vector<16xf32> to vector<16xf32>
      tpu.vector_store %arg12[%swap3A_183], %swap3A_186 {strides = array<i32>} : memref<128xf32, #tpu.memory_space<vmem>>, vector<16xf32>,
      %get3A_187 = arith.constant 32 : index
      %get3A_188 = tpu.vector_load %arg12[%get3A_187] {strides = array<i32>} : memref<128xf32, #tpu.memory_space<vmem>>, vector<16xf32>,
      %get3A_189 = vector.shape_cast %get3A_188 : vector<16xf32> to vector<16xf32>
      %max3A_190 = arith.constant 1.000000e+00 : f32
      %max3A_191 = vector.broadcast %max3A_190 : f32 to vector<16xf32>
      %max3A_192 = arith.maximumf %get3A_189, %max3A_191 : vector<16xf32>
      %div3A_193 = arith.constant 1.000000e+00 : f32
      %div3A_194 = vector.broadcast %div3A_193 : f32 to vector<16xf32>
      %div3A_195 = arith.divf %div3A_194, %max3A_192 : vector<16xf32>
      %swap3A_196 = arith.constant 32 : index
      %swap3A_197 = tpu.vector_load %arg12[%swap3A_196] {strides = array<i32>} : memref<128xf32, #tpu.memory_space<vmem>>, vector<16xf32>,
      %swap3A_198 = vector.shape_cast %swap3A_197 : vector<16xf32> to vector<16xf32>
      %swap3A_199 = vector.shape_cast %div3A_195 : vector<16xf32> to vector<16xf32>
      tpu.vector_store %arg12[%swap3A_196], %swap3A_199 {strides = array<i32>} : memref<128xf32, #tpu.memory_space<vmem>>, vector<16xf32>,
      %get3A_200 = arith.constant 48 : index
      %get3A_201 = tpu.vector_load %arg12[%get3A_200] {strides = array<i32>} : memref<128xf32, #tpu.memory_space<vmem>>, vector<16xf32>,
      %get3A_202 = vector.shape_cast %get3A_201 : vector<16xf32> to vector<16xf32>
      %max3A_203 = arith.constant 1.000000e+00 : f32
      %max3A_204 = vector.broadcast %max3A_203 : f32 to vector<16xf32>
      %max3A_205 = arith.maximumf %get3A_202, %max3A_204 : vector<16xf32>
      %div3A_206 = arith.constant 1.000000e+00 : f32
      %div3A_207 = vector.broadcast %div3A_206 : f32 to vector<16xf32>
      %div3A_208 = arith.divf %div3A_207, %max3A_205 : vector<16xf32>
      %swap3A_209 = arith.constant 48 : index
      %swap3A_210 = tpu.vector_load %arg12[%swap3A_209] {strides = array<i32>} : memref<128xf32, #tpu.memory_space<vmem>>, vector<16xf32>,
      %swap3A_211 = vector.shape_cast %swap3A_210 : vector<16xf32> to vector<16xf32>
      %swap3A_212 = vector.shape_cast %div3A_208 : vector<16xf32> to vector<16xf32>
      tpu.vector_store %arg12[%swap3A_209], %swap3A_212 {strides = array<i32>} : memref<128xf32, #tpu.memory_space<vmem>>, vector<16xf32>,
      %get3A_213 = arith.constant 64 : index
      %get3A_214 = tpu.vector_load %arg12[%get3A_213] {strides = array<i32>} : memref<128xf32, #tpu.memory_space<vmem>>, vector<16xf32>,
      %get3A_215 = vector.shape_cast %get3A_214 : vector<16xf32> to vector<16xf32>
      %max3A_216 = arith.constant 1.000000e+00 : f32
      %max3A_217 = vector.broadcast %max3A_216 : f32 to vector<16xf32>
      %max3A_218 = arith.maximumf %get3A_215, %max3A_217 : vector<16xf32>
      %div3A_219 = arith.constant 1.000000e+00 : f32
      %div3A_220 = vector.broadcast %div3A_219 : f32 to vector<16xf32>
      %div3A_221 = arith.divf %div3A_220, %max3A_218 : vector<16xf32>
      %swap3A_222 = arith.constant 64 : index
      %swap3A_223 = tpu.vector_load %arg12[%swap3A_222] {strides = array<i32>} : memref<128xf32, #tpu.memory_space<vmem>>, vector<16xf32>,
      %swap3A_224 = vector.shape_cast %swap3A_223 : vector<16xf32> to vector<16xf32>
      %swap3A_225 = vector.shape_cast %div3A_221 : vector<16xf32> to vector<16xf32>
      tpu.vector_store %arg12[%swap3A_222], %swap3A_225 {strides = array<i32>} : memref<128xf32, #tpu.memory_space<vmem>>, vector<16xf32>,
      %get3A_226 = arith.constant 80 : index
      %get3A_227 = tpu.vector_load %arg12[%get3A_226] {strides = array<i32>} : memref<128xf32, #tpu.memory_space<vmem>>, vector<16xf32>,
      %get3A_228 = vector.shape_cast %get3A_227 : vector<16xf32> to vector<16xf32>
      %max3A_229 = arith.constant 1.000000e+00 : f32
      %max3A_230 = vector.broadcast %max3A_229 : f32 to vector<16xf32>
      %max3A_231 = arith.maximumf %get3A_228, %max3A_230 : vector<16xf32>
      %div3A_232 = arith.constant 1.000000e+00 : f32
      %div3A_233 = vector.broadcast %div3A_232 : f32 to vector<16xf32>
      %div3A_234 = arith.divf %div3A_233, %max3A_231 : vector<16xf32>
      %swap3A_235 = arith.constant 80 : index
      %swap3A_236 = tpu.vector_load %arg12[%swap3A_235] {strides = array<i32>} : memref<128xf32, #tpu.memory_space<vmem>>, vector<16xf32>,
      %swap3A_237 = vector.shape_cast %swap3A_236 : vector<16xf32> to vector<16xf32>
      %swap3A_238 = vector.shape_cast %div3A_234 : vector<16xf32> to vector<16xf32>
      tpu.vector_store %arg12[%swap3A_235], %swap3A_238 {strides = array<i32>} : memref<128xf32, #tpu.memory_space<vmem>>, vector<16xf32>,
      %get3A_239 = arith.constant 96 : index
      %get3A_240 = tpu.vector_load %arg12[%get3A_239] {strides = array<i32>} : memref<128xf32, #tpu.memory_space<vmem>>, vector<16xf32>,
      %get3A_241 = vector.shape_cast %get3A_240 : vector<16xf32> to vector<16xf32>
      %max3A_242 = arith.constant 1.000000e+00 : f32
      %max3A_243 = vector.broadcast %max3A_242 : f32 to vector<16xf32>
      %max3A_244 = arith.maximumf %get3A_241, %max3A_243 : vector<16xf32>
      %div3A_245 = arith.constant 1.000000e+00 : f32
      %div3A_246 = vector.broadcast %div3A_245 : f32 to vector<16xf32>
      %div3A_247 = arith.divf %div3A_246, %max3A_244 : vector<16xf32>
      %swap3A_248 = arith.constant 96 : index
      %swap3A_249 = tpu.vector_load %arg12[%swap3A_248] {strides = array<i32>} : memref<128xf32, #tpu.memory_space<vmem>>, vector<16xf32>,
      %swap3A_250 = vector.shape_cast %swap3A_249 : vector<16xf32> to vector<16xf32>
      %swap3A_251 = vector.shape_cast %div3A_247 : vector<16xf32> to vector<16xf32>
      tpu.vector_store %arg12[%swap3A_248], %swap3A_251 {strides = array<i32>} : memref<128xf32, #tpu.memory_space<vmem>>, vector<16xf32>,
      %get3A_252 = arith.constant 112 : index
      %get3A_253 = tpu.vector_load %arg12[%get3A_252] {strides = array<i32>} : memref<128xf32, #tpu.memory_space<vmem>>, vector<16xf32>,
      %get3A_254 = vector.shape_cast %get3A_253 : vector<16xf32> to vector<16xf32>
      %max3A_255 = arith.constant 1.000000e+00 : f32
      %max3A_256 = vector.broadcast %max3A_255 : f32 to vector<16xf32>
      %max3A_257 = arith.maximumf %get3A_254, %max3A_256 : vector<16xf32>
      %div3A_258 = arith.constant 1.000000e+00 : f32
      %div3A_259 = vector.broadcast %div3A_258 : f32 to vector<16xf32>
      %div3A_260 = arith.divf %div3A_259, %max3A_257 : vector<16xf32>
      %swap3A_261 = arith.constant 112 : index
      %swap3A_262 = tpu.vector_load %arg12[%swap3A_261] {strides = array<i32>} : memref<128xf32, #tpu.memory_space<vmem>>, vector<16xf32>,
      %swap3A_263 = vector.shape_cast %swap3A_262 : vector<16xf32> to vector<16xf32>
      %swap3A_264 = vector.shape_cast %div3A_260 : vector<16xf32> to vector<16xf32>
      tpu.vector_store %arg12[%swap3A_261], %swap3A_264 {strides = array<i32>} : memref<128xf32, #tpu.memory_space<vmem>>, vector<16xf32>,
      %scan3A_265 = arith.constant 0 : i32
      %scan3A_266 = arith.constant 0 : i32
      %scan3A_267 = arith.constant 8 : i32
      %scan3A_268 = arith.addi %scan3A_266, %scan3A_267 : i32
      %scan3A_269 = arith.constant 1 : i32
      scf.for %scan3A_273 = %scan3A_266 to %scan3A_268 step %scan3A_269  : i32 {
        %mul3A_274 = arith.constant 16 : i32
        %mul3A_275 = arith.muli %scan3A_273, %mul3A_274 : i32
        %get3A_276 = arith.index_cast %mul3A_275 : i32 to index
        %get3A_277 = tpu.vector_load %arg12[%get3A_276] {strides = array<i32>} : memref<128xf32, #tpu.memory_space<vmem>>, vector<16xf32>,
        %get3A_278 = vector.shape_cast %get3A_277 : vector<16xf32> to vector<16xf32>
        %slice3A = vector.extract_strided_slice %get3A_278 {offsets = [0], sizes = [1], strides = [1]} : vector<16xf32> to vector<1xf32>
        %squeeze3A = vector.extract %slice3A[0] : f32 from vector<1xf32>
        %mul3A_279 = arith.constant 16 : i32
        %mul3A_280 = arith.muli %scan3A_273, %mul3A_279 : i32
        %add3A_281 = arith.constant 0 : i32
        %add3A_282 = arith.addi %mul3A_280, %add3A_281 : i32
        %get3A_283 = arith.constant 0 : i32
        %get3A_284 = arith.index_cast %get3A_283 : i32 to index
        %get3A_285 = arith.index_cast %add3A_282 : i32 to index
        %get3A_286 = arith.constant 0 : index
        %get3A_287 = tpu.vector_load %arg10[%get3A_284, %get3A_285, %get3A_286] {strides = array<i32>} : memref<2x128x64xf32, #tpu.memory_space<vmem>>, vector<1x1x16xf32>,
        %get3A_288 = vector.shape_cast %get3A_287 : vector<1x1x16xf32> to vector<16xf32>
        %mul3A_289 = vector.broadcast %squeeze3A : f32 to vector<16xf32>
        %mul3A_290 = arith.mulf %get3A_288, %mul3A_289 : vector<16xf32>
        %swap3A_291 = arith.constant 0 : i32
        %swap3A_292 = arith.index_cast %swap3A_291 : i32 to index
        %swap3A_293 = arith.index_cast %add3A_282 : i32 to index
        %swap3A_294 = arith.constant 0 : index
        %swap3A_295 = tpu.vector_load %arg10[%swap3A_292, %swap3A_293, %swap3A_294] {strides = array<i32>} : memref<2x128x64xf32, #tpu.memory_space<vmem>>, vector<1x1x16xf32>,
        %swap3A_296 = vector.shape_cast %swap3A_295 : vector<1x1x16xf32> to vector<16xf32>
        %swap3A_297 = vector.shape_cast %mul3A_290 : vector<16xf32> to vector<1x1x16xf32>
        tpu.vector_store %arg10[%swap3A_292, %swap3A_293, %swap3A_294], %swap3A_297 {strides = array<i32>} : memref<2x128x64xf32, #tpu.memory_space<vmem>>, vector<1x1x16xf32>,
        %get3A_298 = arith.constant 0 : i32
        %get3A_299 = arith.index_cast %get3A_298 : i32 to index
        %get3A_300 = arith.index_cast %add3A_282 : i32 to index
        %get3A_301 = arith.constant 16 : index
        %get3A_302 = tpu.vector_load %arg10[%get3A_299, %get3A_300, %get3A_301] {strides = array<i32>} : memref<2x128x64xf32, #tpu.memory_space<vmem>>, vector<1x1x16xf32>,
        %get3A_303 = vector.shape_cast %get3A_302 : vector<1x1x16xf32> to vector<16xf32>
        %mul3A_304 = vector.broadcast %squeeze3A : f32 to vector<16xf32>
        %mul3A_305 = arith.mulf %get3A_303, %mul3A_304 : vector<16xf32>
        %swap3A_306 = arith.constant 0 : i32
        %swap3A_307 = arith.index_cast %swap3A_306 : i32 to index
        %swap3A_308 = arith.index_cast %add3A_282 : i32 to index
        %swap3A_309 = arith.constant 16 : index
        %swap3A_310 = tpu.vector_load %arg10[%swap3A_307, %swap3A_308, %swap3A_309] {strides = array<i32>} : memref<2x128x64xf32, #tpu.memory_space<vmem>>, vector<1x1x16xf32>,
        %swap3A_311 = vector.shape_cast %swap3A_310 : vector<1x1x16xf32> to vector<16xf32>
        %swap3A_312 = vector.shape_cast %mul3A_305 : vector<16xf32> to vector<1x1x16xf32>
        tpu.vector_store %arg10[%swap3A_307, %swap3A_308, %swap3A_309], %swap3A_312 {strides = array<i32>} : memref<2x128x64xf32, #tpu.memory_space<vmem>>, vector<1x1x16xf32>,
        %get3A_313 = arith.constant 0 : i32
        %get3A_314 = arith.index_cast %get3A_313 : i32 to index
        %get3A_315 = arith.index_cast %add3A_282 : i32 to index
        %get3A_316 = arith.constant 32 : index
        %get3A_317 = tpu.vector_load %arg10[%get3A_314, %get3A_315, %get3A_316] {strides = array<i32>} : memref<2x128x64xf32, #tpu.memory_space<vmem>>, vector<1x1x16xf32>,
        %get3A_318 = vector.shape_cast %get3A_317 : vector<1x1x16xf32> to vector<16xf32>
        %mul3A_319 = vector.broadcast %squeeze3A : f32 to vector<16xf32>
        %mul3A_320 = arith.mulf %get3A_318, %mul3A_319 : vector<16xf32>
        %swap3A_321 = arith.constant 0 : i32
        %swap3A_322 = arith.index_cast %swap3A_321 : i32 to index
        %swap3A_323 = arith.index_cast %add3A_282 : i32 to index
        %swap3A_324 = arith.constant 32 : index
        %swap3A_325 = tpu.vector_load %arg10[%swap3A_322, %swap3A_323, %swap3A_324] {strides = array<i32>} : memref<2x128x64xf32, #tpu.memory_space<vmem>>, vector<1x1x16xf32>,
        %swap3A_326 = vector.shape_cast %swap3A_325 : vector<1x1x16xf32> to vector<16xf32>
        %swap3A_327 = vector.shape_cast %mul3A_320 : vector<16xf32> to vector<1x1x16xf32>
        tpu.vector_store %arg10[%swap3A_322, %swap3A_323, %swap3A_324], %swap3A_327 {strides = array<i32>} : memref<2x128x64xf32, #tpu.memory_space<vmem>>, vector<1x1x16xf32>,
        %get3A_328 = arith.constant 0 : i32
        %get3A_329 = arith.index_cast %get3A_328 : i32 to index
        %get3A_330 = arith.index_cast %add3A_282 : i32 to index
        %get3A_331 = arith.constant 48 : index
        %get3A_332 = tpu.vector_load %arg10[%get3A_329, %get3A_330, %get3A_331] {strides = array<i32>} : memref<2x128x64xf32, #tpu.memory_space<vmem>>, vector<1x1x16xf32>,
        %get3A_333 = vector.shape_cast %get3A_332 : vector<1x1x16xf32> to vector<16xf32>
        %mul3A_334 = vector.broadcast %squeeze3A : f32 to vector<16xf32>
        %mul3A_335 = arith.mulf %get3A_333, %mul3A_334 : vector<16xf32>
        %swap3A_336 = arith.constant 0 : i32
        %swap3A_337 = arith.index_cast %swap3A_336 : i32 to index
        %swap3A_338 = arith.index_cast %add3A_282 : i32 to index
        %swap3A_339 = arith.constant 48 : index
        %swap3A_340 = tpu.vector_load %arg10[%swap3A_337, %swap3A_338, %swap3A_339] {strides = array<i32>} : memref<2x128x64xf32, #tpu.memory_space<vmem>>, vector<1x1x16xf32>,
        %swap3A_341 = vector.shape_cast %swap3A_340 : vector<1x1x16xf32> to vector<16xf32>
        %swap3A_342 = vector.shape_cast %mul3A_335 : vector<16xf32> to vector<1x1x16xf32>
        tpu.vector_store %arg10[%swap3A_337, %swap3A_338, %swap3A_339], %swap3A_342 {strides = array<i32>} : memref<2x128x64xf32, #tpu.memory_space<vmem>>, vector<1x1x16xf32>,
        %slice3A_343 = vector.extract_strided_slice %get3A_278 {offsets = [1], sizes = [1], strides = [1]} : vector<16xf32> to vector<1xf32>
        %squeeze3A_344 = vector.extract %slice3A_343[0] : f32 from vector<1xf32>
        %mul3A_345 = arith.constant 16 : i32
        %mul3A_346 = arith.muli %scan3A_273, %mul3A_345 : i32
        %add3A_347 = arith.constant 1 : i32
        %add3A_348 = arith.addi %mul3A_346, %add3A_347 : i32
        %get3A_349 = arith.constant 0 : i32
        %get3A_350 = arith.index_cast %get3A_349 : i32 to index
        %get3A_351 = arith.index_cast %add3A_348 : i32 to index
        %get3A_352 = arith.constant 0 : index
        %get3A_353 = tpu.vector_load %arg10[%get3A_350, %get3A_351, %get3A_352] {strides = array<i32>} : memref<2x128x64xf32, #tpu.memory_space<vmem>>, vector<1x1x16xf32>,
        %get3A_354 = vector.shape_cast %get3A_353 : vector<1x1x16xf32> to vector<16xf32>
        %mul3A_355 = vector.broadcast %squeeze3A_344 : f32 to vector<16xf32>
        %mul3A_356 = arith.mulf %get3A_354, %mul3A_355 : vector<16xf32>
        %swap3A_357 = arith.constant 0 : i32
        %swap3A_358 = arith.index_cast %swap3A_357 : i32 to index
        %swap3A_359 = arith.index_cast %add3A_348 : i32 to index
        %swap3A_360 = arith.constant 0 : index
        %swap3A_361 = tpu.vector_load %arg10[%swap3A_358, %swap3A_359, %swap3A_360] {strides = array<i32>} : memref<2x128x64xf32, #tpu.memory_space<vmem>>, vector<1x1x16xf32>,
        %swap3A_362 = vector.shape_cast %swap3A_361 : vector<1x1x16xf32> to vector<16xf32>
        %swap3A_363 = vector.shape_cast %mul3A_356 : vector<16xf32> to vector<1x1x16xf32>
        tpu.vector_store %arg10[%swap3A_358, %swap3A_359, %swap3A_360], %swap3A_363 {strides = array<i32>} : memref<2x128x64xf32, #tpu.memory_space<vmem>>, vector<1x1x16xf32>,
        %get3A_364 = arith.constant 0 : i32
        %get3A_365 = arith.index_cast %get3A_364 : i32 to index
        %get3A_366 = arith.index_cast %add3A_348 : i32 to index
        %get3A_367 = arith.constant 16 : index
        %get3A_368 = tpu.vector_load %arg10[%get3A_365, %get3A_366, %get3A_367] {strides = array<i32>} : memref<2x128x64xf32, #tpu.memory_space<vmem>>, vector<1x1x16xf32>,
        %get3A_369 = vector.shape_cast %get3A_368 : vector<1x1x16xf32> to vector<16xf32>
        %mul3A_370 = vector.broadcast %squeeze3A_344 : f32 to vector<16xf32>
        %mul3A_371 = arith.mulf %get3A_369, %mul3A_370 : vector<16xf32>
        %swap3A_372 = arith.constant 0 : i32
        %swap3A_373 = arith.index_cast %swap3A_372 : i32 to index
        %swap3A_374 = arith.index_cast %add3A_348 : i32 to index
        %swap3A_375 = arith.constant 16 : index
        %swap3A_376 = tpu.vector_load %arg10[%swap3A_373, %swap3A_374, %swap3A_375] {strides = array<i32>} : memref<2x128x64xf32, #tpu.memory_space<vmem>>, vector<1x1x16xf32>,
        %swap3A_377 = vector.shape_cast %swap3A_376 : vector<1x1x16xf32> to vector<16xf32>
        %swap3A_378 = vector.shape_cast %mul3A_371 : vector<16xf32> to vector<1x1x16xf32>
        tpu.vector_store %arg10[%swap3A_373, %swap3A_374, %swap3A_375], %swap3A_378 {strides = array<i32>} : memref<2x128x64xf32, #tpu.memory_space<vmem>>, vector<1x1x16xf32>,
        %get3A_379 = arith.constant 0 : i32
        %get3A_380 = arith.index_cast %get3A_379 : i32 to index
        %get3A_381 = arith.index_cast %add3A_348 : i32 to index
        %get3A_382 = arith.constant 32 : index
        %get3A_383 = tpu.vector_load %arg10[%get3A_380, %get3A_381, %get3A_382] {strides = array<i32>} : memref<2x128x64xf32, #tpu.memory_space<vmem>>, vector<1x1x16xf32>,
        %get3A_384 = vector.shape_cast %get3A_383 : vector<1x1x16xf32> to vector<16xf32>
        %mul3A_385 = vector.broadcast %squeeze3A_344 : f32 to vector<16xf32>
        %mul3A_386 = arith.mulf %get3A_384, %mul3A_385 : vector<16xf32>
        %swap3A_387 = arith.constant 0 : i32
        %swap3A_388 = arith.index_cast %swap3A_387 : i32 to index
        %swap3A_389 = arith.index_cast %add3A_348 : i32 to index
        %swap3A_390 = arith.constant 32 : index
        %swap3A_391 = tpu.vector_load %arg10[%swap3A_388, %swap3A_389, %swap3A_390] {strides = array<i32>} : memref<2x128x64xf32, #tpu.memory_space<vmem>>, vector<1x1x16xf32>,
        %swap3A_392 = vector.shape_cast %swap3A_391 : vector<1x1x16xf32> to vector<16xf32>
        %swap3A_393 = vector.shape_cast %mul3A_386 : vector<16xf32> to vector<1x1x16xf32>
        tpu.vector_store %arg10[%swap3A_388, %swap3A_389, %swap3A_390], %swap3A_393 {strides = array<i32>} : memref<2x128x64xf32, #tpu.memory_space<vmem>>, vector<1x1x16xf32>,
        %get3A_394 = arith.constant 0 : i32
        %get3A_395 = arith.index_cast %get3A_394 : i32 to index
        %get3A_396 = arith.index_cast %add3A_348 : i32 to index
        %get3A_397 = arith.constant 48 : index
        %get3A_398 = tpu.vector_load %arg10[%get3A_395, %get3A_396, %get3A_397] {strides = array<i32>} : memref<2x128x64xf32, #tpu.memory_space<vmem>>, vector<1x1x16xf32>,
        %get3A_399 = vector.shape_cast %get3A_398 : vector<1x1x16xf32> to vector<16xf32>
        %mul3A_400 = vector.broadcast %squeeze3A_344 : f32 to vector<16xf32>
        %mul3A_401 = arith.mulf %get3A_399, %mul3A_400 : vector<16xf32>
        %swap3A_402 = arith.constant 0 : i32
        %swap3A_403 = arith.index_cast %swap3A_402 : i32 to index
        %swap3A_404 = arith.index_cast %add3A_348 : i32 to index
        %swap3A_405 = arith.constant 48 : index
        %swap3A_406 = tpu.vector_load %arg10[%swap3A_403, %swap3A_404, %swap3A_405] {strides = array<i32>} : memref<2x128x64xf32, #tpu.memory_space<vmem>>, vector<1x1x16xf32>,
        %swap3A_407 = vector.shape_cast %swap3A_406 : vector<1x1x16xf32> to vector<16xf32>
        %swap3A_408 = vector.shape_cast %mul3A_401 : vector<16xf32> to vector<1x1x16xf32>
        tpu.vector_store %arg10[%swap3A_403, %swap3A_404, %swap3A_405], %swap3A_408 {strides = array<i32>} : memref<2x128x64xf32, #tpu.memory_space<vmem>>, vector<1x1x16xf32>,
        %slice3A_409 = vector.extract_strided_slice %get3A_278 {offsets = [2], sizes = [1], strides = [1]} : vector<16xf32> to vector<1xf32>
        %squeeze3A_410 = vector.extract %slice3A_409[0] : f32 from vector<1xf32>
        %mul3A_411 = arith.constant 16 : i32
        %mul3A_412 = arith.muli %scan3A_273, %mul3A_411 : i32
        %add3A_413 = arith.constant 2 : i32
        %add3A_414 = arith.addi %mul3A_412, %add3A_413 : i32
        %get3A_415 = arith.constant 0 : i32
        %get3A_416 = arith.index_cast %get3A_415 : i32 to index
        %get3A_417 = arith.index_cast %add3A_414 : i32 to index
        %get3A_418 = arith.constant 0 : index
        %get3A_419 = tpu.vector_load %arg10[%get3A_416, %get3A_417, %get3A_418] {strides = array<i32>} : memref<2x128x64xf32, #tpu.memory_space<vmem>>, vector<1x1x16xf32>,
        %get3A_420 = vector.shape_cast %get3A_419 : vector<1x1x16xf32> to vector<16xf32>
        %mul3A_421 = vector.broadcast %squeeze3A_410 : f32 to vector<16xf32>
        %mul3A_422 = arith.mulf %get3A_420, %mul3A_421 : vector<16xf32>
        %swap3A_423 = arith.constant 0 : i32
        %swap3A_424 = arith.index_cast %swap3A_423 : i32 to index
        %swap3A_425 = arith.index_cast %add3A_414 : i32 to index
        %swap3A_426 = arith.constant 0 : index
        %swap3A_427 = tpu.vector_load %arg10[%swap3A_424, %swap3A_425, %swap3A_426] {strides = array<i32>} : memref<2x128x64xf32, #tpu.memory_space<vmem>>, vector<1x1x16xf32>,
        %swap3A_428 = vector.shape_cast %swap3A_427 : vector<1x1x16xf32> to vector<16xf32>
        %swap3A_429 = vector.shape_cast %mul3A_422 : vector<16xf32> to vector<1x1x16xf32>
        tpu.vector_store %arg10[%swap3A_424, %swap3A_425, %swap3A_426], %swap3A_429 {strides = array<i32>} : memref<2x128x64xf32, #tpu.memory_space<vmem>>, vector<1x1x16xf32>,
        %get3A_430 = arith.constant 0 : i32
        %get3A_431 = arith.index_cast %get3A_430 : i32 to index
        %get3A_432 = arith.index_cast %add3A_414 : i32 to index
        %get3A_433 = arith.constant 16 : index
        %get3A_434 = tpu.vector_load %arg10[%get3A_431, %get3A_432, %get3A_433] {strides = array<i32>} : memref<2x128x64xf32, #tpu.memory_space<vmem>>, vector<1x1x16xf32>,
        %get3A_435 = vector.shape_cast %get3A_434 : vector<1x1x16xf32> to vector<16xf32>
        %mul3A_436 = vector.broadcast %squeeze3A_410 : f32 to vector<16xf32>
        %mul3A_437 = arith.mulf %get3A_435, %mul3A_436 : vector<16xf32>
        %swap3A_438 = arith.constant 0 : i32
        %swap3A_439 = arith.index_cast %swap3A_438 : i32 to index
        %swap3A_440 = arith.index_cast %add3A_414 : i32 to index
        %swap3A_441 = arith.constant 16 : index
        %swap3A_442 = tpu.vector_load %arg10[%swap3A_439, %swap3A_440, %swap3A_441] {strides = array<i32>} : memref<2x128x64xf32, #tpu.memory_space<vmem>>, vector<1x1x16xf32>,
        %swap3A_443 = vector.shape_cast %swap3A_442 : vector<1x1x16xf32> to vector<16xf32>
        %swap3A_444 = vector.shape_cast %mul3A_437 : vector<16xf32> to vector<1x1x16xf32>
        tpu.vector_store %arg10[%swap3A_439, %swap3A_440, %swap3A_441], %swap3A_444 {strides = array<i32>} : memref<2x128x64xf32, #tpu.memory_space<vmem>>, vector<1x1x16xf32>,
        %get3A_445 = arith.constant 0 : i32
        %get3A_446 = arith.index_cast %get3A_445 : i32 to index
        %get3A_447 = arith.index_cast %add3A_414 : i32 to index
        %get3A_448 = arith.constant 32 : index
        %get3A_449 = tpu.vector_load %arg10[%get3A_446, %get3A_447, %get3A_448] {strides = array<i32>} : memref<2x128x64xf32, #tpu.memory_space<vmem>>, vector<1x1x16xf32>,
        %get3A_450 = vector.shape_cast %get3A_449 : vector<1x1x16xf32> to vector<16xf32>
        %mul3A_451 = vector.broadcast %squeeze3A_410 : f32 to vector<16xf32>
        %mul3A_452 = arith.mulf %get3A_450, %mul3A_451 : vector<16xf32>
        %swap3A_453 = arith.constant 0 : i32
        %swap3A_454 = arith.index_cast %swap3A_453 : i32 to index
        %swap3A_455 = arith.index_cast %add3A_414 : i32 to index
        %swap3A_456 = arith.constant 32 : index
        %swap3A_457 = tpu.vector_load %arg10[%swap3A_454, %swap3A_455, %swap3A_456] {strides = array<i32>} : memref<2x128x64xf32, #tpu.memory_space<vmem>>, vector<1x1x16xf32>,
        %swap3A_458 = vector.shape_cast %swap3A_457 : vector<1x1x16xf32> to vector<16xf32>
        %swap3A_459 = vector.shape_cast %mul3A_452 : vector<16xf32> to vector<1x1x16xf32>
        tpu.vector_store %arg10[%swap3A_454, %swap3A_455, %swap3A_456], %swap3A_459 {strides = array<i32>} : memref<2x128x64xf32, #tpu.memory_space<vmem>>, vector<1x1x16xf32>,
        %get3A_460 = arith.constant 0 : i32
        %get3A_461 = arith.index_cast %get3A_460 : i32 to index
        %get3A_462 = arith.index_cast %add3A_414 : i32 to index
        %get3A_463 = arith.constant 48 : index
        %get3A_464 = tpu.vector_load %arg10[%get3A_461, %get3A_462, %get3A_463] {strides = array<i32>} : memref<2x128x64xf32, #tpu.memory_space<vmem>>, vector<1x1x16xf32>,
        %get3A_465 = vector.shape_cast %get3A_464 : vector<1x1x16xf32> to vector<16xf32>
        %mul3A_466 = vector.broadcast %squeeze3A_410 : f32 to vector<16xf32>
        %mul3A_467 = arith.mulf %get3A_465, %mul3A_466 : vector<16xf32>
        %swap3A_468 = arith.constant 0 : i32
        %swap3A_469 = arith.index_cast %swap3A_468 : i32 to index
        %swap3A_470 = arith.index_cast %add3A_414 : i32 to index
        %swap3A_471 = arith.constant 48 : index
        %swap3A_472 = tpu.vector_load %arg10[%swap3A_469, %swap3A_470, %swap3A_471] {strides = array<i32>} : memref<2x128x64xf32, #tpu.memory_space<vmem>>, vector<1x1x16xf32>,
        %swap3A_473 = vector.shape_cast %swap3A_472 : vector<1x1x16xf32> to vector<16xf32>
        %swap3A_474 = vector.shape_cast %mul3A_467 : vector<16xf32> to vector<1x1x16xf32>
        tpu.vector_store %arg10[%swap3A_469, %swap3A_470, %swap3A_471], %swap3A_474 {strides = array<i32>} : memref<2x128x64xf32, #tpu.memory_space<vmem>>, vector<1x1x16xf32>,
        %slice3A_475 = vector.extract_strided_slice %get3A_278 {offsets = [3], sizes = [1], strides = [1]} : vector<16xf32> to vector<1xf32>
        %squeeze3A_476 = vector.extract %slice3A_475[0] : f32 from vector<1xf32>
        %mul3A_477 = arith.constant 16 : i32
        %mul3A_478 = arith.muli %scan3A_273, %mul3A_477 : i32
        %add3A_479 = arith.constant 3 : i32
        %add3A_480 = arith.addi %mul3A_478, %add3A_479 : i32
        %get3A_481 = arith.constant 0 : i32
        %get3A_482 = arith.index_cast %get3A_481 : i32 to index
        %get3A_483 = arith.index_cast %add3A_480 : i32 to index
        %get3A_484 = arith.constant 0 : index
        %get3A_485 = tpu.vector_load %arg10[%get3A_482, %get3A_483, %get3A_484] {strides = array<i32>} : memref<2x128x64xf32, #tpu.memory_space<vmem>>, vector<1x1x16xf32>,
        %get3A_486 = vector.shape_cast %get3A_485 : vector<1x1x16xf32> to vector<16xf32>
        %mul3A_487 = vector.broadcast %squeeze3A_476 : f32 to vector<16xf32>
        %mul3A_488 = arith.mulf %get3A_486, %mul3A_487 : vector<16xf32>
        %swap3A_489 = arith.constant 0 : i32
        %swap3A_490 = arith.index_cast %swap3A_489 : i32 to index
        %swap3A_491 = arith.index_cast %add3A_480 : i32 to index
        %swap3A_492 = arith.constant 0 : index
        %swap3A_493 = tpu.vector_load %arg10[%swap3A_490, %swap3A_491, %swap3A_492] {strides = array<i32>} : memref<2x128x64xf32, #tpu.memory_space<vmem>>, vector<1x1x16xf32>,
        %swap3A_494 = vector.shape_cast %swap3A_493 : vector<1x1x16xf32> to vector<16xf32>
        %swap3A_495 = vector.shape_cast %mul3A_488 : vector<16xf32> to vector<1x1x16xf32>
        tpu.vector_store %arg10[%swap3A_490, %swap3A_491, %swap3A_492], %swap3A_495 {strides = array<i32>} : memref<2x128x64xf32, #tpu.memory_space<vmem>>, vector<1x1x16xf32>,
        %get3A_496 = arith.constant 0 : i32
        %get3A_497 = arith.index_cast %get3A_496 : i32 to index
        %get3A_498 = arith.index_cast %add3A_480 : i32 to index
        %get3A_499 = arith.constant 16 : index
        %get3A_500 = tpu.vector_load %arg10[%get3A_497, %get3A_498, %get3A_499] {strides = array<i32>} : memref<2x128x64xf32, #tpu.memory_space<vmem>>, vector<1x1x16xf32>,
        %get3A_501 = vector.shape_cast %get3A_500 : vector<1x1x16xf32> to vector<16xf32>
        %mul3A_502 = vector.broadcast %squeeze3A_476 : f32 to vector<16xf32>
        %mul3A_503 = arith.mulf %get3A_501, %mul3A_502 : vector<16xf32>
        %swap3A_504 = arith.constant 0 : i32
        %swap3A_505 = arith.index_cast %swap3A_504 : i32 to index
        %swap3A_506 = arith.index_cast %add3A_480 : i32 to index
        %swap3A_507 = arith.constant 16 : index
        %swap3A_508 = tpu.vector_load %arg10[%swap3A_505, %swap3A_506, %swap3A_507] {strides = array<i32>} : memref<2x128x64xf32, #tpu.memory_space<vmem>>, vector<1x1x16xf32>,
        %swap3A_509 = vector.shape_cast %swap3A_508 : vector<1x1x16xf32> to vector<16xf32>
        %swap3A_510 = vector.shape_cast %mul3A_503 : vector<16xf32> to vector<1x1x16xf32>
        tpu.vector_store %arg10[%swap3A_505, %swap3A_506, %swap3A_507], %swap3A_510 {strides = array<i32>} : memref<2x128x64xf32, #tpu.memory_space<vmem>>, vector<1x1x16xf32>,
        %get3A_511 = arith.constant 0 : i32
        %get3A_512 = arith.index_cast %get3A_511 : i32 to index
        %get3A_513 = arith.index_cast %add3A_480 : i32 to index
        %get3A_514 = arith.constant 32 : index
        %get3A_515 = tpu.vector_load %arg10[%get3A_512, %get3A_513, %get3A_514] {strides = array<i32>} : memref<2x128x64xf32, #tpu.memory_space<vmem>>, vector<1x1x16xf32>,
        %get3A_516 = vector.shape_cast %get3A_515 : vector<1x1x16xf32> to vector<16xf32>
        %mul3A_517 = vector.broadcast %squeeze3A_476 : f32 to vector<16xf32>
        %mul3A_518 = arith.mulf %get3A_516, %mul3A_517 : vector<16xf32>
        %swap3A_519 = arith.constant 0 : i32
        %swap3A_520 = arith.index_cast %swap3A_519 : i32 to index
        %swap3A_521 = arith.index_cast %add3A_480 : i32 to index
        %swap3A_522 = arith.constant 32 : index
        %swap3A_523 = tpu.vector_load %arg10[%swap3A_520, %swap3A_521, %swap3A_522] {strides = array<i32>} : memref<2x128x64xf32, #tpu.memory_space<vmem>>, vector<1x1x16xf32>,
        %swap3A_524 = vector.shape_cast %swap3A_523 : vector<1x1x16xf32> to vector<16xf32>
        %swap3A_525 = vector.shape_cast %mul3A_518 : vector<16xf32> to vector<1x1x16xf32>
        tpu.vector_store %arg10[%swap3A_520, %swap3A_521, %swap3A_522], %swap3A_525 {strides = array<i32>} : memref<2x128x64xf32, #tpu.memory_space<vmem>>, vector<1x1x16xf32>,
        %get3A_526 = arith.constant 0 : i32
        %get3A_527 = arith.index_cast %get3A_526 : i32 to index
        %get3A_528 = arith.index_cast %add3A_480 : i32 to index
        %get3A_529 = arith.constant 48 : index
        %get3A_530 = tpu.vector_load %arg10[%get3A_527, %get3A_528, %get3A_529] {strides = array<i32>} : memref<2x128x64xf32, #tpu.memory_space<vmem>>, vector<1x1x16xf32>,
        %get3A_531 = vector.shape_cast %get3A_530 : vector<1x1x16xf32> to vector<16xf32>
        %mul3A_532 = vector.broadcast %squeeze3A_476 : f32 to vector<16xf32>
        %mul3A_533 = arith.mulf %get3A_531, %mul3A_532 : vector<16xf32>
        %swap3A_534 = arith.constant 0 : i32
        %swap3A_535 = arith.index_cast %swap3A_534 : i32 to index
        %swap3A_536 = arith.index_cast %add3A_480 : i32 to index
        %swap3A_537 = arith.constant 48 : index
        %swap3A_538 = tpu.vector_load %arg10[%swap3A_535, %swap3A_536, %swap3A_537] {strides = array<i32>} : memref<2x128x64xf32, #tpu.memory_space<vmem>>, vector<1x1x16xf32>,
        %swap3A_539 = vector.shape_cast %swap3A_538 : vector<1x1x16xf32> to vector<16xf32>
        %swap3A_540 = vector.shape_cast %mul3A_533 : vector<16xf32> to vector<1x1x16xf32>
        tpu.vector_store %arg10[%swap3A_535, %swap3A_536, %swap3A_537], %swap3A_540 {strides = array<i32>} : memref<2x128x64xf32, #tpu.memory_space<vmem>>, vector<1x1x16xf32>,
        %slice3A_541 = vector.extract_strided_slice %get3A_278 {offsets = [4], sizes = [1], strides = [1]} : vector<16xf32> to vector<1xf32>
        %squeeze3A_542 = vector.extract %slice3A_541[0] : f32 from vector<1xf32>
        %mul3A_543 = arith.constant 16 : i32
        %mul3A_544 = arith.muli %scan3A_273, %mul3A_543 : i32
        %add3A_545 = arith.constant 4 : i32
        %add3A_546 = arith.addi %mul3A_544, %add3A_545 : i32
        %get3A_547 = arith.constant 0 : i32
        %get3A_548 = arith.index_cast %get3A_547 : i32 to index
        %get3A_549 = arith.index_cast %add3A_546 : i32 to index
        %get3A_550 = arith.constant 0 : index
        %get3A_551 = tpu.vector_load %arg10[%get3A_548, %get3A_549, %get3A_550] {strides = array<i32>} : memref<2x128x64xf32, #tpu.memory_space<vmem>>, vector<1x1x16xf32>,
        %get3A_552 = vector.shape_cast %get3A_551 : vector<1x1x16xf32> to vector<16xf32>
        %mul3A_553 = vector.broadcast %squeeze3A_542 : f32 to vector<16xf32>
        %mul3A_554 = arith.mulf %get3A_552, %mul3A_553 : vector<16xf32>
        %swap3A_555 = arith.constant 0 : i32
        %swap3A_556 = arith.index_cast %swap3A_555 : i32 to index
        %swap3A_557 = arith.index_cast %add3A_546 : i32 to index
        %swap3A_558 = arith.constant 0 : index
        %swap3A_559 = tpu.vector_load %arg10[%swap3A_556, %swap3A_557, %swap3A_558] {strides = array<i32>} : memref<2x128x64xf32, #tpu.memory_space<vmem>>, vector<1x1x16xf32>,
        %swap3A_560 = vector.shape_cast %swap3A_559 : vector<1x1x16xf32> to vector<16xf32>
        %swap3A_561 = vector.shape_cast %mul3A_554 : vector<16xf32> to vector<1x1x16xf32>
        tpu.vector_store %arg10[%swap3A_556, %swap3A_557, %swap3A_558], %swap3A_561 {strides = array<i32>} : memref<2x128x64xf32, #tpu.memory_space<vmem>>, vector<1x1x16xf32>,
        %get3A_562 = arith.constant 0 : i32
        %get3A_563 = arith.index_cast %get3A_562 : i32 to index
        %get3A_564 = arith.index_cast %add3A_546 : i32 to index
        %get3A_565 = arith.constant 16 : index
        %get3A_566 = tpu.vector_load %arg10[%get3A_563, %get3A_564, %get3A_565] {strides = array<i32>} : memref<2x128x64xf32, #tpu.memory_space<vmem>>, vector<1x1x16xf32>,
        %get3A_567 = vector.shape_cast %get3A_566 : vector<1x1x16xf32> to vector<16xf32>
        %mul3A_568 = vector.broadcast %squeeze3A_542 : f32 to vector<16xf32>
        %mul3A_569 = arith.mulf %get3A_567, %mul3A_568 : vector<16xf32>
        %swap3A_570 = arith.constant 0 : i32
        %swap3A_571 = arith.index_cast %swap3A_570 : i32 to index
        %swap3A_572 = arith.index_cast %add3A_546 : i32 to index
        %swap3A_573 = arith.constant 16 : index
        %swap3A_574 = tpu.vector_load %arg10[%swap3A_571, %swap3A_572, %swap3A_573] {strides = array<i32>} : memref<2x128x64xf32, #tpu.memory_space<vmem>>, vector<1x1x16xf32>,
        %swap3A_575 = vector.shape_cast %swap3A_574 : vector<1x1x16xf32> to vector<16xf32>
        %swap3A_576 = vector.shape_cast %mul3A_569 : vector<16xf32> to vector<1x1x16xf32>
        tpu.vector_store %arg10[%swap3A_571, %swap3A_572, %swap3A_573], %swap3A_576 {strides = array<i32>} : memref<2x128x64xf32, #tpu.memory_space<vmem>>, vector<1x1x16xf32>,
        %get3A_577 = arith.constant 0 : i32
        %get3A_578 = arith.index_cast %get3A_577 : i32 to index
        %get3A_579 = arith.index_cast %add3A_546 : i32 to index
        %get3A_580 = arith.constant 32 : index
        %get3A_581 = tpu.vector_load %arg10[%get3A_578, %get3A_579, %get3A_580] {strides = array<i32>} : memref<2x128x64xf32, #tpu.memory_space<vmem>>, vector<1x1x16xf32>,
        %get3A_582 = vector.shape_cast %get3A_581 : vector<1x1x16xf32> to vector<16xf32>
        %mul3A_583 = vector.broadcast %squeeze3A_542 : f32 to vector<16xf32>
        %mul3A_584 = arith.mulf %get3A_582, %mul3A_583 : vector<16xf32>
        %swap3A_585 = arith.constant 0 : i32
        %swap3A_586 = arith.index_cast %swap3A_585 : i32 to index
        %swap3A_587 = arith.index_cast %add3A_546 : i32 to index
        %swap3A_588 = arith.constant 32 : index
        %swap3A_589 = tpu.vector_load %arg10[%swap3A_586, %swap3A_587, %swap3A_588] {strides = array<i32>} : memref<2x128x64xf32, #tpu.memory_space<vmem>>, vector<1x1x16xf32>,
        %swap3A_590 = vector.shape_cast %swap3A_589 : vector<1x1x16xf32> to vector<16xf32>
        %swap3A_591 = vector.shape_cast %mul3A_584 : vector<16xf32> to vector<1x1x16xf32>
        tpu.vector_store %arg10[%swap3A_586, %swap3A_587, %swap3A_588], %swap3A_591 {strides = array<i32>} : memref<2x128x64xf32, #tpu.memory_space<vmem>>, vector<1x1x16xf32>,
        %get3A_592 = arith.constant 0 : i32
        %get3A_593 = arith.index_cast %get3A_592 : i32 to index
        %get3A_594 = arith.index_cast %add3A_546 : i32 to index
        %get3A_595 = arith.constant 48 : index
        %get3A_596 = tpu.vector_load %arg10[%get3A_593, %get3A_594, %get3A_595] {strides = array<i32>} : memref<2x128x64xf32, #tpu.memory_space<vmem>>, vector<1x1x16xf32>,
        %get3A_597 = vector.shape_cast %get3A_596 : vector<1x1x16xf32> to vector<16xf32>
        %mul3A_598 = vector.broadcast %squeeze3A_542 : f32 to vector<16xf32>
        %mul3A_599 = arith.mulf %get3A_597, %mul3A_598 : vector<16xf32>
        %swap3A_600 = arith.constant 0 : i32
        %swap3A_601 = arith.index_cast %swap3A_600 : i32 to index
        %swap3A_602 = arith.index_cast %add3A_546 : i32 to index
        %swap3A_603 = arith.constant 48 : index
        %swap3A_604 = tpu.vector_load %arg10[%swap3A_601, %swap3A_602, %swap3A_603] {strides = array<i32>} : memref<2x128x64xf32, #tpu.memory_space<vmem>>, vector<1x1x16xf32>,
        %swap3A_605 = vector.shape_cast %swap3A_604 : vector<1x1x16xf32> to vector<16xf32>
        %swap3A_606 = vector.shape_cast %mul3A_599 : vector<16xf32> to vector<1x1x16xf32>
        tpu.vector_store %arg10[%swap3A_601, %swap3A_602, %swap3A_603], %swap3A_606 {strides = array<i32>} : memref<2x128x64xf32, #tpu.memory_space<vmem>>, vector<1x1x16xf32>,
        %slice3A_607 = vector.extract_strided_slice %get3A_278 {offsets = [5], sizes = [1], strides = [1]} : vector<16xf32> to vector<1xf32>
        %squeeze3A_608 = vector.extract %slice3A_607[0] : f32 from vector<1xf32>
        %mul3A_609 = arith.constant 16 : i32
        %mul3A_610 = arith.muli %scan3A_273, %mul3A_609 : i32
        %add3A_611 = arith.constant 5 : i32
        %add3A_612 = arith.addi %mul3A_610, %add3A_611 : i32
        %get3A_613 = arith.constant 0 : i32
        %get3A_614 = arith.index_cast %get3A_613 : i32 to index
        %get3A_615 = arith.index_cast %add3A_612 : i32 to index
        %get3A_616 = arith.constant 0 : index
        %get3A_617 = tpu.vector_load %arg10[%get3A_614, %get3A_615, %get3A_616] {strides = array<i32>} : memref<2x128x64xf32, #tpu.memory_space<vmem>>, vector<1x1x16xf32>,
        %get3A_618 = vector.shape_cast %get3A_617 : vector<1x1x16xf32> to vector<16xf32>
        %mul3A_619 = vector.broadcast %squeeze3A_608 : f32 to vector<16xf32>
        %mul3A_620 = arith.mulf %get3A_618, %mul3A_619 : vector<16xf32>
        %swap3A_621 = arith.constant 0 : i32
        %swap3A_622 = arith.index_cast %swap3A_621 : i32 to index
        %swap3A_623 = arith.index_cast %add3A_612 : i32 to index
        %swap3A_624 = arith.constant 0 : index
        %swap3A_625 = tpu.vector_load %arg10[%swap3A_622, %swap3A_623, %swap3A_624] {strides = array<i32>} : memref<2x128x64xf32, #tpu.memory_space<vmem>>, vector<1x1x16xf32>,
        %swap3A_626 = vector.shape_cast %swap3A_625 : vector<1x1x16xf32> to vector<16xf32>
        %swap3A_627 = vector.shape_cast %mul3A_620 : vector<16xf32> to vector<1x1x16xf32>
        tpu.vector_store %arg10[%swap3A_622, %swap3A_623, %swap3A_624], %swap3A_627 {strides = array<i32>} : memref<2x128x64xf32, #tpu.memory_space<vmem>>, vector<1x1x16xf32>,
        %get3A_628 = arith.constant 0 : i32
        %get3A_629 = arith.index_cast %get3A_628 : i32 to index
        %get3A_630 = arith.index_cast %add3A_612 : i32 to index
        %get3A_631 = arith.constant 16 : index
        %get3A_632 = tpu.vector_load %arg10[%get3A_629, %get3A_630, %get3A_631] {strides = array<i32>} : memref<2x128x64xf32, #tpu.memory_space<vmem>>, vector<1x1x16xf32>,
        %get3A_633 = vector.shape_cast %get3A_632 : vector<1x1x16xf32> to vector<16xf32>
        %mul3A_634 = vector.broadcast %squeeze3A_608 : f32 to vector<16xf32>
        %mul3A_635 = arith.mulf %get3A_633, %mul3A_634 : vector<16xf32>
        %swap3A_636 = arith.constant 0 : i32
        %swap3A_637 = arith.index_cast %swap3A_636 : i32 to index
        %swap3A_638 = arith.index_cast %add3A_612 : i32 to index
        %swap3A_639 = arith.constant 16 : index
        %swap3A_640 = tpu.vector_load %arg10[%swap3A_637, %swap3A_638, %swap3A_639] {strides = array<i32>} : memref<2x128x64xf32, #tpu.memory_space<vmem>>, vector<1x1x16xf32>,
        %swap3A_641 = vector.shape_cast %swap3A_640 : vector<1x1x16xf32> to vector<16xf32>
        %swap3A_642 = vector.shape_cast %mul3A_635 : vector<16xf32> to vector<1x1x16xf32>
        tpu.vector_store %arg10[%swap3A_637, %swap3A_638, %swap3A_639], %swap3A_642 {strides = array<i32>} : memref<2x128x64xf32, #tpu.memory_space<vmem>>, vector<1x1x16xf32>,
        %get3A_643 = arith.constant 0 : i32
        %get3A_644 = arith.index_cast %get3A_643 : i32 to index
        %get3A_645 = arith.index_cast %add3A_612 : i32 to index
        %get3A_646 = arith.constant 32 : index
        %get3A_647 = tpu.vector_load %arg10[%get3A_644, %get3A_645, %get3A_646] {strides = array<i32>} : memref<2x128x64xf32, #tpu.memory_space<vmem>>, vector<1x1x16xf32>,
        %get3A_648 = vector.shape_cast %get3A_647 : vector<1x1x16xf32> to vector<16xf32>
        %mul3A_649 = vector.broadcast %squeeze3A_608 : f32 to vector<16xf32>
        %mul3A_650 = arith.mulf %get3A_648, %mul3A_649 : vector<16xf32>
        %swap3A_651 = arith.constant 0 : i32
        %swap3A_652 = arith.index_cast %swap3A_651 : i32 to index
        %swap3A_653 = arith.index_cast %add3A_612 : i32 to index
        %swap3A_654 = arith.constant 32 : index
        %swap3A_655 = tpu.vector_load %arg10[%swap3A_652, %swap3A_653, %swap3A_654] {strides = array<i32>} : memref<2x128x64xf32, #tpu.memory_space<vmem>>, vector<1x1x16xf32>,
        %swap3A_656 = vector.shape_cast %swap3A_655 : vector<1x1x16xf32> to vector<16xf32>
        %swap3A_657 = vector.shape_cast %mul3A_650 : vector<16xf32> to vector<1x1x16xf32>
        tpu.vector_store %arg10[%swap3A_652, %swap3A_653, %swap3A_654], %swap3A_657 {strides = array<i32>} : memref<2x128x64xf32, #tpu.memory_space<vmem>>, vector<1x1x16xf32>,
        %get3A_658 = arith.constant 0 : i32
        %get3A_659 = arith.index_cast %get3A_658 : i32 to index
        %get3A_660 = arith.index_cast %add3A_612 : i32 to index
        %get3A_661 = arith.constant 48 : index
        %get3A_662 = tpu.vector_load %arg10[%get3A_659, %get3A_660, %get3A_661] {strides = array<i32>} : memref<2x128x64xf32, #tpu.memory_space<vmem>>, vector<1x1x16xf32>,
        %get3A_663 = vector.shape_cast %get3A_662 : vector<1x1x16xf32> to vector<16xf32>
        %mul3A_664 = vector.broadcast %squeeze3A_608 : f32 to vector<16xf32>
        %mul3A_665 = arith.mulf %get3A_663, %mul3A_664 : vector<16xf32>
        %swap3A_666 = arith.constant 0 : i32
        %swap3A_667 = arith.index_cast %swap3A_666 : i32 to index
        %swap3A_668 = arith.index_cast %add3A_612 : i32 to index
        %swap3A_669 = arith.constant 48 : index
        %swap3A_670 = tpu.vector_load %arg10[%swap3A_667, %swap3A_668, %swap3A_669] {strides = array<i32>} : memref<2x128x64xf32, #tpu.memory_space<vmem>>, vector<1x1x16xf32>,
        %swap3A_671 = vector.shape_cast %swap3A_670 : vector<1x1x16xf32> to vector<16xf32>
        %swap3A_672 = vector.shape_cast %mul3A_665 : vector<16xf32> to vector<1x1x16xf32>
        tpu.vector_store %arg10[%swap3A_667, %swap3A_668, %swap3A_669], %swap3A_672 {strides = array<i32>} : memref<2x128x64xf32, #tpu.memory_space<vmem>>, vector<1x1x16xf32>,
        %slice3A_673 = vector.extract_strided_slice %get3A_278 {offsets = [6], sizes = [1], strides = [1]} : vector<16xf32> to vector<1xf32>
        %squeeze3A_674 = vector.extract %slice3A_673[0] : f32 from vector<1xf32>
        %mul3A_675 = arith.constant 16 : i32
        %mul3A_676 = arith.muli %scan3A_273, %mul3A_675 : i32
        %add3A_677 = arith.constant 6 : i32
        %add3A_678 = arith.addi %mul3A_676, %add3A_677 : i32
        %get3A_679 = arith.constant 0 : i32
        %get3A_680 = arith.index_cast %get3A_679 : i32 to index
        %get3A_681 = arith.index_cast %add3A_678 : i32 to index
        %get3A_682 = arith.constant 0 : index
        %get3A_683 = tpu.vector_load %arg10[%get3A_680, %get3A_681, %get3A_682] {strides = array<i32>} : memref<2x128x64xf32, #tpu.memory_space<vmem>>, vector<1x1x16xf32>,
        %get3A_684 = vector.shape_cast %get3A_683 : vector<1x1x16xf32> to vector<16xf32>
        %mul3A_685 = vector.broadcast %squeeze3A_674 : f32 to vector<16xf32>
        %mul3A_686 = arith.mulf %get3A_684, %mul3A_685 : vector<16xf32>
        %swap3A_687 = arith.constant 0 : i32
        %swap3A_688 = arith.index_cast %swap3A_687 : i32 to index
        %swap3A_689 = arith.index_cast %add3A_678 : i32 to index
        %swap3A_690 = arith.constant 0 : index
        %swap3A_691 = tpu.vector_load %arg10[%swap3A_688, %swap3A_689, %swap3A_690] {strides = array<i32>} : memref<2x128x64xf32, #tpu.memory_space<vmem>>, vector<1x1x16xf32>,
        %swap3A_692 = vector.shape_cast %swap3A_691 : vector<1x1x16xf32> to vector<16xf32>
        %swap3A_693 = vector.shape_cast %mul3A_686 : vector<16xf32> to vector<1x1x16xf32>
        tpu.vector_store %arg10[%swap3A_688, %swap3A_689, %swap3A_690], %swap3A_693 {strides = array<i32>} : memref<2x128x64xf32, #tpu.memory_space<vmem>>, vector<1x1x16xf32>,
        %get3A_694 = arith.constant 0 : i32
        %get3A_695 = arith.index_cast %get3A_694 : i32 to index
        %get3A_696 = arith.index_cast %add3A_678 : i32 to index
        %get3A_697 = arith.constant 16 : index
        %get3A_698 = tpu.vector_load %arg10[%get3A_695, %get3A_696, %get3A_697] {strides = array<i32>} : memref<2x128x64xf32, #tpu.memory_space<vmem>>, vector<1x1x16xf32>,
        %get3A_699 = vector.shape_cast %get3A_698 : vector<1x1x16xf32> to vector<16xf32>
        %mul3A_700 = vector.broadcast %squeeze3A_674 : f32 to vector<16xf32>
        %mul3A_701 = arith.mulf %get3A_699, %mul3A_700 : vector<16xf32>
        %swap3A_702 = arith.constant 0 : i32
        %swap3A_703 = arith.index_cast %swap3A_702 : i32 to index
        %swap3A_704 = arith.index_cast %add3A_678 : i32 to index
        %swap3A_705 = arith.constant 16 : index
        %swap3A_706 = tpu.vector_load %arg10[%swap3A_703, %swap3A_704, %swap3A_705] {strides = array<i32>} : memref<2x128x64xf32, #tpu.memory_space<vmem>>, vector<1x1x16xf32>,
        %swap3A_707 = vector.shape_cast %swap3A_706 : vector<1x1x16xf32> to vector<16xf32>
        %swap3A_708 = vector.shape_cast %mul3A_701 : vector<16xf32> to vector<1x1x16xf32>
        tpu.vector_store %arg10[%swap3A_703, %swap3A_704, %swap3A_705], %swap3A_708 {strides = array<i32>} : memref<2x128x64xf32, #tpu.memory_space<vmem>>, vector<1x1x16xf32>,
        %get3A_709 = arith.constant 0 : i32
        %get3A_710 = arith.index_cast %get3A_709 : i32 to index
        %get3A_711 = arith.index_cast %add3A_678 : i32 to index
        %get3A_712 = arith.constant 32 : index
        %get3A_713 = tpu.vector_load %arg10[%get3A_710, %get3A_711, %get3A_712] {strides = array<i32>} : memref<2x128x64xf32, #tpu.memory_space<vmem>>, vector<1x1x16xf32>,
        %get3A_714 = vector.shape_cast %get3A_713 : vector<1x1x16xf32> to vector<16xf32>
        %mul3A_715 = vector.broadcast %squeeze3A_674 : f32 to vector<16xf32>
        %mul3A_716 = arith.mulf %get3A_714, %mul3A_715 : vector<16xf32>
        %swap3A_717 = arith.constant 0 : i32
        %swap3A_718 = arith.index_cast %swap3A_717 : i32 to index
        %swap3A_719 = arith.index_cast %add3A_678 : i32 to index
        %swap3A_720 = arith.constant 32 : index
        %swap3A_721 = tpu.vector_load %arg10[%swap3A_718, %swap3A_719, %swap3A_720] {strides = array<i32>} : memref<2x128x64xf32, #tpu.memory_space<vmem>>, vector<1x1x16xf32>,
        %swap3A_722 = vector.shape_cast %swap3A_721 : vector<1x1x16xf32> to vector<16xf32>
        %swap3A_723 = vector.shape_cast %mul3A_716 : vector<16xf32> to vector<1x1x16xf32>
        tpu.vector_store %arg10[%swap3A_718, %swap3A_719, %swap3A_720], %swap3A_723 {strides = array<i32>} : memref<2x128x64xf32, #tpu.memory_space<vmem>>, vector<1x1x16xf32>,
        %get3A_724 = arith.constant 0 : i32
        %get3A_725 = arith.index_cast %get3A_724 : i32 to index
        %get3A_726 = arith.index_cast %add3A_678 : i32 to index
        %get3A_727 = arith.constant 48 : index
        %get3A_728 = tpu.vector_load %arg10[%get3A_725, %get3A_726, %get3A_727] {strides = array<i32>} : memref<2x128x64xf32, #tpu.memory_space<vmem>>, vector<1x1x16xf32>,
        %get3A_729 = vector.shape_cast %get3A_728 : vector<1x1x16xf32> to vector<16xf32>
        %mul3A_730 = vector.broadcast %squeeze3A_674 : f32 to vector<16xf32>
        %mul3A_731 = arith.mulf %get3A_729, %mul3A_730 : vector<16xf32>
        %swap3A_732 = arith.constant 0 : i32
        %swap3A_733 = arith.index_cast %swap3A_732 : i32 to index
        %swap3A_734 = arith.index_cast %add3A_678 : i32 to index
        %swap3A_735 = arith.constant 48 : index
        %swap3A_736 = tpu.vector_load %arg10[%swap3A_733, %swap3A_734, %swap3A_735] {strides = array<i32>} : memref<2x128x64xf32, #tpu.memory_space<vmem>>, vector<1x1x16xf32>,
        %swap3A_737 = vector.shape_cast %swap3A_736 : vector<1x1x16xf32> to vector<16xf32>
        %swap3A_738 = vector.shape_cast %mul3A_731 : vector<16xf32> to vector<1x1x16xf32>
        tpu.vector_store %arg10[%swap3A_733, %swap3A_734, %swap3A_735], %swap3A_738 {strides = array<i32>} : memref<2x128x64xf32, #tpu.memory_space<vmem>>, vector<1x1x16xf32>,
        %slice3A_739 = vector.extract_strided_slice %get3A_278 {offsets = [7], sizes = [1], strides = [1]} : vector<16xf32> to vector<1xf32>
        %squeeze3A_740 = vector.extract %slice3A_739[0] : f32 from vector<1xf32>
        %mul3A_741 = arith.constant 16 : i32
        %mul3A_742 = arith.muli %scan3A_273, %mul3A_741 : i32
        %add3A_743 = arith.constant 7 : i32
        %add3A_744 = arith.addi %mul3A_742, %add3A_743 : i32
        %get3A_745 = arith.constant 0 : i32
        %get3A_746 = arith.index_cast %get3A_745 : i32 to index
        %get3A_747 = arith.index_cast %add3A_744 : i32 to index
        %get3A_748 = arith.constant 0 : index
        %get3A_749 = tpu.vector_load %arg10[%get3A_746, %get3A_747, %get3A_748] {strides = array<i32>} : memref<2x128x64xf32, #tpu.memory_space<vmem>>, vector<1x1x16xf32>,
        %get3A_750 = vector.shape_cast %get3A_749 : vector<1x1x16xf32> to vector<16xf32>
        %mul3A_751 = vector.broadcast %squeeze3A_740 : f32 to vector<16xf32>
        %mul3A_752 = arith.mulf %get3A_750, %mul3A_751 : vector<16xf32>
        %swap3A_753 = arith.constant 0 : i32
        %swap3A_754 = arith.index_cast %swap3A_753 : i32 to index
        %swap3A_755 = arith.index_cast %add3A_744 : i32 to index
        %swap3A_756 = arith.constant 0 : index
        %swap3A_757 = tpu.vector_load %arg10[%swap3A_754, %swap3A_755, %swap3A_756] {strides = array<i32>} : memref<2x128x64xf32, #tpu.memory_space<vmem>>, vector<1x1x16xf32>,
        %swap3A_758 = vector.shape_cast %swap3A_757 : vector<1x1x16xf32> to vector<16xf32>
        %swap3A_759 = vector.shape_cast %mul3A_752 : vector<16xf32> to vector<1x1x16xf32>
        tpu.vector_store %arg10[%swap3A_754, %swap3A_755, %swap3A_756], %swap3A_759 {strides = array<i32>} : memref<2x128x64xf32, #tpu.memory_space<vmem>>, vector<1x1x16xf32>,
        %get3A_760 = arith.constant 0 : i32
        %get3A_761 = arith.index_cast %get3A_760 : i32 to index
        %get3A_762 = arith.index_cast %add3A_744 : i32 to index
        %get3A_763 = arith.constant 16 : index
        %get3A_764 = tpu.vector_load %arg10[%get3A_761, %get3A_762, %get3A_763] {strides = array<i32>} : memref<2x128x64xf32, #tpu.memory_space<vmem>>, vector<1x1x16xf32>,
        %get3A_765 = vector.shape_cast %get3A_764 : vector<1x1x16xf32> to vector<16xf32>
        %mul3A_766 = vector.broadcast %squeeze3A_740 : f32 to vector<16xf32>
        %mul3A_767 = arith.mulf %get3A_765, %mul3A_766 : vector<16xf32>
        %swap3A_768 = arith.constant 0 : i32
        %swap3A_769 = arith.index_cast %swap3A_768 : i32 to index
        %swap3A_770 = arith.index_cast %add3A_744 : i32 to index
        %swap3A_771 = arith.constant 16 : index
        %swap3A_772 = tpu.vector_load %arg10[%swap3A_769, %swap3A_770, %swap3A_771] {strides = array<i32>} : memref<2x128x64xf32, #tpu.memory_space<vmem>>, vector<1x1x16xf32>,
        %swap3A_773 = vector.shape_cast %swap3A_772 : vector<1x1x16xf32> to vector<16xf32>
        %swap3A_774 = vector.shape_cast %mul3A_767 : vector<16xf32> to vector<1x1x16xf32>
        tpu.vector_store %arg10[%swap3A_769, %swap3A_770, %swap3A_771], %swap3A_774 {strides = array<i32>} : memref<2x128x64xf32, #tpu.memory_space<vmem>>, vector<1x1x16xf32>,
        %get3A_775 = arith.constant 0 : i32
        %get3A_776 = arith.index_cast %get3A_775 : i32 to index
        %get3A_777 = arith.index_cast %add3A_744 : i32 to index
        %get3A_778 = arith.constant 32 : index
        %get3A_779 = tpu.vector_load %arg10[%get3A_776, %get3A_777, %get3A_778] {strides = array<i32>} : memref<2x128x64xf32, #tpu.memory_space<vmem>>, vector<1x1x16xf32>,
        %get3A_780 = vector.shape_cast %get3A_779 : vector<1x1x16xf32> to vector<16xf32>
        %mul3A_781 = vector.broadcast %squeeze3A_740 : f32 to vector<16xf32>
        %mul3A_782 = arith.mulf %get3A_780, %mul3A_781 : vector<16xf32>
        %swap3A_783 = arith.constant 0 : i32
        %swap3A_784 = arith.index_cast %swap3A_783 : i32 to index
        %swap3A_785 = arith.index_cast %add3A_744 : i32 to index
        %swap3A_786 = arith.constant 32 : index
        %swap3A_787 = tpu.vector_load %arg10[%swap3A_784, %swap3A_785, %swap3A_786] {strides = array<i32>} : memref<2x128x64xf32, #tpu.memory_space<vmem>>, vector<1x1x16xf32>,
        %swap3A_788 = vector.shape_cast %swap3A_787 : vector<1x1x16xf32> to vector<16xf32>
        %swap3A_789 = vector.shape_cast %mul3A_782 : vector<16xf32> to vector<1x1x16xf32>
        tpu.vector_store %arg10[%swap3A_784, %swap3A_785, %swap3A_786], %swap3A_789 {strides = array<i32>} : memref<2x128x64xf32, #tpu.memory_space<vmem>>, vector<1x1x16xf32>,
        %get3A_790 = arith.constant 0 : i32
        %get3A_791 = arith.index_cast %get3A_790 : i32 to index
        %get3A_792 = arith.index_cast %add3A_744 : i32 to index
        %get3A_793 = arith.constant 48 : index
        %get3A_794 = tpu.vector_load %arg10[%get3A_791, %get3A_792, %get3A_793] {strides = array<i32>} : memref<2x128x64xf32, #tpu.memory_space<vmem>>, vector<1x1x16xf32>,
        %get3A_795 = vector.shape_cast %get3A_794 : vector<1x1x16xf32> to vector<16xf32>
        %mul3A_796 = vector.broadcast %squeeze3A_740 : f32 to vector<16xf32>
        %mul3A_797 = arith.mulf %get3A_795, %mul3A_796 : vector<16xf32>
        %swap3A_798 = arith.constant 0 : i32
        %swap3A_799 = arith.index_cast %swap3A_798 : i32 to index
        %swap3A_800 = arith.index_cast %add3A_744 : i32 to index
        %swap3A_801 = arith.constant 48 : index
        %swap3A_802 = tpu.vector_load %arg10[%swap3A_799, %swap3A_800, %swap3A_801] {strides = array<i32>} : memref<2x128x64xf32, #tpu.memory_space<vmem>>, vector<1x1x16xf32>,
        %swap3A_803 = vector.shape_cast %swap3A_802 : vector<1x1x16xf32> to vector<16xf32>
        %swap3A_804 = vector.shape_cast %mul3A_797 : vector<16xf32> to vector<1x1x16xf32>
        tpu.vector_store %arg10[%swap3A_799, %swap3A_800, %swap3A_801], %swap3A_804 {strides = array<i32>} : memref<2x128x64xf32, #tpu.memory_space<vmem>>, vector<1x1x16xf32>,
        %slice3A_805 = vector.extract_strided_slice %get3A_278 {offsets = [8], sizes = [1], strides = [1]} : vector<16xf32> to vector<1xf32>
        %squeeze3A_806 = vector.extract %slice3A_805[0] : f32 from vector<1xf32>
        %mul3A_807 = arith.constant 16 : i32
        %mul3A_808 = arith.muli %scan3A_273, %mul3A_807 : i32
        %add3A_809 = arith.constant 8 : i32
        %add3A_810 = arith.addi %mul3A_808, %add3A_809 : i32
        %get3A_811 = arith.constant 0 : i32
        %get3A_812 = arith.index_cast %get3A_811 : i32 to index
        %get3A_813 = arith.index_cast %add3A_810 : i32 to index
        %get3A_814 = arith.constant 0 : index
        %get3A_815 = tpu.vector_load %arg10[%get3A_812, %get3A_813, %get3A_814] {strides = array<i32>} : memref<2x128x64xf32, #tpu.memory_space<vmem>>, vector<1x1x16xf32>,
        %get3A_816 = vector.shape_cast %get3A_815 : vector<1x1x16xf32> to vector<16xf32>
        %mul3A_817 = vector.broadcast %squeeze3A_806 : f32 to vector<16xf32>
        %mul3A_818 = arith.mulf %get3A_816, %mul3A_817 : vector<16xf32>
        %swap3A_819 = arith.constant 0 : i32
        %swap3A_820 = arith.index_cast %swap3A_819 : i32 to index
        %swap3A_821 = arith.index_cast %add3A_810 : i32 to index
        %swap3A_822 = arith.constant 0 : index
        %swap3A_823 = tpu.vector_load %arg10[%swap3A_820, %swap3A_821, %swap3A_822] {strides = array<i32>} : memref<2x128x64xf32, #tpu.memory_space<vmem>>, vector<1x1x16xf32>,
        %swap3A_824 = vector.shape_cast %swap3A_823 : vector<1x1x16xf32> to vector<16xf32>
        %swap3A_825 = vector.shape_cast %mul3A_818 : vector<16xf32> to vector<1x1x16xf32>
        tpu.vector_store %arg10[%swap3A_820, %swap3A_821, %swap3A_822], %swap3A_825 {strides = array<i32>} : memref<2x128x64xf32, #tpu.memory_space<vmem>>, vector<1x1x16xf32>,
        %get3A_826 = arith.constant 0 : i32
        %get3A_827 = arith.index_cast %get3A_826 : i32 to index
        %get3A_828 = arith.index_cast %add3A_810 : i32 to index
        %get3A_829 = arith.constant 16 : index
        %get3A_830 = tpu.vector_load %arg10[%get3A_827, %get3A_828, %get3A_829] {strides = array<i32>} : memref<2x128x64xf32, #tpu.memory_space<vmem>>, vector<1x1x16xf32>,
        %get3A_831 = vector.shape_cast %get3A_830 : vector<1x1x16xf32> to vector<16xf32>
        %mul3A_832 = vector.broadcast %squeeze3A_806 : f32 to vector<16xf32>
        %mul3A_833 = arith.mulf %get3A_831, %mul3A_832 : vector<16xf32>
        %swap3A_834 = arith.constant 0 : i32
        %swap3A_835 = arith.index_cast %swap3A_834 : i32 to index
        %swap3A_836 = arith.index_cast %add3A_810 : i32 to index
        %swap3A_837 = arith.constant 16 : index
        %swap3A_838 = tpu.vector_load %arg10[%swap3A_835, %swap3A_836, %swap3A_837] {strides = array<i32>} : memref<2x128x64xf32, #tpu.memory_space<vmem>>, vector<1x1x16xf32>,
        %swap3A_839 = vector.shape_cast %swap3A_838 : vector<1x1x16xf32> to vector<16xf32>
        %swap3A_840 = vector.shape_cast %mul3A_833 : vector<16xf32> to vector<1x1x16xf32>
        tpu.vector_store %arg10[%swap3A_835, %swap3A_836, %swap3A_837], %swap3A_840 {strides = array<i32>} : memref<2x128x64xf32, #tpu.memory_space<vmem>>, vector<1x1x16xf32>,
        %get3A_841 = arith.constant 0 : i32
        %get3A_842 = arith.index_cast %get3A_841 : i32 to index
        %get3A_843 = arith.index_cast %add3A_810 : i32 to index
        %get3A_844 = arith.constant 32 : index
        %get3A_845 = tpu.vector_load %arg10[%get3A_842, %get3A_843, %get3A_844] {strides = array<i32>} : memref<2x128x64xf32, #tpu.memory_space<vmem>>, vector<1x1x16xf32>,
        %get3A_846 = vector.shape_cast %get3A_845 : vector<1x1x16xf32> to vector<16xf32>
        %mul3A_847 = vector.broadcast %squeeze3A_806 : f32 to vector<16xf32>
        %mul3A_848 = arith.mulf %get3A_846, %mul3A_847 : vector<16xf32>
        %swap3A_849 = arith.constant 0 : i32
        %swap3A_850 = arith.index_cast %swap3A_849 : i32 to index
        %swap3A_851 = arith.index_cast %add3A_810 : i32 to index
        %swap3A_852 = arith.constant 32 : index
        %swap3A_853 = tpu.vector_load %arg10[%swap3A_850, %swap3A_851, %swap3A_852] {strides = array<i32>} : memref<2x128x64xf32, #tpu.memory_space<vmem>>, vector<1x1x16xf32>,
        %swap3A_854 = vector.shape_cast %swap3A_853 : vector<1x1x16xf32> to vector<16xf32>
        %swap3A_855 = vector.shape_cast %mul3A_848 : vector<16xf32> to vector<1x1x16xf32>
        tpu.vector_store %arg10[%swap3A_850, %swap3A_851, %swap3A_852], %swap3A_855 {strides = array<i32>} : memref<2x128x64xf32, #tpu.memory_space<vmem>>, vector<1x1x16xf32>,
        %get3A_856 = arith.constant 0 : i32
        %get3A_857 = arith.index_cast %get3A_856 : i32 to index
        %get3A_858 = arith.index_cast %add3A_810 : i32 to index
        %get3A_859 = arith.constant 48 : index
        %get3A_860 = tpu.vector_load %arg10[%get3A_857, %get3A_858, %get3A_859] {strides = array<i32>} : memref<2x128x64xf32, #tpu.memory_space<vmem>>, vector<1x1x16xf32>,
        %get3A_861 = vector.shape_cast %get3A_860 : vector<1x1x16xf32> to vector<16xf32>
        %mul3A_862 = vector.broadcast %squeeze3A_806 : f32 to vector<16xf32>
        %mul3A_863 = arith.mulf %get3A_861, %mul3A_862 : vector<16xf32>
        %swap3A_864 = arith.constant 0 : i32
        %swap3A_865 = arith.index_cast %swap3A_864 : i32 to index
        %swap3A_866 = arith.index_cast %add3A_810 : i32 to index
        %swap3A_867 = arith.constant 48 : index
        %swap3A_868 = tpu.vector_load %arg10[%swap3A_865, %swap3A_866, %swap3A_867] {strides = array<i32>} : memref<2x128x64xf32, #tpu.memory_space<vmem>>, vector<1x1x16xf32>,
        %swap3A_869 = vector.shape_cast %swap3A_868 : vector<1x1x16xf32> to vector<16xf32>
        %swap3A_870 = vector.shape_cast %mul3A_863 : vector<16xf32> to vector<1x1x16xf32>
        tpu.vector_store %arg10[%swap3A_865, %swap3A_866, %swap3A_867], %swap3A_870 {strides = array<i32>} : memref<2x128x64xf32, #tpu.memory_space<vmem>>, vector<1x1x16xf32>,
        %slice3A_871 = vector.extract_strided_slice %get3A_278 {offsets = [9], sizes = [1], strides = [1]} : vector<16xf32> to vector<1xf32>
        %squeeze3A_872 = vector.extract %slice3A_871[0] : f32 from vector<1xf32>
        %mul3A_873 = arith.constant 16 : i32
        %mul3A_874 = arith.muli %scan3A_273, %mul3A_873 : i32
        %add3A_875 = arith.constant 9 : i32
        %add3A_876 = arith.addi %mul3A_874, %add3A_875 : i32
        %get3A_877 = arith.constant 0 : i32
        %get3A_878 = arith.index_cast %get3A_877 : i32 to index
        %get3A_879 = arith.index_cast %add3A_876 : i32 to index
        %get3A_880 = arith.constant 0 : index
        %get3A_881 = tpu.vector_load %arg10[%get3A_878, %get3A_879, %get3A_880] {strides = array<i32>} : memref<2x128x64xf32, #tpu.memory_space<vmem>>, vector<1x1x16xf32>,
        %get3A_882 = vector.shape_cast %get3A_881 : vector<1x1x16xf32> to vector<16xf32>
        %mul3A_883 = vector.broadcast %squeeze3A_872 : f32 to vector<16xf32>
        %mul3A_884 = arith.mulf %get3A_882, %mul3A_883 : vector<16xf32>
        %swap3A_885 = arith.constant 0 : i32
        %swap3A_886 = arith.index_cast %swap3A_885 : i32 to index
        %swap3A_887 = arith.index_cast %add3A_876 : i32 to index
        %swap3A_888 = arith.constant 0 : index
        %swap3A_889 = tpu.vector_load %arg10[%swap3A_886, %swap3A_887, %swap3A_888] {strides = array<i32>} : memref<2x128x64xf32, #tpu.memory_space<vmem>>, vector<1x1x16xf32>,
        %swap3A_890 = vector.shape_cast %swap3A_889 : vector<1x1x16xf32> to vector<16xf32>
        %swap3A_891 = vector.shape_cast %mul3A_884 : vector<16xf32> to vector<1x1x16xf32>
        tpu.vector_store %arg10[%swap3A_886, %swap3A_887, %swap3A_888], %swap3A_891 {strides = array<i32>} : memref<2x128x64xf32, #tpu.memory_space<vmem>>, vector<1x1x16xf32>,
        %get3A_892 = arith.constant 0 : i32
        %get3A_893 = arith.index_cast %get3A_892 : i32 to index
        %get3A_894 = arith.index_cast %add3A_876 : i32 to index
        %get3A_895 = arith.constant 16 : index
        %get3A_896 = tpu.vector_load %arg10[%get3A_893, %get3A_894, %get3A_895] {strides = array<i32>} : memref<2x128x64xf32, #tpu.memory_space<vmem>>, vector<1x1x16xf32>,
        %get3A_897 = vector.shape_cast %get3A_896 : vector<1x1x16xf32> to vector<16xf32>
        %mul3A_898 = vector.broadcast %squeeze3A_872 : f32 to vector<16xf32>
        %mul3A_899 = arith.mulf %get3A_897, %mul3A_898 : vector<16xf32>
        %swap3A_900 = arith.constant 0 : i32
        %swap3A_901 = arith.index_cast %swap3A_900 : i32 to index
        %swap3A_902 = arith.index_cast %add3A_876 : i32 to index
        %swap3A_903 = arith.constant 16 : index
        %swap3A_904 = tpu.vector_load %arg10[%swap3A_901, %swap3A_902, %swap3A_903] {strides = array<i32>} : memref<2x128x64xf32, #tpu.memory_space<vmem>>, vector<1x1x16xf32>,
        %swap3A_905 = vector.shape_cast %swap3A_904 : vector<1x1x16xf32> to vector<16xf32>
        %swap3A_906 = vector.shape_cast %mul3A_899 : vector<16xf32> to vector<1x1x16xf32>
        tpu.vector_store %arg10[%swap3A_901, %swap3A_902, %swap3A_903], %swap3A_906 {strides = array<i32>} : memref<2x128x64xf32, #tpu.memory_space<vmem>>, vector<1x1x16xf32>,
        %get3A_907 = arith.constant 0 : i32
        %get3A_908 = arith.index_cast %get3A_907 : i32 to index
        %get3A_909 = arith.index_cast %add3A_876 : i32 to index
        %get3A_910 = arith.constant 32 : index
        %get3A_911 = tpu.vector_load %arg10[%get3A_908, %get3A_909, %get3A_910] {strides = array<i32>} : memref<2x128x64xf32, #tpu.memory_space<vmem>>, vector<1x1x16xf32>,
        %get3A_912 = vector.shape_cast %get3A_911 : vector<1x1x16xf32> to vector<16xf32>
        %mul3A_913 = vector.broadcast %squeeze3A_872 : f32 to vector<16xf32>
        %mul3A_914 = arith.mulf %get3A_912, %mul3A_913 : vector<16xf32>
        %swap3A_915 = arith.constant 0 : i32
        %swap3A_916 = arith.index_cast %swap3A_915 : i32 to index
        %swap3A_917 = arith.index_cast %add3A_876 : i32 to index
        %swap3A_918 = arith.constant 32 : index
        %swap3A_919 = tpu.vector_load %arg10[%swap3A_916, %swap3A_917, %swap3A_918] {strides = array<i32>} : memref<2x128x64xf32, #tpu.memory_space<vmem>>, vector<1x1x16xf32>,
        %swap3A_920 = vector.shape_cast %swap3A_919 : vector<1x1x16xf32> to vector<16xf32>
        %swap3A_921 = vector.shape_cast %mul3A_914 : vector<16xf32> to vector<1x1x16xf32>
        tpu.vector_store %arg10[%swap3A_916, %swap3A_917, %swap3A_918], %swap3A_921 {strides = array<i32>} : memref<2x128x64xf32, #tpu.memory_space<vmem>>, vector<1x1x16xf32>,
        %get3A_922 = arith.constant 0 : i32
        %get3A_923 = arith.index_cast %get3A_922 : i32 to index
        %get3A_924 = arith.index_cast %add3A_876 : i32 to index
        %get3A_925 = arith.constant 48 : index
        %get3A_926 = tpu.vector_load %arg10[%get3A_923, %get3A_924, %get3A_925] {strides = array<i32>} : memref<2x128x64xf32, #tpu.memory_space<vmem>>, vector<1x1x16xf32>,
        %get3A_927 = vector.shape_cast %get3A_926 : vector<1x1x16xf32> to vector<16xf32>
        %mul3A_928 = vector.broadcast %squeeze3A_872 : f32 to vector<16xf32>
        %mul3A_929 = arith.mulf %get3A_927, %mul3A_928 : vector<16xf32>
        %swap3A_930 = arith.constant 0 : i32
        %swap3A_931 = arith.index_cast %swap3A_930 : i32 to index
        %swap3A_932 = arith.index_cast %add3A_876 : i32 to index
        %swap3A_933 = arith.constant 48 : index
        %swap3A_934 = tpu.vector_load %arg10[%swap3A_931, %swap3A_932, %swap3A_933] {strides = array<i32>} : memref<2x128x64xf32, #tpu.memory_space<vmem>>, vector<1x1x16xf32>,
        %swap3A_935 = vector.shape_cast %swap3A_934 : vector<1x1x16xf32> to vector<16xf32>
        %swap3A_936 = vector.shape_cast %mul3A_929 : vector<16xf32> to vector<1x1x16xf32>
        tpu.vector_store %arg10[%swap3A_931, %swap3A_932, %swap3A_933], %swap3A_936 {strides = array<i32>} : memref<2x128x64xf32, #tpu.memory_space<vmem>>, vector<1x1x16xf32>,
        %slice3A_937 = vector.extract_strided_slice %get3A_278 {offsets = [10], sizes = [1], strides = [1]} : vector<16xf32> to vector<1xf32>
        %squeeze3A_938 = vector.extract %slice3A_937[0] : f32 from vector<1xf32>
        %mul3A_939 = arith.constant 16 : i32
        %mul3A_940 = arith.muli %scan3A_273, %mul3A_939 : i32
        %add3A_941 = arith.constant 10 : i32
        %add3A_942 = arith.addi %mul3A_940, %add3A_941 : i32
        %get3A_943 = arith.constant 0 : i32
        %get3A_944 = arith.index_cast %get3A_943 : i32 to index
        %get3A_945 = arith.index_cast %add3A_942 : i32 to index
        %get3A_946 = arith.constant 0 : index
        %get3A_947 = tpu.vector_load %arg10[%get3A_944, %get3A_945, %get3A_946] {strides = array<i32>} : memref<2x128x64xf32, #tpu.memory_space<vmem>>, vector<1x1x16xf32>,
        %get3A_948 = vector.shape_cast %get3A_947 : vector<1x1x16xf32> to vector<16xf32>
        %mul3A_949 = vector.broadcast %squeeze3A_938 : f32 to vector<16xf32>
        %mul3A_950 = arith.mulf %get3A_948, %mul3A_949 : vector<16xf32>
        %swap3A_951 = arith.constant 0 : i32
        %swap3A_952 = arith.index_cast %swap3A_951 : i32 to index
        %swap3A_953 = arith.index_cast %add3A_942 : i32 to index
        %swap3A_954 = arith.constant 0 : index
        %swap3A_955 = tpu.vector_load %arg10[%swap3A_952, %swap3A_953, %swap3A_954] {strides = array<i32>} : memref<2x128x64xf32, #tpu.memory_space<vmem>>, vector<1x1x16xf32>,
        %swap3A_956 = vector.shape_cast %swap3A_955 : vector<1x1x16xf32> to vector<16xf32>
        %swap3A_957 = vector.shape_cast %mul3A_950 : vector<16xf32> to vector<1x1x16xf32>
        tpu.vector_store %arg10[%swap3A_952, %swap3A_953, %swap3A_954], %swap3A_957 {strides = array<i32>} : memref<2x128x64xf32, #tpu.memory_space<vmem>>, vector<1x1x16xf32>,
        %get3A_958 = arith.constant 0 : i32
        %get3A_959 = arith.index_cast %get3A_958 : i32 to index
        %get3A_960 = arith.index_cast %add3A_942 : i32 to index
        %get3A_961 = arith.constant 16 : index
        %get3A_962 = tpu.vector_load %arg10[%get3A_959, %get3A_960, %get3A_961] {strides = array<i32>} : memref<2x128x64xf32, #tpu.memory_space<vmem>>, vector<1x1x16xf32>,
        %get3A_963 = vector.shape_cast %get3A_962 : vector<1x1x16xf32> to vector<16xf32>
        %mul3A_964 = vector.broadcast %squeeze3A_938 : f32 to vector<16xf32>
        %mul3A_965 = arith.mulf %get3A_963, %mul3A_964 : vector<16xf32>
        %swap3A_966 = arith.constant 0 : i32
        %swap3A_967 = arith.index_cast %swap3A_966 : i32 to index
        %swap3A_968 = arith.index_cast %add3A_942 : i32 to index
        %swap3A_969 = arith.constant 16 : index
        %swap3A_970 = tpu.vector_load %arg10[%swap3A_967, %swap3A_968, %swap3A_969] {strides = array<i32>} : memref<2x128x64xf32, #tpu.memory_space<vmem>>, vector<1x1x16xf32>,
        %swap3A_971 = vector.shape_cast %swap3A_970 : vector<1x1x16xf32> to vector<16xf32>
        %swap3A_972 = vector.shape_cast %mul3A_965 : vector<16xf32> to vector<1x1x16xf32>
        tpu.vector_store %arg10[%swap3A_967, %swap3A_968, %swap3A_969], %swap3A_972 {strides = array<i32>} : memref<2x128x64xf32, #tpu.memory_space<vmem>>, vector<1x1x16xf32>,
        %get3A_973 = arith.constant 0 : i32
        %get3A_974 = arith.index_cast %get3A_973 : i32 to index
        %get3A_975 = arith.index_cast %add3A_942 : i32 to index
        %get3A_976 = arith.constant 32 : index
        %get3A_977 = tpu.vector_load %arg10[%get3A_974, %get3A_975, %get3A_976] {strides = array<i32>} : memref<2x128x64xf32, #tpu.memory_space<vmem>>, vector<1x1x16xf32>,
        %get3A_978 = vector.shape_cast %get3A_977 : vector<1x1x16xf32> to vector<16xf32>
        %mul3A_979 = vector.broadcast %squeeze3A_938 : f32 to vector<16xf32>
        %mul3A_980 = arith.mulf %get3A_978, %mul3A_979 : vector<16xf32>
        %swap3A_981 = arith.constant 0 : i32
        %swap3A_982 = arith.index_cast %swap3A_981 : i32 to index
        %swap3A_983 = arith.index_cast %add3A_942 : i32 to index
        %swap3A_984 = arith.constant 32 : index
        %swap3A_985 = tpu.vector_load %arg10[%swap3A_982, %swap3A_983, %swap3A_984] {strides = array<i32>} : memref<2x128x64xf32, #tpu.memory_space<vmem>>, vector<1x1x16xf32>,
        %swap3A_986 = vector.shape_cast %swap3A_985 : vector<1x1x16xf32> to vector<16xf32>
        %swap3A_987 = vector.shape_cast %mul3A_980 : vector<16xf32> to vector<1x1x16xf32>
        tpu.vector_store %arg10[%swap3A_982, %swap3A_983, %swap3A_984], %swap3A_987 {strides = array<i32>} : memref<2x128x64xf32, #tpu.memory_space<vmem>>, vector<1x1x16xf32>,
        %get3A_988 = arith.constant 0 : i32
        %get3A_989 = arith.index_cast %get3A_988 : i32 to index
        %get3A_990 = arith.index_cast %add3A_942 : i32 to index
        %get3A_991 = arith.constant 48 : index
        %get3A_992 = tpu.vector_load %arg10[%get3A_989, %get3A_990, %get3A_991] {strides = array<i32>} : memref<2x128x64xf32, #tpu.memory_space<vmem>>, vector<1x1x16xf32>,
        %get3A_993 = vector.shape_cast %get3A_992 : vector<1x1x16xf32> to vector<16xf32>
        %mul3A_994 = vector.broadcast %squeeze3A_938 : f32 to vector<16xf32>
        %mul3A_995 = arith.mulf %get3A_993, %mul3A_994 : vector<16xf32>
        %swap3A_996 = arith.constant 0 : i32
        %swap3A_997 = arith.index_cast %swap3A_996 : i32 to index
        %swap3A_998 = arith.index_cast %add3A_942 : i32 to index
        %swap3A_999 = arith.constant 48 : index
        %swap3A_1000 = tpu.vector_load %arg10[%swap3A_997, %swap3A_998, %swap3A_999] {strides = array<i32>} : memref<2x128x64xf32, #tpu.memory_space<vmem>>, vector<1x1x16xf32>,
        %swap3A_1001 = vector.shape_cast %swap3A_1000 : vector<1x1x16xf32> to vector<16xf32>
        %swap3A_1002 = vector.shape_cast %mul3A_995 : vector<16xf32> to vector<1x1x16xf32>
        tpu.vector_store %arg10[%swap3A_997, %swap3A_998, %swap3A_999], %swap3A_1002 {strides = array<i32>} : memref<2x128x64xf32, #tpu.memory_space<vmem>>, vector<1x1x16xf32>,
        %slice3A_1003 = vector.extract_strided_slice %get3A_278 {offsets = [11], sizes = [1], strides = [1]} : vector<16xf32> to vector<1xf32>
        %squeeze3A_1004 = vector.extract %slice3A_1003[0] : f32 from vector<1xf32>
        %mul3A_1005 = arith.constant 16 : i32
        %mul3A_1006 = arith.muli %scan3A_273, %mul3A_1005 : i32
        %add3A_1007 = arith.constant 11 : i32
        %add3A_1008 = arith.addi %mul3A_1006, %add3A_1007 : i32
        %get3A_1009 = arith.constant 0 : i32
        %get3A_1010 = arith.index_cast %get3A_1009 : i32 to index
        %get3A_1011 = arith.index_cast %add3A_1008 : i32 to index
        %get3A_1012 = arith.constant 0 : index
        %get3A_1013 = tpu.vector_load %arg10[%get3A_1010, %get3A_1011, %get3A_1012] {strides = array<i32>} : memref<2x128x64xf32, #tpu.memory_space<vmem>>, vector<1x1x16xf32>,
        %get3A_1014 = vector.shape_cast %get3A_1013 : vector<1x1x16xf32> to vector<16xf32>
        %mul3A_1015 = vector.broadcast %squeeze3A_1004 : f32 to vector<16xf32>
        %mul3A_1016 = arith.mulf %get3A_1014, %mul3A_1015 : vector<16xf32>
        %swap3A_1017 = arith.constant 0 : i32
        %swap3A_1018 = arith.index_cast %swap3A_1017 : i32 to index
        %swap3A_1019 = arith.index_cast %add3A_1008 : i32 to index
        %swap3A_1020 = arith.constant 0 : index
        %swap3A_1021 = tpu.vector_load %arg10[%swap3A_1018, %swap3A_1019, %swap3A_1020] {strides = array<i32>} : memref<2x128x64xf32, #tpu.memory_space<vmem>>, vector<1x1x16xf32>,
        %swap3A_1022 = vector.shape_cast %swap3A_1021 : vector<1x1x16xf32> to vector<16xf32>
        %swap3A_1023 = vector.shape_cast %mul3A_1016 : vector<16xf32> to vector<1x1x16xf32>
        tpu.vector_store %arg10[%swap3A_1018, %swap3A_1019, %swap3A_1020], %swap3A_1023 {strides = array<i32>} : memref<2x128x64xf32, #tpu.memory_space<vmem>>, vector<1x1x16xf32>,
        %get3A_1024 = arith.constant 0 : i32
        %get3A_1025 = arith.index_cast %get3A_1024 : i32 to index
        %get3A_1026 = arith.index_cast %add3A_1008 : i32 to index
        %get3A_1027 = arith.constant 16 : index
        %get3A_1028 = tpu.vector_load %arg10[%get3A_1025, %get3A_1026, %get3A_1027] {strides = array<i32>} : memref<2x128x64xf32, #tpu.memory_space<vmem>>, vector<1x1x16xf32>,
        %get3A_1029 = vector.shape_cast %get3A_1028 : vector<1x1x16xf32> to vector<16xf32>
        %mul3A_1030 = vector.broadcast %squeeze3A_1004 : f32 to vector<16xf32>
        %mul3A_1031 = arith.mulf %get3A_1029, %mul3A_1030 : vector<16xf32>
        %swap3A_1032 = arith.constant 0 : i32
        %swap3A_1033 = arith.index_cast %swap3A_1032 : i32 to index
        %swap3A_1034 = arith.index_cast %add3A_1008 : i32 to index
        %swap3A_1035 = arith.constant 16 : index
        %swap3A_1036 = tpu.vector_load %arg10[%swap3A_1033, %swap3A_1034, %swap3A_1035] {strides = array<i32>} : memref<2x128x64xf32, #tpu.memory_space<vmem>>, vector<1x1x16xf32>,
        %swap3A_1037 = vector.shape_cast %swap3A_1036 : vector<1x1x16xf32> to vector<16xf32>
        %swap3A_1038 = vector.shape_cast %mul3A_1031 : vector<16xf32> to vector<1x1x16xf32>
        tpu.vector_store %arg10[%swap3A_1033, %swap3A_1034, %swap3A_1035], %swap3A_1038 {strides = array<i32>} : memref<2x128x64xf32, #tpu.memory_space<vmem>>, vector<1x1x16xf32>,
        %get3A_1039 = arith.constant 0 : i32
        %get3A_1040 = arith.index_cast %get3A_1039 : i32 to index
        %get3A_1041 = arith.index_cast %add3A_1008 : i32 to index
        %get3A_1042 = arith.constant 32 : index
        %get3A_1043 = tpu.vector_load %arg10[%get3A_1040, %get3A_1041, %get3A_1042] {strides = array<i32>} : memref<2x128x64xf32, #tpu.memory_space<vmem>>, vector<1x1x16xf32>,
        %get3A_1044 = vector.shape_cast %get3A_1043 : vector<1x1x16xf32> to vector<16xf32>
        %mul3A_1045 = vector.broadcast %squeeze3A_1004 : f32 to vector<16xf32>
        %mul3A_1046 = arith.mulf %get3A_1044, %mul3A_1045 : vector<16xf32>
        %swap3A_1047 = arith.constant 0 : i32
        %swap3A_1048 = arith.index_cast %swap3A_1047 : i32 to index
        %swap3A_1049 = arith.index_cast %add3A_1008 : i32 to index
        %swap3A_1050 = arith.constant 32 : index
        %swap3A_1051 = tpu.vector_load %arg10[%swap3A_1048, %swap3A_1049, %swap3A_1050] {strides = array<i32>} : memref<2x128x64xf32, #tpu.memory_space<vmem>>, vector<1x1x16xf32>,
        %swap3A_1052 = vector.shape_cast %swap3A_1051 : vector<1x1x16xf32> to vector<16xf32>
        %swap3A_1053 = vector.shape_cast %mul3A_1046 : vector<16xf32> to vector<1x1x16xf32>
        tpu.vector_store %arg10[%swap3A_1048, %swap3A_1049, %swap3A_1050], %swap3A_1053 {strides = array<i32>} : memref<2x128x64xf32, #tpu.memory_space<vmem>>, vector<1x1x16xf32>,
        %get3A_1054 = arith.constant 0 : i32
        %get3A_1055 = arith.index_cast %get3A_1054 : i32 to index
        %get3A_1056 = arith.index_cast %add3A_1008 : i32 to index
        %get3A_1057 = arith.constant 48 : index
        %get3A_1058 = tpu.vector_load %arg10[%get3A_1055, %get3A_1056, %get3A_1057] {strides = array<i32>} : memref<2x128x64xf32, #tpu.memory_space<vmem>>, vector<1x1x16xf32>,
        %get3A_1059 = vector.shape_cast %get3A_1058 : vector<1x1x16xf32> to vector<16xf32>
        %mul3A_1060 = vector.broadcast %squeeze3A_1004 : f32 to vector<16xf32>
        %mul3A_1061 = arith.mulf %get3A_1059, %mul3A_1060 : vector<16xf32>
        %swap3A_1062 = arith.constant 0 : i32
        %swap3A_1063 = arith.index_cast %swap3A_1062 : i32 to index
        %swap3A_1064 = arith.index_cast %add3A_1008 : i32 to index
        %swap3A_1065 = arith.constant 48 : index
        %swap3A_1066 = tpu.vector_load %arg10[%swap3A_1063, %swap3A_1064, %swap3A_1065] {strides = array<i32>} : memref<2x128x64xf32, #tpu.memory_space<vmem>>, vector<1x1x16xf32>,
        %swap3A_1067 = vector.shape_cast %swap3A_1066 : vector<1x1x16xf32> to vector<16xf32>
        %swap3A_1068 = vector.shape_cast %mul3A_1061 : vector<16xf32> to vector<1x1x16xf32>
        tpu.vector_store %arg10[%swap3A_1063, %swap3A_1064, %swap3A_1065], %swap3A_1068 {strides = array<i32>} : memref<2x128x64xf32, #tpu.memory_space<vmem>>, vector<1x1x16xf32>,
        %slice3A_1069 = vector.extract_strided_slice %get3A_278 {offsets = [12], sizes = [1], strides = [1]} : vector<16xf32> to vector<1xf32>
        %squeeze3A_1070 = vector.extract %slice3A_1069[0] : f32 from vector<1xf32>
        %mul3A_1071 = arith.constant 16 : i32
        %mul3A_1072 = arith.muli %scan3A_273, %mul3A_1071 : i32
        %add3A_1073 = arith.constant 12 : i32
        %add3A_1074 = arith.addi %mul3A_1072, %add3A_1073 : i32
        %get3A_1075 = arith.constant 0 : i32
        %get3A_1076 = arith.index_cast %get3A_1075 : i32 to index
        %get3A_1077 = arith.index_cast %add3A_1074 : i32 to index
        %get3A_1078 = arith.constant 0 : index
        %get3A_1079 = tpu.vector_load %arg10[%get3A_1076, %get3A_1077, %get3A_1078] {strides = array<i32>} : memref<2x128x64xf32, #tpu.memory_space<vmem>>, vector<1x1x16xf32>,
        %get3A_1080 = vector.shape_cast %get3A_1079 : vector<1x1x16xf32> to vector<16xf32>
        %mul3A_1081 = vector.broadcast %squeeze3A_1070 : f32 to vector<16xf32>
        %mul3A_1082 = arith.mulf %get3A_1080, %mul3A_1081 : vector<16xf32>
        %swap3A_1083 = arith.constant 0 : i32
        %swap3A_1084 = arith.index_cast %swap3A_1083 : i32 to index
        %swap3A_1085 = arith.index_cast %add3A_1074 : i32 to index
        %swap3A_1086 = arith.constant 0 : index
        %swap3A_1087 = tpu.vector_load %arg10[%swap3A_1084, %swap3A_1085, %swap3A_1086] {strides = array<i32>} : memref<2x128x64xf32, #tpu.memory_space<vmem>>, vector<1x1x16xf32>,
        %swap3A_1088 = vector.shape_cast %swap3A_1087 : vector<1x1x16xf32> to vector<16xf32>
        %swap3A_1089 = vector.shape_cast %mul3A_1082 : vector<16xf32> to vector<1x1x16xf32>
        tpu.vector_store %arg10[%swap3A_1084, %swap3A_1085, %swap3A_1086], %swap3A_1089 {strides = array<i32>} : memref<2x128x64xf32, #tpu.memory_space<vmem>>, vector<1x1x16xf32>,
        %get3A_1090 = arith.constant 0 : i32
        %get3A_1091 = arith.index_cast %get3A_1090 : i32 to index
        %get3A_1092 = arith.index_cast %add3A_1074 : i32 to index
        %get3A_1093 = arith.constant 16 : index
        %get3A_1094 = tpu.vector_load %arg10[%get3A_1091, %get3A_1092, %get3A_1093] {strides = array<i32>} : memref<2x128x64xf32, #tpu.memory_space<vmem>>, vector<1x1x16xf32>,
        %get3A_1095 = vector.shape_cast %get3A_1094 : vector<1x1x16xf32> to vector<16xf32>
        %mul3A_1096 = vector.broadcast %squeeze3A_1070 : f32 to vector<16xf32>
        %mul3A_1097 = arith.mulf %get3A_1095, %mul3A_1096 : vector<16xf32>
        %swap3A_1098 = arith.constant 0 : i32
        %swap3A_1099 = arith.index_cast %swap3A_1098 : i32 to index
        %swap3A_1100 = arith.index_cast %add3A_1074 : i32 to index
        %swap3A_1101 = arith.constant 16 : index
        %swap3A_1102 = tpu.vector_load %arg10[%swap3A_1099, %swap3A_1100, %swap3A_1101] {strides = array<i32>} : memref<2x128x64xf32, #tpu.memory_space<vmem>>, vector<1x1x16xf32>,
        %swap3A_1103 = vector.shape_cast %swap3A_1102 : vector<1x1x16xf32> to vector<16xf32>
        %swap3A_1104 = vector.shape_cast %mul3A_1097 : vector<16xf32> to vector<1x1x16xf32>
        tpu.vector_store %arg10[%swap3A_1099, %swap3A_1100, %swap3A_1101], %swap3A_1104 {strides = array<i32>} : memref<2x128x64xf32, #tpu.memory_space<vmem>>, vector<1x1x16xf32>,
        %get3A_1105 = arith.constant 0 : i32
        %get3A_1106 = arith.index_cast %get3A_1105 : i32 to index
        %get3A_1107 = arith.index_cast %add3A_1074 : i32 to index
        %get3A_1108 = arith.constant 32 : index
        %get3A_1109 = tpu.vector_load %arg10[%get3A_1106, %get3A_1107, %get3A_1108] {strides = array<i32>} : memref<2x128x64xf32, #tpu.memory_space<vmem>>, vector<1x1x16xf32>,
        %get3A_1110 = vector.shape_cast %get3A_1109 : vector<1x1x16xf32> to vector<16xf32>
        %mul3A_1111 = vector.broadcast %squeeze3A_1070 : f32 to vector<16xf32>
        %mul3A_1112 = arith.mulf %get3A_1110, %mul3A_1111 : vector<16xf32>
        %swap3A_1113 = arith.constant 0 : i32
        %swap3A_1114 = arith.index_cast %swap3A_1113 : i32 to index
        %swap3A_1115 = arith.index_cast %add3A_1074 : i32 to index
        %swap3A_1116 = arith.constant 32 : index
        %swap3A_1117 = tpu.vector_load %arg10[%swap3A_1114, %swap3A_1115, %swap3A_1116] {strides = array<i32>} : memref<2x128x64xf32, #tpu.memory_space<vmem>>, vector<1x1x16xf32>,
        %swap3A_1118 = vector.shape_cast %swap3A_1117 : vector<1x1x16xf32> to vector<16xf32>
        %swap3A_1119 = vector.shape_cast %mul3A_1112 : vector<16xf32> to vector<1x1x16xf32>
        tpu.vector_store %arg10[%swap3A_1114, %swap3A_1115, %swap3A_1116], %swap3A_1119 {strides = array<i32>} : memref<2x128x64xf32, #tpu.memory_space<vmem>>, vector<1x1x16xf32>,
        %get3A_1120 = arith.constant 0 : i32
        %get3A_1121 = arith.index_cast %get3A_1120 : i32 to index
        %get3A_1122 = arith.index_cast %add3A_1074 : i32 to index
        %get3A_1123 = arith.constant 48 : index
        %get3A_1124 = tpu.vector_load %arg10[%get3A_1121, %get3A_1122, %get3A_1123] {strides = array<i32>} : memref<2x128x64xf32, #tpu.memory_space<vmem>>, vector<1x1x16xf32>,
        %get3A_1125 = vector.shape_cast %get3A_1124 : vector<1x1x16xf32> to vector<16xf32>
        %mul3A_1126 = vector.broadcast %squeeze3A_1070 : f32 to vector<16xf32>
        %mul3A_1127 = arith.mulf %get3A_1125, %mul3A_1126 : vector<16xf32>
        %swap3A_1128 = arith.constant 0 : i32
        %swap3A_1129 = arith.index_cast %swap3A_1128 : i32 to index
        %swap3A_1130 = arith.index_cast %add3A_1074 : i32 to index
        %swap3A_1131 = arith.constant 48 : index
        %swap3A_1132 = tpu.vector_load %arg10[%swap3A_1129, %swap3A_1130, %swap3A_1131] {strides = array<i32>} : memref<2x128x64xf32, #tpu.memory_space<vmem>>, vector<1x1x16xf32>,
        %swap3A_1133 = vector.shape_cast %swap3A_1132 : vector<1x1x16xf32> to vector<16xf32>
        %swap3A_1134 = vector.shape_cast %mul3A_1127 : vector<16xf32> to vector<1x1x16xf32>
        tpu.vector_store %arg10[%swap3A_1129, %swap3A_1130, %swap3A_1131], %swap3A_1134 {strides = array<i32>} : memref<2x128x64xf32, #tpu.memory_space<vmem>>, vector<1x1x16xf32>,
        %slice3A_1135 = vector.extract_strided_slice %get3A_278 {offsets = [13], sizes = [1], strides = [1]} : vector<16xf32> to vector<1xf32>
        %squeeze3A_1136 = vector.extract %slice3A_1135[0] : f32 from vector<1xf32>
        %mul3A_1137 = arith.constant 16 : i32
        %mul3A_1138 = arith.muli %scan3A_273, %mul3A_1137 : i32
        %add3A_1139 = arith.constant 13 : i32
        %add3A_1140 = arith.addi %mul3A_1138, %add3A_1139 : i32
        %get3A_1141 = arith.constant 0 : i32
        %get3A_1142 = arith.index_cast %get3A_1141 : i32 to index
        %get3A_1143 = arith.index_cast %add3A_1140 : i32 to index
        %get3A_1144 = arith.constant 0 : index
        %get3A_1145 = tpu.vector_load %arg10[%get3A_1142, %get3A_1143, %get3A_1144] {strides = array<i32>} : memref<2x128x64xf32, #tpu.memory_space<vmem>>, vector<1x1x16xf32>,
        %get3A_1146 = vector.shape_cast %get3A_1145 : vector<1x1x16xf32> to vector<16xf32>
        %mul3A_1147 = vector.broadcast %squeeze3A_1136 : f32 to vector<16xf32>
        %mul3A_1148 = arith.mulf %get3A_1146, %mul3A_1147 : vector<16xf32>
        %swap3A_1149 = arith.constant 0 : i32
        %swap3A_1150 = arith.index_cast %swap3A_1149 : i32 to index
        %swap3A_1151 = arith.index_cast %add3A_1140 : i32 to index
        %swap3A_1152 = arith.constant 0 : index
        %swap3A_1153 = tpu.vector_load %arg10[%swap3A_1150, %swap3A_1151, %swap3A_1152] {strides = array<i32>} : memref<2x128x64xf32, #tpu.memory_space<vmem>>, vector<1x1x16xf32>,
        %swap3A_1154 = vector.shape_cast %swap3A_1153 : vector<1x1x16xf32> to vector<16xf32>
        %swap3A_1155 = vector.shape_cast %mul3A_1148 : vector<16xf32> to vector<1x1x16xf32>
        tpu.vector_store %arg10[%swap3A_1150, %swap3A_1151, %swap3A_1152], %swap3A_1155 {strides = array<i32>} : memref<2x128x64xf32, #tpu.memory_space<vmem>>, vector<1x1x16xf32>,
        %get3A_1156 = arith.constant 0 : i32
        %get3A_1157 = arith.index_cast %get3A_1156 : i32 to index
        %get3A_1158 = arith.index_cast %add3A_1140 : i32 to index
        %get3A_1159 = arith.constant 16 : index
        %get3A_1160 = tpu.vector_load %arg10[%get3A_1157, %get3A_1158, %get3A_1159] {strides = array<i32>} : memref<2x128x64xf32, #tpu.memory_space<vmem>>, vector<1x1x16xf32>,
        %get3A_1161 = vector.shape_cast %get3A_1160 : vector<1x1x16xf32> to vector<16xf32>
        %mul3A_1162 = vector.broadcast %squeeze3A_1136 : f32 to vector<16xf32>
        %mul3A_1163 = arith.mulf %get3A_1161, %mul3A_1162 : vector<16xf32>
        %swap3A_1164 = arith.constant 0 : i32
        %swap3A_1165 = arith.index_cast %swap3A_1164 : i32 to index
        %swap3A_1166 = arith.index_cast %add3A_1140 : i32 to index
        %swap3A_1167 = arith.constant 16 : index
        %swap3A_1168 = tpu.vector_load %arg10[%swap3A_1165, %swap3A_1166, %swap3A_1167] {strides = array<i32>} : memref<2x128x64xf32, #tpu.memory_space<vmem>>, vector<1x1x16xf32>,
        %swap3A_1169 = vector.shape_cast %swap3A_1168 : vector<1x1x16xf32> to vector<16xf32>
        %swap3A_1170 = vector.shape_cast %mul3A_1163 : vector<16xf32> to vector<1x1x16xf32>
        tpu.vector_store %arg10[%swap3A_1165, %swap3A_1166, %swap3A_1167], %swap3A_1170 {strides = array<i32>} : memref<2x128x64xf32, #tpu.memory_space<vmem>>, vector<1x1x16xf32>,
        %get3A_1171 = arith.constant 0 : i32
        %get3A_1172 = arith.index_cast %get3A_1171 : i32 to index
        %get3A_1173 = arith.index_cast %add3A_1140 : i32 to index
        %get3A_1174 = arith.constant 32 : index
        %get3A_1175 = tpu.vector_load %arg10[%get3A_1172, %get3A_1173, %get3A_1174] {strides = array<i32>} : memref<2x128x64xf32, #tpu.memory_space<vmem>>, vector<1x1x16xf32>,
        %get3A_1176 = vector.shape_cast %get3A_1175 : vector<1x1x16xf32> to vector<16xf32>
        %mul3A_1177 = vector.broadcast %squeeze3A_1136 : f32 to vector<16xf32>
        %mul3A_1178 = arith.mulf %get3A_1176, %mul3A_1177 : vector<16xf32>
        %swap3A_1179 = arith.constant 0 : i32
        %swap3A_1180 = arith.index_cast %swap3A_1179 : i32 to index
        %swap3A_1181 = arith.index_cast %add3A_1140 : i32 to index
        %swap3A_1182 = arith.constant 32 : index
        %swap3A_1183 = tpu.vector_load %arg10[%swap3A_1180, %swap3A_1181, %swap3A_1182] {strides = array<i32>} : memref<2x128x64xf32, #tpu.memory_space<vmem>>, vector<1x1x16xf32>,
        %swap3A_1184 = vector.shape_cast %swap3A_1183 : vector<1x1x16xf32> to vector<16xf32>
        %swap3A_1185 = vector.shape_cast %mul3A_1178 : vector<16xf32> to vector<1x1x16xf32>
        tpu.vector_store %arg10[%swap3A_1180, %swap3A_1181, %swap3A_1182], %swap3A_1185 {strides = array<i32>} : memref<2x128x64xf32, #tpu.memory_space<vmem>>, vector<1x1x16xf32>,
        %get3A_1186 = arith.constant 0 : i32
        %get3A_1187 = arith.index_cast %get3A_1186 : i32 to index
        %get3A_1188 = arith.index_cast %add3A_1140 : i32 to index
        %get3A_1189 = arith.constant 48 : index
        %get3A_1190 = tpu.vector_load %arg10[%get3A_1187, %get3A_1188, %get3A_1189] {strides = array<i32>} : memref<2x128x64xf32, #tpu.memory_space<vmem>>, vector<1x1x16xf32>,
        %get3A_1191 = vector.shape_cast %get3A_1190 : vector<1x1x16xf32> to vector<16xf32>
        %mul3A_1192 = vector.broadcast %squeeze3A_1136 : f32 to vector<16xf32>
        %mul3A_1193 = arith.mulf %get3A_1191, %mul3A_1192 : vector<16xf32>
        %swap3A_1194 = arith.constant 0 : i32
        %swap3A_1195 = arith.index_cast %swap3A_1194 : i32 to index
        %swap3A_1196 = arith.index_cast %add3A_1140 : i32 to index
        %swap3A_1197 = arith.constant 48 : index
        %swap3A_1198 = tpu.vector_load %arg10[%swap3A_1195, %swap3A_1196, %swap3A_1197] {strides = array<i32>} : memref<2x128x64xf32, #tpu.memory_space<vmem>>, vector<1x1x16xf32>,
        %swap3A_1199 = vector.shape_cast %swap3A_1198 : vector<1x1x16xf32> to vector<16xf32>
        %swap3A_1200 = vector.shape_cast %mul3A_1193 : vector<16xf32> to vector<1x1x16xf32>
        tpu.vector_store %arg10[%swap3A_1195, %swap3A_1196, %swap3A_1197], %swap3A_1200 {strides = array<i32>} : memref<2x128x64xf32, #tpu.memory_space<vmem>>, vector<1x1x16xf32>,
        %slice3A_1201 = vector.extract_strided_slice %get3A_278 {offsets = [14], sizes = [1], strides = [1]} : vector<16xf32> to vector<1xf32>
        %squeeze3A_1202 = vector.extract %slice3A_1201[0] : f32 from vector<1xf32>
        %mul3A_1203 = arith.constant 16 : i32
        %mul3A_1204 = arith.muli %scan3A_273, %mul3A_1203 : i32
        %add3A_1205 = arith.constant 14 : i32
        %add3A_1206 = arith.addi %mul3A_1204, %add3A_1205 : i32
        %get3A_1207 = arith.constant 0 : i32
        %get3A_1208 = arith.index_cast %get3A_1207 : i32 to index
        %get3A_1209 = arith.index_cast %add3A_1206 : i32 to index
        %get3A_1210 = arith.constant 0 : index
        %get3A_1211 = tpu.vector_load %arg10[%get3A_1208, %get3A_1209, %get3A_1210] {strides = array<i32>} : memref<2x128x64xf32, #tpu.memory_space<vmem>>, vector<1x1x16xf32>,
        %get3A_1212 = vector.shape_cast %get3A_1211 : vector<1x1x16xf32> to vector<16xf32>
        %mul3A_1213 = vector.broadcast %squeeze3A_1202 : f32 to vector<16xf32>
        %mul3A_1214 = arith.mulf %get3A_1212, %mul3A_1213 : vector<16xf32>
        %swap3A_1215 = arith.constant 0 : i32
        %swap3A_1216 = arith.index_cast %swap3A_1215 : i32 to index
        %swap3A_1217 = arith.index_cast %add3A_1206 : i32 to index
        %swap3A_1218 = arith.constant 0 : index
        %swap3A_1219 = tpu.vector_load %arg10[%swap3A_1216, %swap3A_1217, %swap3A_1218] {strides = array<i32>} : memref<2x128x64xf32, #tpu.memory_space<vmem>>, vector<1x1x16xf32>,
        %swap3A_1220 = vector.shape_cast %swap3A_1219 : vector<1x1x16xf32> to vector<16xf32>
        %swap3A_1221 = vector.shape_cast %mul3A_1214 : vector<16xf32> to vector<1x1x16xf32>
        tpu.vector_store %arg10[%swap3A_1216, %swap3A_1217, %swap3A_1218], %swap3A_1221 {strides = array<i32>} : memref<2x128x64xf32, #tpu.memory_space<vmem>>, vector<1x1x16xf32>,
        %get3A_1222 = arith.constant 0 : i32
        %get3A_1223 = arith.index_cast %get3A_1222 : i32 to index
        %get3A_1224 = arith.index_cast %add3A_1206 : i32 to index
        %get3A_1225 = arith.constant 16 : index
        %get3A_1226 = tpu.vector_load %arg10[%get3A_1223, %get3A_1224, %get3A_1225] {strides = array<i32>} : memref<2x128x64xf32, #tpu.memory_space<vmem>>, vector<1x1x16xf32>,
        %get3A_1227 = vector.shape_cast %get3A_1226 : vector<1x1x16xf32> to vector<16xf32>
        %mul3A_1228 = vector.broadcast %squeeze3A_1202 : f32 to vector<16xf32>
        %mul3A_1229 = arith.mulf %get3A_1227, %mul3A_1228 : vector<16xf32>
        %swap3A_1230 = arith.constant 0 : i32
        %swap3A_1231 = arith.index_cast %swap3A_1230 : i32 to index
        %swap3A_1232 = arith.index_cast %add3A_1206 : i32 to index
        %swap3A_1233 = arith.constant 16 : index
        %swap3A_1234 = tpu.vector_load %arg10[%swap3A_1231, %swap3A_1232, %swap3A_1233] {strides = array<i32>} : memref<2x128x64xf32, #tpu.memory_space<vmem>>, vector<1x1x16xf32>,
        %swap3A_1235 = vector.shape_cast %swap3A_1234 : vector<1x1x16xf32> to vector<16xf32>
        %swap3A_1236 = vector.shape_cast %mul3A_1229 : vector<16xf32> to vector<1x1x16xf32>
        tpu.vector_store %arg10[%swap3A_1231, %swap3A_1232, %swap3A_1233], %swap3A_1236 {strides = array<i32>} : memref<2x128x64xf32, #tpu.memory_space<vmem>>, vector<1x1x16xf32>,
        %get3A_1237 = arith.constant 0 : i32
        %get3A_1238 = arith.index_cast %get3A_1237 : i32 to index
        %get3A_1239 = arith.index_cast %add3A_1206 : i32 to index
        %get3A_1240 = arith.constant 32 : index
        %get3A_1241 = tpu.vector_load %arg10[%get3A_1238, %get3A_1239, %get3A_1240] {strides = array<i32>} : memref<2x128x64xf32, #tpu.memory_space<vmem>>, vector<1x1x16xf32>,
        %get3A_1242 = vector.shape_cast %get3A_1241 : vector<1x1x16xf32> to vector<16xf32>
        %mul3A_1243 = vector.broadcast %squeeze3A_1202 : f32 to vector<16xf32>
        %mul3A_1244 = arith.mulf %get3A_1242, %mul3A_1243 : vector<16xf32>
        %swap3A_1245 = arith.constant 0 : i32
        %swap3A_1246 = arith.index_cast %swap3A_1245 : i32 to index
        %swap3A_1247 = arith.index_cast %add3A_1206 : i32 to index
        %swap3A_1248 = arith.constant 32 : index
        %swap3A_1249 = tpu.vector_load %arg10[%swap3A_1246, %swap3A_1247, %swap3A_1248] {strides = array<i32>} : memref<2x128x64xf32, #tpu.memory_space<vmem>>, vector<1x1x16xf32>,
        %swap3A_1250 = vector.shape_cast %swap3A_1249 : vector<1x1x16xf32> to vector<16xf32>
        %swap3A_1251 = vector.shape_cast %mul3A_1244 : vector<16xf32> to vector<1x1x16xf32>
        tpu.vector_store %arg10[%swap3A_1246, %swap3A_1247, %swap3A_1248], %swap3A_1251 {strides = array<i32>} : memref<2x128x64xf32, #tpu.memory_space<vmem>>, vector<1x1x16xf32>,
        %get3A_1252 = arith.constant 0 : i32
        %get3A_1253 = arith.index_cast %get3A_1252 : i32 to index
        %get3A_1254 = arith.index_cast %add3A_1206 : i32 to index
        %get3A_1255 = arith.constant 48 : index
        %get3A_1256 = tpu.vector_load %arg10[%get3A_1253, %get3A_1254, %get3A_1255] {strides = array<i32>} : memref<2x128x64xf32, #tpu.memory_space<vmem>>, vector<1x1x16xf32>,
        %get3A_1257 = vector.shape_cast %get3A_1256 : vector<1x1x16xf32> to vector<16xf32>
        %mul3A_1258 = vector.broadcast %squeeze3A_1202 : f32 to vector<16xf32>
        %mul3A_1259 = arith.mulf %get3A_1257, %mul3A_1258 : vector<16xf32>
        %swap3A_1260 = arith.constant 0 : i32
        %swap3A_1261 = arith.index_cast %swap3A_1260 : i32 to index
        %swap3A_1262 = arith.index_cast %add3A_1206 : i32 to index
        %swap3A_1263 = arith.constant 48 : index
        %swap3A_1264 = tpu.vector_load %arg10[%swap3A_1261, %swap3A_1262, %swap3A_1263] {strides = array<i32>} : memref<2x128x64xf32, #tpu.memory_space<vmem>>, vector<1x1x16xf32>,
        %swap3A_1265 = vector.shape_cast %swap3A_1264 : vector<1x1x16xf32> to vector<16xf32>
        %swap3A_1266 = vector.shape_cast %mul3A_1259 : vector<16xf32> to vector<1x1x16xf32>
        tpu.vector_store %arg10[%swap3A_1261, %swap3A_1262, %swap3A_1263], %swap3A_1266 {strides = array<i32>} : memref<2x128x64xf32, #tpu.memory_space<vmem>>, vector<1x1x16xf32>,
        %slice3A_1267 = vector.extract_strided_slice %get3A_278 {offsets = [15], sizes = [1], strides = [1]} : vector<16xf32> to vector<1xf32>
        %squeeze3A_1268 = vector.extract %slice3A_1267[0] : f32 from vector<1xf32>
        %mul3A_1269 = arith.constant 16 : i32
        %mul3A_1270 = arith.muli %scan3A_273, %mul3A_1269 : i32
        %add3A_1271 = arith.constant 15 : i32
        %add3A_1272 = arith.addi %mul3A_1270, %add3A_1271 : i32
        %get3A_1273 = arith.constant 0 : i32
        %get3A_1274 = arith.index_cast %get3A_1273 : i32 to index
        %get3A_1275 = arith.index_cast %add3A_1272 : i32 to index
        %get3A_1276 = arith.constant 0 : index
        %get3A_1277 = tpu.vector_load %arg10[%get3A_1274, %get3A_1275, %get3A_1276] {strides = array<i32>} : memref<2x128x64xf32, #tpu.memory_space<vmem>>, vector<1x1x16xf32>,
        %get3A_1278 = vector.shape_cast %get3A_1277 : vector<1x1x16xf32> to vector<16xf32>
        %mul3A_1279 = vector.broadcast %squeeze3A_1268 : f32 to vector<16xf32>
        %mul3A_1280 = arith.mulf %get3A_1278, %mul3A_1279 : vector<16xf32>
        %swap3A_1281 = arith.constant 0 : i32
        %swap3A_1282 = arith.index_cast %swap3A_1281 : i32 to index
        %swap3A_1283 = arith.index_cast %add3A_1272 : i32 to index
        %swap3A_1284 = arith.constant 0 : index
        %swap3A_1285 = tpu.vector_load %arg10[%swap3A_1282, %swap3A_1283, %swap3A_1284] {strides = array<i32>} : memref<2x128x64xf32, #tpu.memory_space<vmem>>, vector<1x1x16xf32>,
        %swap3A_1286 = vector.shape_cast %swap3A_1285 : vector<1x1x16xf32> to vector<16xf32>
        %swap3A_1287 = vector.shape_cast %mul3A_1280 : vector<16xf32> to vector<1x1x16xf32>
        tpu.vector_store %arg10[%swap3A_1282, %swap3A_1283, %swap3A_1284], %swap3A_1287 {strides = array<i32>} : memref<2x128x64xf32, #tpu.memory_space<vmem>>, vector<1x1x16xf32>,
        %get3A_1288 = arith.constant 0 : i32
        %get3A_1289 = arith.index_cast %get3A_1288 : i32 to index
        %get3A_1290 = arith.index_cast %add3A_1272 : i32 to index
        %get3A_1291 = arith.constant 16 : index
        %get3A_1292 = tpu.vector_load %arg10[%get3A_1289, %get3A_1290, %get3A_1291] {strides = array<i32>} : memref<2x128x64xf32, #tpu.memory_space<vmem>>, vector<1x1x16xf32>,
        %get3A_1293 = vector.shape_cast %get3A_1292 : vector<1x1x16xf32> to vector<16xf32>
        %mul3A_1294 = vector.broadcast %squeeze3A_1268 : f32 to vector<16xf32>
        %mul3A_1295 = arith.mulf %get3A_1293, %mul3A_1294 : vector<16xf32>
        %swap3A_1296 = arith.constant 0 : i32
        %swap3A_1297 = arith.index_cast %swap3A_1296 : i32 to index
        %swap3A_1298 = arith.index_cast %add3A_1272 : i32 to index
        %swap3A_1299 = arith.constant 16 : index
        %swap3A_1300 = tpu.vector_load %arg10[%swap3A_1297, %swap3A_1298, %swap3A_1299] {strides = array<i32>} : memref<2x128x64xf32, #tpu.memory_space<vmem>>, vector<1x1x16xf32>,
        %swap3A_1301 = vector.shape_cast %swap3A_1300 : vector<1x1x16xf32> to vector<16xf32>
        %swap3A_1302 = vector.shape_cast %mul3A_1295 : vector<16xf32> to vector<1x1x16xf32>
        tpu.vector_store %arg10[%swap3A_1297, %swap3A_1298, %swap3A_1299], %swap3A_1302 {strides = array<i32>} : memref<2x128x64xf32, #tpu.memory_space<vmem>>, vector<1x1x16xf32>,
        %get3A_1303 = arith.constant 0 : i32
        %get3A_1304 = arith.index_cast %get3A_1303 : i32 to index
        %get3A_1305 = arith.index_cast %add3A_1272 : i32 to index
        %get3A_1306 = arith.constant 32 : index
        %get3A_1307 = tpu.vector_load %arg10[%get3A_1304, %get3A_1305, %get3A_1306] {strides = array<i32>} : memref<2x128x64xf32, #tpu.memory_space<vmem>>, vector<1x1x16xf32>,
        %get3A_1308 = vector.shape_cast %get3A_1307 : vector<1x1x16xf32> to vector<16xf32>
        %mul3A_1309 = vector.broadcast %squeeze3A_1268 : f32 to vector<16xf32>
        %mul3A_1310 = arith.mulf %get3A_1308, %mul3A_1309 : vector<16xf32>
        %swap3A_1311 = arith.constant 0 : i32
        %swap3A_1312 = arith.index_cast %swap3A_1311 : i32 to index
        %swap3A_1313 = arith.index_cast %add3A_1272 : i32 to index
        %swap3A_1314 = arith.constant 32 : index
        %swap3A_1315 = tpu.vector_load %arg10[%swap3A_1312, %swap3A_1313, %swap3A_1314] {strides = array<i32>} : memref<2x128x64xf32, #tpu.memory_space<vmem>>, vector<1x1x16xf32>,
        %swap3A_1316 = vector.shape_cast %swap3A_1315 : vector<1x1x16xf32> to vector<16xf32>
        %swap3A_1317 = vector.shape_cast %mul3A_1310 : vector<16xf32> to vector<1x1x16xf32>
        tpu.vector_store %arg10[%swap3A_1312, %swap3A_1313, %swap3A_1314], %swap3A_1317 {strides = array<i32>} : memref<2x128x64xf32, #tpu.memory_space<vmem>>, vector<1x1x16xf32>,
        %get3A_1318 = arith.constant 0 : i32
        %get3A_1319 = arith.index_cast %get3A_1318 : i32 to index
        %get3A_1320 = arith.index_cast %add3A_1272 : i32 to index
        %get3A_1321 = arith.constant 48 : index
        %get3A_1322 = tpu.vector_load %arg10[%get3A_1319, %get3A_1320, %get3A_1321] {strides = array<i32>} : memref<2x128x64xf32, #tpu.memory_space<vmem>>, vector<1x1x16xf32>,
        %get3A_1323 = vector.shape_cast %get3A_1322 : vector<1x1x16xf32> to vector<16xf32>
        %mul3A_1324 = vector.broadcast %squeeze3A_1268 : f32 to vector<16xf32>
        %mul3A_1325 = arith.mulf %get3A_1323, %mul3A_1324 : vector<16xf32>
        %swap3A_1326 = arith.constant 0 : i32
        %swap3A_1327 = arith.index_cast %swap3A_1326 : i32 to index
        %swap3A_1328 = arith.index_cast %add3A_1272 : i32 to index
        %swap3A_1329 = arith.constant 48 : index
        %swap3A_1330 = tpu.vector_load %arg10[%swap3A_1327, %swap3A_1328, %swap3A_1329] {strides = array<i32>} : memref<2x128x64xf32, #tpu.memory_space<vmem>>, vector<1x1x16xf32>,
        %swap3A_1331 = vector.shape_cast %swap3A_1330 : vector<1x1x16xf32> to vector<16xf32>
        %swap3A_1332 = vector.shape_cast %mul3A_1325 : vector<16xf32> to vector<1x1x16xf32>
        tpu.vector_store %arg10[%swap3A_1327, %swap3A_1328, %swap3A_1329], %swap3A_1332 {strides = array<i32>} : memref<2x128x64xf32, #tpu.memory_space<vmem>>, vector<1x1x16xf32>,
      }
      %scan3A_270 = arith.constant 8 : i32
      %add3A_271 = arith.addi %mul3A_0, %add3A : i32
      %run_scoped3A_272 = arith.constant 0 : i32
      "tpu.region"() ({
        %run_scoped3A_273 = tpu.sem_alloc : memref<!tpu.dma_semaphore, #tpu.memory_space<semaphore_mem>>
        %dma_start3A_274 = arith.constant 0 : i32
        %dma_start3A_275 = arith.constant 0 : i32
        %dma_start3A_276 = tpu.memref_slice %arg10[%run_scoped3A_272, %dma_start3A_274, %dma_start3A_275] : memref<2x128x64xf32, #tpu.memory_space<vmem>> -> memref<1x128x64xf32, #tpu.memory_space<vmem>>
        %dma_start3A_277 = tpu.memref_squeeze %dma_start3A_276 : memref<1x128x64xf32, #tpu.memory_space<vmem>> -> memref<128x64xf32, #tpu.memory_space<vmem>>
        %dma_start3A_278 = arith.constant 0 : i32
        %dma_start3A_279 = tpu.memref_slice %arg7[%add3A_271, %dma_start3A_278] : memref<20480x64xf32, #tpu.memory_space<hbm>> -> memref<128x64xf32, #tpu.memory_space<hbm>>
        %dma_start3A_280 = arith.constant 0 : i32
        %dma_start3A_281 = tpu.memref_slice %arg7[%add3A_271, %dma_start3A_280] : memref<20480x64xf32, #tpu.memory_space<hbm>> -> memref<128x64xf32, #tpu.memory_space<hbm>>
        %dma_start3A_282 = arith.constant 0 : i32
        %dma_start3A_283 = arith.constant 0 : i32
        %dma_start3A_284 = tpu.memref_slice %arg10[%run_scoped3A_272, %dma_start3A_282, %dma_start3A_283] : memref<2x128x64xf32, #tpu.memory_space<vmem>> -> memref<1x128x64xf32, #tpu.memory_space<vmem>>
        %dma_start3A_285 = tpu.memref_squeeze %dma_start3A_284 : memref<1x128x64xf32, #tpu.memory_space<vmem>> -> memref<128x64xf32, #tpu.memory_space<vmem>>
        tpu.enqueue_dma source(%dma_start3A_285 : memref<128x64xf32, #tpu.memory_space<vmem>>) target(%dma_start3A_281 : memref<128x64xf32, #tpu.memory_space<hbm>>) target_semaphore(%run_scoped3A_273 : memref<!tpu.dma_semaphore, #tpu.memory_space<semaphore_mem>>)
        %dma_wait3A_286 = arith.constant 0 : i32
        %dma_wait3A_287 = arith.constant 0 : i32
        %dma_wait3A_288 = tpu.memref_slice %arg10[%run_scoped3A_272, %dma_wait3A_286, %dma_wait3A_287] : memref<2x128x64xf32, #tpu.memory_space<vmem>> -> memref<1x128x64xf32, #tpu.memory_space<vmem>>
        %dma_wait3A_289 = tpu.memref_squeeze %dma_wait3A_288 : memref<1x128x64xf32, #tpu.memory_space<vmem>> -> memref<128x64xf32, #tpu.memory_space<vmem>>
        %dma_wait3A_290 = arith.constant 0 : i32
        %dma_wait3A_291 = tpu.memref_slice %arg7[%add3A_271, %dma_wait3A_290] : memref<20480x64xf32, #tpu.memory_space<hbm>> -> memref<128x64xf32, #tpu.memory_space<hbm>>
        %dma_wait3A_292 = arith.constant 0 : i32
        %dma_wait3A_293 = tpu.memref_slice %arg7[%add3A_271, %dma_wait3A_292] : memref<20480x64xf32, #tpu.memory_space<hbm>> -> memref<128x64xf32, #tpu.memory_space<hbm>>
        %dma_wait3A_294 = arith.constant 0 : i32
        %dma_wait3A_295 = arith.constant 0 : i32
        %dma_wait3A_296 = tpu.memref_slice %arg10[%run_scoped3A_272, %dma_wait3A_294, %dma_wait3A_295] : memref<2x128x64xf32, #tpu.memory_space<vmem>> -> memref<1x128x64xf32, #tpu.memory_space<vmem>>
        %dma_wait3A_297 = tpu.memref_squeeze %dma_wait3A_296 : memref<1x128x64xf32, #tpu.memory_space<vmem>> -> memref<128x64xf32, #tpu.memory_space<vmem>>
        tpu.wait_dma2 semaphore(%run_scoped3A_273 : memref<!tpu.dma_semaphore, #tpu.memory_space<semaphore_mem>>) src(%dma_wait3A_297 : memref<128x64xf32, #tpu.memory_space<vmem>>) dst(%dma_wait3A_293 : memref<128x64xf32, #tpu.memory_space<hbm>>)
        tpu.yield
      }) : () -> ()
    }
    %scan3A_116 = arith.constant 5 : i32
    "tpu.trace_stop"() : () -> ()
    %barrier3A_117 = arith.constant 0 : index
    tpu.barrier barrier_id(%barrier3A_117)
    "tpu.trace_start"() <{level = 10 : i32, message = "sc_zero2"}> : () -> ()
    %scan3A_118 = arith.constant 0 : i32
    %scan3A_119 = arith.constant 0 : i32
    %scan3A_120 = arith.constant 10 : i32
    %scan3A_121 = arith.addi %scan3A_119, %scan3A_120 : i32
    %scan3A_122 = arith.constant 1 : i32
    scf.for %scan3A_161 = %scan3A_119 to %scan3A_121 step %scan3A_122  : i32 {
      %mul3A_162 = arith.constant 64 : i32
      %mul3A_163 = arith.muli %scan3A_161, %mul3A_162 : i32
      %add3A = arith.addi %mul3A_2, %mul3A_163 : i32
      "tpu.region"() ({
        %run_scoped3A = tpu.sem_alloc : memref<!tpu.dma_semaphore, #tpu.memory_space<semaphore_mem>>
        %dma_start3A_164 = arith.constant 0 : i32
        %dma_start3A_165 = tpu.memref_slice %arg14[%add3A, %dma_start3A_164] : memref<10240x64xf32, #tpu.memory_space<vmem_shared>> -> memref<64x64xf32, #tpu.memory_space<vmem_shared>>
        %dma_start3A_166 = arith.constant 0 : i32
        %dma_start3A_167 = tpu.memref_slice %arg14[%add3A, %dma_start3A_166] : memref<10240x64xf32, #tpu.memory_space<vmem_shared>> -> memref<64x64xf32, #tpu.memory_space<vmem_shared>>
        tpu.enqueue_dma source(%arg13 : memref<64x64xf32, #tpu.memory_space<vmem>>) target(%dma_start3A_167 : memref<64x64xf32, #tpu.memory_space<vmem_shared>>) target_semaphore(%run_scoped3A : memref<!tpu.dma_semaphore, #tpu.memory_space<semaphore_mem>>)
        %dma_wait3A_168 = arith.constant 0 : i32
        %dma_wait3A_169 = tpu.memref_slice %arg14[%add3A, %dma_wait3A_168] : memref<10240x64xf32, #tpu.memory_space<vmem_shared>> -> memref<64x64xf32, #tpu.memory_space<vmem_shared>>
        %dma_wait3A_170 = arith.constant 0 : i32
        %dma_wait3A_171 = tpu.memref_slice %arg14[%add3A, %dma_wait3A_170] : memref<10240x64xf32, #tpu.memory_space<vmem_shared>> -> memref<64x64xf32, #tpu.memory_space<vmem_shared>>
        tpu.wait_dma2 semaphore(%run_scoped3A : memref<!tpu.dma_semaphore, #tpu.memory_space<semaphore_mem>>) src(%arg13 : memref<64x64xf32, #tpu.memory_space<vmem>>) dst(%dma_wait3A_171 : memref<64x64xf32, #tpu.memory_space<vmem_shared>>)
        tpu.yield
      }) : () -> ()
    }
    %scan3A_123 = arith.constant 10 : i32
    "tpu.trace_stop"() : () -> ()
    %barrier3A_124 = arith.constant 0 : index
    tpu.barrier barrier_id(%barrier3A_124)
    %dma_start3A_125 = arith.constant 0 : i32
    %dma_start3A_126 = arith.constant 0 : i32
    "tpu.trace_start"() <{level = 10 : i32, message = "sc_pass2"}> : () -> ()
    %dma_start3A_127 = arith.constant 0 : i32
    %dma_start3A_128 = arith.constant 0 : i32
    %dma_start3A_129 = tpu.memref_slice %arg10[%dma_start3A_126, %dma_start3A_127, %dma_start3A_128] : memref<2x128x64xf32, #tpu.memory_space<vmem>> -> memref<1x128x64xf32, #tpu.memory_space<vmem>>
    %dma_start3A_130 = tpu.memref_squeeze %dma_start3A_129 : memref<1x128x64xf32, #tpu.memory_space<vmem>> -> memref<128x64xf32, #tpu.memory_space<vmem>>
    %dma_start3A_131 = arith.constant 0 : i32
    %dma_start3A_132 = tpu.memref_slice %arg9[%dma_start3A_125, %dma_start3A_131] : memref<158x128xi32, #tpu.memory_space<vmem>> -> memref<1x128xi32, #tpu.memory_space<vmem>>
    %dma_start3A_133 = tpu.memref_squeeze %dma_start3A_132 : memref<1x128xi32, #tpu.memory_space<vmem>> -> memref<128xi32, #tpu.memory_space<vmem>>
    %dma_start3A_134 = arith.constant 0 : i32
    %dma_start3A_135 = arith.constant 0 : i32
    %dma_start3A_136 = tpu.memref_slice %arg7[%dma_start3A_134, %dma_start3A_135] : memref<20480x64xf32, #tpu.memory_space<hbm>> -> memref<20480x64xf32, #tpu.memory_space<hbm>>
    tpu.enqueue_indirect_dma source(%dma_start3A_136 : memref<20480x64xf32, #tpu.memory_space<hbm>>) target(%dma_start3A_130 : memref<128x64xf32, #tpu.memory_space<vmem>>) offsets(%dma_start3A_133 : memref<128xi32, #tpu.memory_space<vmem>>) semaphore(%arg17 : memref<!tpu.dma_semaphore, #tpu.memory_space<semaphore_mem>>)
    %scan3A_137 = arith.constant 0 : i32
    %scan3A_138 = arith.constant 0 : i32
    %scan3A_139 = arith.constant 79 : i32
    %scan3A_140 = arith.addi %scan3A_138, %scan3A_139 : i32
    %scan3A_141 = arith.constant 1 : i32
    scf.for %scan3A_161 = %scan3A_138 to %scan3A_140 step %scan3A_141  : i32 {
      %mul3A_162 = arith.constant 2 : i32
      %mul3A_163 = arith.muli %mul3A_162, %scan3A_161 : i32
      %add3A = arith.constant 0 : i32
      %add3A_164 = arith.addi %mul3A_163, %add3A : i32
      %dma_wait3A_165 = arith.constant 0 : i32
      %dma_wait3A_166 = arith.constant 0 : i32
      %dma_wait3A_167 = arith.constant 0 : i32
      %dma_wait3A_168 = tpu.memref_slice %arg10[%dma_wait3A_165, %dma_wait3A_166, %dma_wait3A_167] : memref<2x128x64xf32, #tpu.memory_space<vmem>> -> memref<1x128x64xf32, #tpu.memory_space<vmem>>
      %dma_wait3A_169 = tpu.memref_squeeze %dma_wait3A_168 : memref<1x128x64xf32, #tpu.memory_space<vmem>> -> memref<128x64xf32, #tpu.memory_space<vmem>>
      %dma_wait3A_170 = arith.constant 0 : i32
      %dma_wait3A_171 = tpu.memref_slice %arg9[%add3A_164, %dma_wait3A_170] : memref<158x128xi32, #tpu.memory_space<vmem>> -> memref<1x128xi32, #tpu.memory_space<vmem>>
      %dma_wait3A_172 = tpu.memref_squeeze %dma_wait3A_171 : memref<1x128xi32, #tpu.memory_space<vmem>> -> memref<128xi32, #tpu.memory_space<vmem>>
      %dma_wait3A_173 = arith.constant 0 : i32
      %dma_wait3A_174 = arith.constant 0 : i32
      %dma_wait3A_175 = tpu.memref_slice %arg7[%dma_wait3A_173, %dma_wait3A_174] : memref<20480x64xf32, #tpu.memory_space<hbm>> -> memref<20480x64xf32, #tpu.memory_space<hbm>>
      tpu.wait_indirect_dma semaphore(%arg17 : memref<!tpu.dma_semaphore, #tpu.memory_space<semaphore_mem>>) src(%dma_wait3A_175 : memref<20480x64xf32, #tpu.memory_space<hbm>>) dst(%dma_wait3A_169 : memref<128x64xf32, #tpu.memory_space<vmem>>)
      %ge3A = arith.constant 1 : i32
      %ge3A_176 = arith.cmpi sge, %add3A_164, %ge3A : i32
      %convert_element_type3A_177 = arith.extui %ge3A_176 : i1 to i32
      %cond3A_178 = arith.constant 0 : i32
      %cond3A_179 = arith.cmpi ne, %convert_element_type3A_177, %cond3A_178 : i32
      scf.if %cond3A_179 {
        %sub3A = arith.constant 1 : i32
        %sub3A_235 = arith.subi %add3A_164, %sub3A : i32
        %dma_wait3A_236 = arith.constant 1 : i32
        %dma_wait3A_237 = arith.constant 0 : i32
        %dma_wait3A_238 = arith.constant 0 : i32
        %dma_wait3A_239 = tpu.memref_slice %arg10[%dma_wait3A_236, %dma_wait3A_237, %dma_wait3A_238] : memref<2x128x64xf32, #tpu.memory_space<vmem>> -> memref<1x128x64xf32, #tpu.memory_space<vmem>>
        %dma_wait3A_240 = tpu.memref_squeeze %dma_wait3A_239 : memref<1x128x64xf32, #tpu.memory_space<vmem>> -> memref<128x64xf32, #tpu.memory_space<vmem>>
        %dma_wait3A_241 = arith.constant 0 : i32
        %dma_wait3A_242 = tpu.memref_slice %arg8[%sub3A_235, %dma_wait3A_241] : memref<158x128xi32, #tpu.memory_space<vmem>> -> memref<1x128xi32, #tpu.memory_space<vmem>>
        %dma_wait3A_243 = tpu.memref_squeeze %dma_wait3A_242 : memref<1x128xi32, #tpu.memory_space<vmem>> -> memref<128xi32, #tpu.memory_space<vmem>>
        %dma_wait3A_244 = arith.constant 0 : i32
        %dma_wait3A_245 = arith.constant 0 : i32
        %dma_wait3A_246 = tpu.memref_slice %arg14[%dma_wait3A_244, %dma_wait3A_245] : memref<10240x64xf32, #tpu.memory_space<vmem_shared>> -> memref<10240x64xf32, #tpu.memory_space<vmem_shared>>
        tpu.wait_indirect_dma semaphore(%arg18 : memref<!tpu.dma_semaphore, #tpu.memory_space<semaphore_mem>>) src(%dma_wait3A_240 : memref<128x64xf32, #tpu.memory_space<vmem>>) dst(%dma_wait3A_246 : memref<10240x64xf32, #tpu.memory_space<vmem_shared>>)
      } else {
      }
      %add3A_180 = arith.constant 1 : i32
      %add3A_181 = arith.addi %add3A_164, %add3A_180 : i32
      %lt3A = arith.constant 158 : i32
      %lt3A_182 = arith.cmpi slt, %add3A_181, %lt3A : i32
      %convert_element_type3A_183 = arith.extui %lt3A_182 : i1 to i32
      %cond3A_184 = arith.constant 0 : i32
      %cond3A_185 = arith.cmpi ne, %convert_element_type3A_183, %cond3A_184 : i32
      scf.if %cond3A_185 {
        %add3A_235 = arith.constant 1 : i32
        %add3A_236 = arith.addi %add3A_164, %add3A_235 : i32
        %dma_start3A_237 = arith.constant 1 : i32
        %dma_start3A_238 = arith.constant 0 : i32
        %dma_start3A_239 = arith.constant 0 : i32
        %dma_start3A_240 = tpu.memref_slice %arg10[%dma_start3A_237, %dma_start3A_238, %dma_start3A_239] : memref<2x128x64xf32, #tpu.memory_space<vmem>> -> memref<1x128x64xf32, #tpu.memory_space<vmem>>
        %dma_start3A_241 = tpu.memref_squeeze %dma_start3A_240 : memref<1x128x64xf32, #tpu.memory_space<vmem>> -> memref<128x64xf32, #tpu.memory_space<vmem>>
        %dma_start3A_242 = arith.constant 0 : i32
        %dma_start3A_243 = tpu.memref_slice %arg9[%add3A_236, %dma_start3A_242] : memref<158x128xi32, #tpu.memory_space<vmem>> -> memref<1x128xi32, #tpu.memory_space<vmem>>
        %dma_start3A_244 = tpu.memref_squeeze %dma_start3A_243 : memref<1x128xi32, #tpu.memory_space<vmem>> -> memref<128xi32, #tpu.memory_space<vmem>>
        %dma_start3A_245 = arith.constant 0 : i32
        %dma_start3A_246 = arith.constant 0 : i32
        %dma_start3A_247 = tpu.memref_slice %arg7[%dma_start3A_245, %dma_start3A_246] : memref<20480x64xf32, #tpu.memory_space<hbm>> -> memref<20480x64xf32, #tpu.memory_space<hbm>>
        tpu.enqueue_indirect_dma source(%dma_start3A_247 : memref<20480x64xf32, #tpu.memory_space<hbm>>) target(%dma_start3A_241 : memref<128x64xf32, #tpu.memory_space<vmem>>) offsets(%dma_start3A_244 : memref<128xi32, #tpu.memory_space<vmem>>) semaphore(%arg17 : memref<!tpu.dma_semaphore, #tpu.memory_space<semaphore_mem>>)
      } else {
      }
      %dma_start3A_186 = arith.constant 0 : i32
      %dma_start3A_187 = arith.constant 0 : i32
      %dma_start3A_188 = arith.constant 0 : i32
      %dma_start3A_189 = tpu.memref_slice %arg10[%dma_start3A_186, %dma_start3A_187, %dma_start3A_188] : memref<2x128x64xf32, #tpu.memory_space<vmem>> -> memref<1x128x64xf32, #tpu.memory_space<vmem>>
      %dma_start3A_190 = tpu.memref_squeeze %dma_start3A_189 : memref<1x128x64xf32, #tpu.memory_space<vmem>> -> memref<128x64xf32, #tpu.memory_space<vmem>>
      %dma_start3A_191 = arith.constant 0 : i32
      %dma_start3A_192 = tpu.memref_slice %arg8[%add3A_164, %dma_start3A_191] : memref<158x128xi32, #tpu.memory_space<vmem>> -> memref<1x128xi32, #tpu.memory_space<vmem>>
      %dma_start3A_193 = tpu.memref_squeeze %dma_start3A_192 : memref<1x128xi32, #tpu.memory_space<vmem>> -> memref<128xi32, #tpu.memory_space<vmem>>
      %dma_start3A_194 = arith.constant 0 : i32
      %dma_start3A_195 = arith.constant 0 : i32
      %dma_start3A_196 = tpu.memref_slice %arg14[%dma_start3A_194, %dma_start3A_195] : memref<10240x64xf32, #tpu.memory_space<vmem_shared>> -> memref<10240x64xf32, #tpu.memory_space<vmem_shared>>
      tpu.enqueue_indirect_dma source(%dma_start3A_190 : memref<128x64xf32, #tpu.memory_space<vmem>>) target(%dma_start3A_196 : memref<10240x64xf32, #tpu.memory_space<vmem_shared>>) offsets(%dma_start3A_193 : memref<128xi32, #tpu.memory_space<vmem>>) semaphore(%arg18 : memref<!tpu.dma_semaphore, #tpu.memory_space<semaphore_mem>>) {add = true}
      %mul3A_197 = arith.constant 2 : i32
      %mul3A_198 = arith.muli %mul3A_197, %scan3A_161 : i32
      %add3A_199 = arith.constant 1 : i32
      %add3A_200 = arith.addi %mul3A_198, %add3A_199 : i32
      %dma_wait3A_201 = arith.constant 1 : i32
      %dma_wait3A_202 = arith.constant 0 : i32
      %dma_wait3A_203 = arith.constant 0 : i32
      %dma_wait3A_204 = tpu.memref_slice %arg10[%dma_wait3A_201, %dma_wait3A_202, %dma_wait3A_203] : memref<2x128x64xf32, #tpu.memory_space<vmem>> -> memref<1x128x64xf32, #tpu.memory_space<vmem>>
      %dma_wait3A_205 = tpu.memref_squeeze %dma_wait3A_204 : memref<1x128x64xf32, #tpu.memory_space<vmem>> -> memref<128x64xf32, #tpu.memory_space<vmem>>
      %dma_wait3A_206 = arith.constant 0 : i32
      %dma_wait3A_207 = tpu.memref_slice %arg9[%add3A_200, %dma_wait3A_206] : memref<158x128xi32, #tpu.memory_space<vmem>> -> memref<1x128xi32, #tpu.memory_space<vmem>>
      %dma_wait3A_208 = tpu.memref_squeeze %dma_wait3A_207 : memref<1x128xi32, #tpu.memory_space<vmem>> -> memref<128xi32, #tpu.memory_space<vmem>>
      %dma_wait3A_209 = arith.constant 0 : i32
      %dma_wait3A_210 = arith.constant 0 : i32
      %dma_wait3A_211 = tpu.memref_slice %arg7[%dma_wait3A_209, %dma_wait3A_210] : memref<20480x64xf32, #tpu.memory_space<hbm>> -> memref<20480x64xf32, #tpu.memory_space<hbm>>
      tpu.wait_indirect_dma semaphore(%arg17 : memref<!tpu.dma_semaphore, #tpu.memory_space<semaphore_mem>>) src(%dma_wait3A_211 : memref<20480x64xf32, #tpu.memory_space<hbm>>) dst(%dma_wait3A_205 : memref<128x64xf32, #tpu.memory_space<vmem>>)
      %ge3A_212 = arith.constant 1 : i32
      %ge3A_213 = arith.cmpi sge, %add3A_200, %ge3A_212 : i32
      %convert_element_type3A_214 = arith.extui %ge3A_213 : i1 to i32
      %cond3A_215 = arith.constant 0 : i32
      %cond3A_216 = arith.cmpi ne, %convert_element_type3A_214, %cond3A_215 : i32
      scf.if %cond3A_216 {
        %sub3A = arith.constant 1 : i32
        %sub3A_235 = arith.subi %add3A_200, %sub3A : i32
        %dma_wait3A_236 = arith.constant 0 : i32
        %dma_wait3A_237 = arith.constant 0 : i32
        %dma_wait3A_238 = arith.constant 0 : i32
        %dma_wait3A_239 = tpu.memref_slice %arg10[%dma_wait3A_236, %dma_wait3A_237, %dma_wait3A_238] : memref<2x128x64xf32, #tpu.memory_space<vmem>> -> memref<1x128x64xf32, #tpu.memory_space<vmem>>
        %dma_wait3A_240 = tpu.memref_squeeze %dma_wait3A_239 : memref<1x128x64xf32, #tpu.memory_space<vmem>> -> memref<128x64xf32, #tpu.memory_space<vmem>>
        %dma_wait3A_241 = arith.constant 0 : i32
        %dma_wait3A_242 = tpu.memref_slice %arg8[%sub3A_235, %dma_wait3A_241] : memref<158x128xi32, #tpu.memory_space<vmem>> -> memref<1x128xi32, #tpu.memory_space<vmem>>
        %dma_wait3A_243 = tpu.memref_squeeze %dma_wait3A_242 : memref<1x128xi32, #tpu.memory_space<vmem>> -> memref<128xi32, #tpu.memory_space<vmem>>
        %dma_wait3A_244 = arith.constant 0 : i32
        %dma_wait3A_245 = arith.constant 0 : i32
        %dma_wait3A_246 = tpu.memref_slice %arg14[%dma_wait3A_244, %dma_wait3A_245] : memref<10240x64xf32, #tpu.memory_space<vmem_shared>> -> memref<10240x64xf32, #tpu.memory_space<vmem_shared>>
        tpu.wait_indirect_dma semaphore(%arg18 : memref<!tpu.dma_semaphore, #tpu.memory_space<semaphore_mem>>) src(%dma_wait3A_240 : memref<128x64xf32, #tpu.memory_space<vmem>>) dst(%dma_wait3A_246 : memref<10240x64xf32, #tpu.memory_space<vmem_shared>>)
      } else {
      }
      %add3A_217 = arith.constant 1 : i32
      %add3A_218 = arith.addi %add3A_200, %add3A_217 : i32
      %lt3A_219 = arith.constant 158 : i32
      %lt3A_220 = arith.cmpi slt, %add3A_218, %lt3A_219 : i32
      %convert_element_type3A_221 = arith.extui %lt3A_220 : i1 to i32
      %cond3A_222 = arith.constant 0 : i32
      %cond3A_223 = arith.cmpi ne, %convert_element_type3A_221, %cond3A_222 : i32
      scf.if %cond3A_223 {
        %add3A_235 = arith.constant 1 : i32
        %add3A_236 = arith.addi %add3A_200, %add3A_235 : i32
        %dma_start3A_237 = arith.constant 0 : i32
        %dma_start3A_238 = arith.constant 0 : i32
        %dma_start3A_239 = arith.constant 0 : i32
        %dma_start3A_240 = tpu.memref_slice %arg10[%dma_start3A_237, %dma_start3A_238, %dma_start3A_239] : memref<2x128x64xf32, #tpu.memory_space<vmem>> -> memref<1x128x64xf32, #tpu.memory_space<vmem>>
        %dma_start3A_241 = tpu.memref_squeeze %dma_start3A_240 : memref<1x128x64xf32, #tpu.memory_space<vmem>> -> memref<128x64xf32, #tpu.memory_space<vmem>>
        %dma_start3A_242 = arith.constant 0 : i32
        %dma_start3A_243 = tpu.memref_slice %arg9[%add3A_236, %dma_start3A_242] : memref<158x128xi32, #tpu.memory_space<vmem>> -> memref<1x128xi32, #tpu.memory_space<vmem>>
        %dma_start3A_244 = tpu.memref_squeeze %dma_start3A_243 : memref<1x128xi32, #tpu.memory_space<vmem>> -> memref<128xi32, #tpu.memory_space<vmem>>
        %dma_start3A_245 = arith.constant 0 : i32
        %dma_start3A_246 = arith.constant 0 : i32
        %dma_start3A_247 = tpu.memref_slice %arg7[%dma_start3A_245, %dma_start3A_246] : memref<20480x64xf32, #tpu.memory_space<hbm>> -> memref<20480x64xf32, #tpu.memory_space<hbm>>
        tpu.enqueue_indirect_dma source(%dma_start3A_247 : memref<20480x64xf32, #tpu.memory_space<hbm>>) target(%dma_start3A_241 : memref<128x64xf32, #tpu.memory_space<vmem>>) offsets(%dma_start3A_244 : memref<128xi32, #tpu.memory_space<vmem>>) semaphore(%arg17 : memref<!tpu.dma_semaphore, #tpu.memory_space<semaphore_mem>>)
      } else {
      }
      %dma_start3A_224 = arith.constant 1 : i32
      %dma_start3A_225 = arith.constant 0 : i32
      %dma_start3A_226 = arith.constant 0 : i32
      %dma_start3A_227 = tpu.memref_slice %arg10[%dma_start3A_224, %dma_start3A_225, %dma_start3A_226] : memref<2x128x64xf32, #tpu.memory_space<vmem>> -> memref<1x128x64xf32, #tpu.memory_space<vmem>>
      %dma_start3A_228 = tpu.memref_squeeze %dma_start3A_227 : memref<1x128x64xf32, #tpu.memory_space<vmem>> -> memref<128x64xf32, #tpu.memory_space<vmem>>
      %dma_start3A_229 = arith.constant 0 : i32
      %dma_start3A_230 = tpu.memref_slice %arg8[%add3A_200, %dma_start3A_229] : memref<158x128xi32, #tpu.memory_space<vmem>> -> memref<1x128xi32, #tpu.memory_space<vmem>>
      %dma_start3A_231 = tpu.memref_squeeze %dma_start3A_230 : memref<1x128xi32, #tpu.memory_space<vmem>> -> memref<128xi32, #tpu.memory_space<vmem>>
      %dma_start3A_232 = arith.constant 0 : i32
      %dma_start3A_233 = arith.constant 0 : i32
      %dma_start3A_234 = tpu.memref_slice %arg14[%dma_start3A_232, %dma_start3A_233] : memref<10240x64xf32, #tpu.memory_space<vmem_shared>> -> memref<10240x64xf32, #tpu.memory_space<vmem_shared>>
      tpu.enqueue_indirect_dma source(%dma_start3A_228 : memref<128x64xf32, #tpu.memory_space<vmem>>) target(%dma_start3A_234 : memref<10240x64xf32, #tpu.memory_space<vmem_shared>>) offsets(%dma_start3A_231 : memref<128xi32, #tpu.memory_space<vmem>>) semaphore(%arg18 : memref<!tpu.dma_semaphore, #tpu.memory_space<semaphore_mem>>) {add = true}
    }
    %scan3A_142 = arith.constant 79 : i32
    %dma_wait3A_143 = arith.constant 1 : i32
    %dma_wait3A_144 = arith.constant 157 : i32
    %dma_wait3A_145 = arith.constant 0 : i32
    %dma_wait3A_146 = arith.constant 0 : i32
    %dma_wait3A_147 = tpu.memref_slice %arg10[%dma_wait3A_143, %dma_wait3A_145, %dma_wait3A_146] : memref<2x128x64xf32, #tpu.memory_space<vmem>> -> memref<1x128x64xf32, #tpu.memory_space<vmem>>
    %dma_wait3A_148 = tpu.memref_squeeze %dma_wait3A_147 : memref<1x128x64xf32, #tpu.memory_space<vmem>> -> memref<128x64xf32, #tpu.memory_space<vmem>>
    %dma_wait3A_149 = arith.constant 0 : i32
    %dma_wait3A_150 = tpu.memref_slice %arg8[%dma_wait3A_144, %dma_wait3A_149] : memref<158x128xi32, #tpu.memory_space<vmem>> -> memref<1x128xi32, #tpu.memory_space<vmem>>
    %dma_wait3A_151 = tpu.memref_squeeze %dma_wait3A_150 : memref<1x128xi32, #tpu.memory_space<vmem>> -> memref<128xi32, #tpu.memory_space<vmem>>
    %dma_wait3A_152 = arith.constant 0 : i32
    %dma_wait3A_153 = arith.constant 0 : i32
    %dma_wait3A_154 = tpu.memref_slice %arg14[%dma_wait3A_152, %dma_wait3A_153] : memref<10240x64xf32, #tpu.memory_space<vmem_shared>> -> memref<10240x64xf32, #tpu.memory_space<vmem_shared>>
    tpu.wait_indirect_dma semaphore(%arg18 : memref<!tpu.dma_semaphore, #tpu.memory_space<semaphore_mem>>) src(%dma_wait3A_148 : memref<128x64xf32, #tpu.memory_space<vmem>>) dst(%dma_wait3A_154 : memref<10240x64xf32, #tpu.memory_space<vmem_shared>>)
    "tpu.trace_stop"() : () -> ()
    %barrier3A_155 = arith.constant 0 : index
    tpu.barrier barrier_id(%barrier3A_155)
    "tpu.trace_start"() <{level = 10 : i32, message = "sc_writeback"}> : () -> ()
    "tpu.region"() ({
      %run_scoped3A = tpu.sem_alloc : memref<!tpu.dma_semaphore, #tpu.memory_space<semaphore_mem>>
      %dma_start3A_161 = arith.constant 0 : i32
      %dma_start3A_162 = tpu.memref_slice %arg5[%arg0, %mul3A_2, %dma_start3A_161] : memref<2x10240x64xf32, #tpu.memory_space<hbm>> -> memref<1x640x64xf32, #tpu.memory_space<hbm>>
      %dma_start3A_163 = tpu.memref_squeeze %dma_start3A_162 : memref<1x640x64xf32, #tpu.memory_space<hbm>> -> memref<640x64xf32, #tpu.memory_space<hbm>>
      %dma_start3A_164 = arith.constant 0 : i32
      %dma_start3A_165 = tpu.memref_slice %arg14[%mul3A_2, %dma_start3A_164] : memref<10240x64xf32, #tpu.memory_space<vmem_shared>> -> memref<640x64xf32, #tpu.memory_space<vmem_shared>>
      tpu.enqueue_dma source(%dma_start3A_165 : memref<640x64xf32, #tpu.memory_space<vmem_shared>>) target(%dma_start3A_163 : memref<640x64xf32, #tpu.memory_space<hbm>>) target_semaphore(%run_scoped3A : memref<!tpu.dma_semaphore, #tpu.memory_space<semaphore_mem>>)
      %dma_wait3A_166 = arith.constant 0 : i32
      %dma_wait3A_167 = tpu.memref_slice %arg5[%arg0, %mul3A_2, %dma_wait3A_166] : memref<2x10240x64xf32, #tpu.memory_space<hbm>> -> memref<1x640x64xf32, #tpu.memory_space<hbm>>
      %dma_wait3A_168 = tpu.memref_squeeze %dma_wait3A_167 : memref<1x640x64xf32, #tpu.memory_space<hbm>> -> memref<640x64xf32, #tpu.memory_space<hbm>>
      %dma_wait3A_169 = arith.constant 0 : i32
      %dma_wait3A_170 = tpu.memref_slice %arg14[%mul3A_2, %dma_wait3A_169] : memref<10240x64xf32, #tpu.memory_space<vmem_shared>> -> memref<640x64xf32, #tpu.memory_space<vmem_shared>>
      tpu.wait_dma2 semaphore(%run_scoped3A : memref<!tpu.dma_semaphore, #tpu.memory_space<semaphore_mem>>) src(%dma_wait3A_170 : memref<640x64xf32, #tpu.memory_space<vmem_shared>>) dst(%dma_wait3A_168 : memref<640x64xf32, #tpu.memory_space<hbm>>)
      tpu.yield
    }) : () -> ()
    %eq3A_156 = arith.constant 0 : i32
    %eq3A_157 = arith.cmpi eq, %arg0, %eq3A_156 : i32
    %convert_element_type3A_158 = arith.extui %eq3A_157 : i1 to i32
    %cond3A_159 = arith.constant 0 : i32
    %cond3A_160 = arith.cmpi ne, %convert_element_type3A_158, %cond3A_159 : i32
    scf.if %cond3A_160 {
      "tpu.region"() ({
        %run_scoped3A = tpu.sem_alloc : memref<!tpu.dma_semaphore, #tpu.memory_space<semaphore_mem>>
        %dma_start3A_161 = tpu.memref_slice %arg6[%mul3A_2] : memref<10240xf32, #tpu.memory_space<hbm>> -> memref<640xf32, #tpu.memory_space<hbm>>
        %dma_start3A_162 = tpu.memref_slice %arg16[%mul3A_2] : memref<10240xf32, #tpu.memory_space<vmem_shared>> -> memref<640xf32, #tpu.memory_space<vmem_shared>>
        tpu.enqueue_dma source(%dma_start3A_162 : memref<640xf32, #tpu.memory_space<vmem_shared>>) target(%dma_start3A_161 : memref<640xf32, #tpu.memory_space<hbm>>) target_semaphore(%run_scoped3A : memref<!tpu.dma_semaphore, #tpu.memory_space<semaphore_mem>>)
        %dma_wait3A_163 = tpu.memref_slice %arg6[%mul3A_2] : memref<10240xf32, #tpu.memory_space<hbm>> -> memref<640xf32, #tpu.memory_space<hbm>>
        %dma_wait3A_164 = tpu.memref_slice %arg16[%mul3A_2] : memref<10240xf32, #tpu.memory_space<vmem_shared>> -> memref<640xf32, #tpu.memory_space<vmem_shared>>
        tpu.wait_dma2 semaphore(%run_scoped3A : memref<!tpu.dma_semaphore, #tpu.memory_space<semaphore_mem>>) src(%dma_wait3A_164 : memref<640xf32, #tpu.memory_space<vmem_shared>>) dst(%dma_wait3A_163 : memref<640xf32, #tpu.memory_space<hbm>>)
        tpu.yield
      }) : () -> ()
    } else {
    }
    "tpu.trace_stop"() : () -> ()
    return
  }
}

module attributes {stable_mosaic.version = 14 : i64} {
  func.func @_tc_body(%arg0: i32, %arg1: memref<400x128xf32, #tpu.memory_space<vmem>>, %arg2: memref<2x400x64xf32, #tpu.memory_space<vmem>>, %arg3: memref<400x1xf32, #tpu.memory_space<vmem>>, %arg4: memref<128x1024xf32, #tpu.memory_space<vmem>>, %arg5: memref<1024x256xf32, #tpu.memory_space<vmem>>, %arg6: memref<1x256xf32, #tpu.memory_space<vmem>>, %arg7: memref<256x40xf32, #tpu.memory_space<vmem>>, %arg8: memref<1x40xf32, #tpu.memory_space<vmem>>, %arg9: memref<400x40xf32, #tpu.memory_space<vmem>>) attributes {dimension_semantics = [#tpu.dimension_semantics<arbitrary>], iteration_bounds = array<i64: 25>, scalar_prefetch = 0 : i64, scratch_operands = 0 : i64, tpu.core_type = #tpu.core_type<tc>, window_params = [{transform_indices = @transform_0, window_bounds = array<i64: 400, 128>}, {transform_indices = @transform_1, window_bounds = array<i64: 2, 400, 64>}, {transform_indices = @transform_2, window_bounds = array<i64: 400, 1>}, {pipeline_mode = #tpu.pipeline_mode<synchronous>, transform_indices = @transform_3, window_bounds = array<i64: 128, 1024>}, {pipeline_mode = #tpu.pipeline_mode<synchronous>, transform_indices = @transform_4, window_bounds = array<i64: 1024, 256>}, {pipeline_mode = #tpu.pipeline_mode<synchronous>, transform_indices = @transform_5, window_bounds = array<i64: 1, 256>}, {pipeline_mode = #tpu.pipeline_mode<synchronous>, transform_indices = @transform_6, window_bounds = array<i64: 256, 40>}, {pipeline_mode = #tpu.pipeline_mode<synchronous>, transform_indices = @transform_7, window_bounds = array<i64: 1, 40>}, {transform_indices = @transform_8, window_bounds = array<i64: 400, 40>}]} {
    %get3A = arith.constant 0 : index
    %get3A_0 = arith.constant 0 : index
    %get3A_1 = vector.load %arg1[%get3A, %get3A_0] : memref<400x128xf32, #tpu.memory_space<vmem>>, vector<400x128xf32>
    %get3A_2 = arith.constant 0 : index
    %get3A_3 = arith.constant 0 : index
    %get3A_4 = arith.constant 0 : index
    %get3A_5 = vector.load %arg2[%get3A_2, %get3A_3, %get3A_4] : memref<2x400x64xf32, #tpu.memory_space<vmem>>, vector<1x400x64xf32>
    %get3A_6 = vector.shape_cast %get3A_5 : vector<1x400x64xf32> to vector<400x64xf32>
    %get3A_7 = arith.constant 1 : index
    %get3A_8 = arith.constant 0 : index
    %get3A_9 = arith.constant 0 : index
    %get3A_10 = vector.load %arg2[%get3A_7, %get3A_8, %get3A_9] : memref<2x400x64xf32, #tpu.memory_space<vmem>>, vector<1x400x64xf32>
    %get3A_11 = vector.shape_cast %get3A_10 : vector<1x400x64xf32> to vector<400x64xf32>
    %concatenate3A = tpu.concatenate %get3A_6, %get3A_11 in 1 : vector<400x64xf32>, vector<400x64xf32> -> vector<400x128xf32>
    %get3A_12 = arith.constant 0 : index
    %get3A_13 = arith.constant 0 : index
    %get3A_14 = vector.load %arg3[%get3A_12, %get3A_13] : memref<400x1xf32, #tpu.memory_space<vmem>>, vector<400x1xf32>
    %max3A = arith.constant 1.000000e+00 : f32
    %max3A_15 = vector.broadcast %max3A : f32 to vector<400x1xf32>
    %max3A_16 = arith.maximumf %get3A_14, %max3A_15 : vector<400x1xf32>
    %div3A = arith.constant 1.000000e+00 : f32
    %div3A_17 = vector.broadcast %div3A : f32 to vector<400x1xf32>
    %div3A_18 = arith.divf %div3A_17, %max3A_16 : vector<400x1xf32>
    %mul3A = arith.constant 3.000000e-01 : f32
    %mul3A_19 = vector.broadcast %mul3A : f32 to vector<400x128xf32>
    %mul3A_20 = arith.mulf %mul3A_19, %get3A_1 : vector<400x128xf32>
    %mul3A_21 = vector.broadcast %div3A_18 : vector<400x1xf32> to vector<400x128xf32>
    %mul3A_22 = arith.mulf %concatenate3A, %mul3A_21 : vector<400x128xf32>
    %mul3A_23 = arith.constant 0.699999988 : f32
    %mul3A_24 = vector.broadcast %mul3A_23 : f32 to vector<400x128xf32>
    %mul3A_25 = arith.mulf %mul3A_24, %mul3A_22 : vector<400x128xf32>
    %add3A = arith.addf %mul3A_20, %mul3A_25 : vector<400x128xf32>
    %get3A_26 = arith.constant 0 : index
    %get3A_27 = arith.constant 0 : index
    %get3A_28 = vector.load %arg4[%get3A_26, %get3A_27] : memref<128x1024xf32, #tpu.memory_space<vmem>>, vector<128x1024xf32>
    %dot_general3A = arith.constant dense<0.000000e+00> : vector<400x1024xf32>
    %dot_general3A_29 = tpu.matmul %add3A, %get3A_28, %dot_general3A {dimension_numbers = #tpu.dot_dimension_numbers<[1], [0], [0], [1], [0, 0, 1, 1], [], []>, transpose_lhs_hint = false} : vector<400x128xf32>, vector<128x1024xf32>, vector<400x1024xf32> -> vector<400x1024xf32>
    %gt3A = arith.constant 0.000000e+00 : f32
    %gt3A_30 = vector.broadcast %gt3A : f32 to vector<400x1024xf32>
    %gt3A_31 = arith.cmpf ogt, %dot_general3A_29, %gt3A_30 : vector<400x1024xf32>
    %mul3A_32 = arith.constant 2.000000e-01 : f32
    %mul3A_33 = vector.broadcast %mul3A_32 : f32 to vector<400x1024xf32>
    %mul3A_34 = arith.mulf %mul3A_33, %dot_general3A_29 : vector<400x1024xf32>
    %select_n3A = arith.select %gt3A_31, %dot_general3A_29, %mul3A_34 : vector<400x1024xi1>, vector<400x1024xf32>
    %get3A_35 = arith.constant 0 : index
    %get3A_36 = arith.constant 0 : index
    %get3A_37 = vector.load %arg5[%get3A_35, %get3A_36] : memref<1024x256xf32, #tpu.memory_space<vmem>>, vector<1024x256xf32>
    %dot_general3A_38 = arith.constant dense<0.000000e+00> : vector<400x256xf32>
    %dot_general3A_39 = tpu.matmul %select_n3A, %get3A_37, %dot_general3A_38 {dimension_numbers = #tpu.dot_dimension_numbers<[1], [0], [0], [1], [0, 0, 1, 1], [], []>, transpose_lhs_hint = false} : vector<400x1024xf32>, vector<1024x256xf32>, vector<400x256xf32> -> vector<400x256xf32>
    %get3A_40 = arith.constant 0 : index
    %get3A_41 = arith.constant 0 : index
    %get3A_42 = vector.load %arg6[%get3A_40, %get3A_41] : memref<1x256xf32, #tpu.memory_space<vmem>>, vector<1x256xf32>
    %add3A_43 = vector.broadcast %get3A_42 : vector<1x256xf32> to vector<400x256xf32>
    %add3A_44 = arith.addf %dot_general3A_39, %add3A_43 : vector<400x256xf32>
    %gt3A_45 = arith.constant 0.000000e+00 : f32
    %gt3A_46 = vector.broadcast %gt3A_45 : f32 to vector<400x256xf32>
    %gt3A_47 = arith.cmpf ogt, %add3A_44, %gt3A_46 : vector<400x256xf32>
    %mul3A_48 = arith.constant 2.000000e-01 : f32
    %mul3A_49 = vector.broadcast %mul3A_48 : f32 to vector<400x256xf32>
    %mul3A_50 = arith.mulf %mul3A_49, %add3A_44 : vector<400x256xf32>
    %select_n3A_51 = arith.select %gt3A_47, %add3A_44, %mul3A_50 : vector<400x256xi1>, vector<400x256xf32>
    %get3A_52 = arith.constant 0 : index
    %get3A_53 = arith.constant 0 : index
    %get3A_54 = vector.load %arg7[%get3A_52, %get3A_53] : memref<256x40xf32, #tpu.memory_space<vmem>>, vector<256x40xf32>
    %dot_general3A_55 = arith.constant dense<0.000000e+00> : vector<400x40xf32>
    %dot_general3A_56 = tpu.matmul %select_n3A_51, %get3A_54, %dot_general3A_55 {dimension_numbers = #tpu.dot_dimension_numbers<[1], [0], [0], [1], [0, 0, 1, 1], [], []>, transpose_lhs_hint = false} : vector<400x256xf32>, vector<256x40xf32>, vector<400x40xf32> -> vector<400x40xf32>
    %get3A_57 = arith.constant 0 : index
    %get3A_58 = arith.constant 0 : index
    %get3A_59 = vector.load %arg8[%get3A_57, %get3A_58] : memref<1x40xf32, #tpu.memory_space<vmem>>, vector<1x40xf32>
    %add3A_60 = vector.broadcast %get3A_59 : vector<1x40xf32> to vector<400x40xf32>
    %add3A_61 = arith.addf %dot_general3A_56, %add3A_60 : vector<400x40xf32>
    %swap3A = arith.constant 0 : index
    %swap3A_62 = arith.constant 0 : index
    %swap3A_63 = vector.load %arg9[%swap3A, %swap3A_62] : memref<400x40xf32, #tpu.memory_space<vmem>>, vector<400x40xf32>
    tpu.vector_store %arg9[%swap3A, %swap3A_62], %add3A_61 {strides = array<i32>} : memref<400x40xf32, #tpu.memory_space<vmem>>, vector<400x40xf32>,
    return
  }
  func.func @transform_0(%arg0: i32) -> (i32, i32) {
    %c0_i32 = arith.constant 0 : i32
    %c0_i32_0 = arith.constant 0 : i32
    return %arg0, %c0_i32 : i32, i32
  }
  func.func @transform_1(%arg0: i32) -> (i32, i32, i32) {
    %c0_i32 = arith.constant 0 : i32
    %c0_i32_0 = arith.constant 0 : i32
    %c0_i32_1 = arith.constant 0 : i32
    return %c0_i32, %arg0, %c0_i32_0 : i32, i32, i32
  }
  func.func @transform_2(%arg0: i32) -> (i32, i32) {
    %c0_i32 = arith.constant 0 : i32
    %c0_i32_0 = arith.constant 0 : i32
    return %arg0, %c0_i32 : i32, i32
  }
  func.func @transform_3(%arg0: i32) -> (i32, i32) {
    %c0_i32 = arith.constant 0 : i32
    %c0_i32_0 = arith.constant 0 : i32
    %c0_i32_1 = arith.constant 0 : i32
    return %c0_i32, %c0_i32_0 : i32, i32
  }
  func.func @transform_4(%arg0: i32) -> (i32, i32) {
    %c0_i32 = arith.constant 0 : i32
    %c0_i32_0 = arith.constant 0 : i32
    %c0_i32_1 = arith.constant 0 : i32
    return %c0_i32, %c0_i32_0 : i32, i32
  }
  func.func @transform_5(%arg0: i32) -> (i32, i32) {
    %c0_i32 = arith.constant 0 : i32
    %c0_i32_0 = arith.constant 0 : i32
    %c0_i32_1 = arith.constant 0 : i32
    return %c0_i32, %c0_i32_0 : i32, i32
  }
  func.func @transform_6(%arg0: i32) -> (i32, i32) {
    %c0_i32 = arith.constant 0 : i32
    %c0_i32_0 = arith.constant 0 : i32
    %c0_i32_1 = arith.constant 0 : i32
    return %c0_i32, %c0_i32_0 : i32, i32
  }
  func.func @transform_7(%arg0: i32) -> (i32, i32) {
    %c0_i32 = arith.constant 0 : i32
    %c0_i32_0 = arith.constant 0 : i32
    %c0_i32_1 = arith.constant 0 : i32
    return %c0_i32, %c0_i32_0 : i32, i32
  }
  func.func @transform_8(%arg0: i32) -> (i32, i32) {
    %c0_i32 = arith.constant 0 : i32
    %c0_i32_0 = arith.constant 0 : i32
    return %arg0, %c0_i32 : i32, i32
  }
}

</mosaic_0001>

<sc_bundles>
// kernel: kernel.4.cloned.1.call-start
scs
__scs_entry_jumppad:
0x0: {  	(pc) =	sbr.rel $0x88, $3  }
0x1: {  	(tag) =	ssettag $0x0;
	lr =	simm.s32 $0x1  }
0x2: {  	[smem:$0x3F9A] =	sst lr;
	_ =	strace $0xD0000000  }
0x3: {  	_ = 	snop  }
0x4: {  	_ = 	snop  }
0x5: {  	_ = 	snop  }
0x6: {  	_ = 	snop  }
0x7: {  	_ = 	snop  }
__scs_overlays_trampoline_lowered:
0x8: {  	[smem:$0x3FA9] =	sst s0  }
0x9: {  	[smem:$0x3FAA] =	sst s1  }
0xa: {  	[smem:$0x3FAB] =	sst s2  }
0xb: {  	[smem:$0x3FAC] =	sst s3  }
0xc: {  	[smem:$0x3FAD] =	sst s4  }
0xd: {  	[smem:$0x3FAE] =	sst s5  }
0xe: {  	[smem:$0x3FAF] =	sst s6  }
0xf: {  	[smem:$0x3FB0] =	sst s7  }
0x10: {  	[smem:$0x3FB1] =	sst s8  }
0x11: {  	[smem:$0x3FB2] =	sst s9;
	s0 =	simm.s32 @!p0 $0x0  }
0x12: {  	s1 =	sld [smem:$0x3F98];
	s0 =	simm.s32 @p0 $0x1  }
0x13: {  	[smem:$0x3FB3] =	sst s0;
	s0 =	simm.s32 @!p1 $0x0  }
0x14: {  	s2 =	sld [smem:$0x3F97];
	s0 =	simm.s32 @p1 $0x1  }
0x15: {  	[smem:$0x3FB4] =	sst s0;
	s0 =	simm.s32 @!p2 $0x0  }
0x16: {  	s3 =	sld [smem:$0x3FDB];
	s0 =	simm.s32 @p2 $0x1  }
0x17: {  	s4 =	simm.s32 $0x1BF5;
	[smem:$0x3FB6] =	sst s0  }
0x18: {  	s0 =	sld [smem:$0x3F99];
	_ =	swait.ge [sflag:s4], $0x0  }
0x19: {  	s7 =	sld [smem:$0x3F9A]  }
0x1a: {  	s8 =	sadd.s32 $0xFFFFE003, lr  }
0x1b: {  	s9 =	sadd.s32 $0xFFFFFEF7, lr;
	s5 =	simm.s32 $0xFFFFFFFF;
	p2 =	slt.u32 s8, $0xFFFFF086  }
0x1c: {  	p1 =	slt.u32 s9, $0xF7A;
	s5 =	simm.s32 @!p2 $0x0  }
0x1d: {  	s5 =	simm.s32 @p1 $0x1;
	p0 =	seq.s32 s7, s2  }
0x1e: {  	s7 =	smul.u32 @!p0 $0xF7A, s2;
	p2 =	seq.s32 @!p0 s5, $0x0  }
0x1f: {  	s9 =	smul.u32 $0xF7A, s1;
	s8 =	simm.s32 @!p0 $0x1BF5;
	p2 =	por !p2, p0  }
0x20: {  	[sflag:s8] =	ssyncset.s32 @!p0 $0xFFFFF086;
	s6 =	sadd.s32 @!p0 s3, s7;
	s7 =	simm.s32 @!p0 $0x108  }
0x21: {  	s3 =	sadd.s32 s3, s9;
	s6 =	sadd.s32 @!p0 $0x88, s6;
	s7 =	simm.s32 @p2 $0x1082  }
0x22: {  	[simem:s7], [sflag:s8] =	dma.local @!p0 [hbm:s6], $0xF7A  }
0x23: {  	s9 =	sor.u32 $0xD0000000, s2;
	s6 =	simm.s32 $0x108;
	_ =	swait.ge @!p0 [sflag:s8], $0x0  }
0x24: {  	s3 =	sadd.s32 $0x88, s3;
	s6 =	simm.s32 @!p1 $0x1082;
	[sflag:s4] =	ssyncset.s32 $0xFFFFF086  }
0x25: {  	[simem:s6], [sflag:s4] =	dma.local [hbm:s3], $0xF7A  }
0x26: {  	[smem:$0x3F9A] =	sst s1;
	(tag) =	ssettag s2;
	_ =	strace s9  }
0x27: {  	s1 =	sld [smem:$0x3FAA]  }
0x28: {  	s2 =	sld [smem:$0x3FAB]  }
0x29: {  	s4 =	sld [smem:$0x3FAD]  }
0x2a: {  	p0 =	seq.s32 s5, $0x0;
	s5 =	sld [smem:$0x3FAE]  }
0x2b: {  	s6 =	sld [smem:$0x3FAF]  }
0x2c: {  	s7 =	sld [smem:$0x3FB0]  }
0x2d: {  	s3 =	simm.s32 $0x108;
	s8 =	sld [smem:$0x3FB1]  }
0x2e: {  	s3 =	simm.s32 @!p0 $0x1082;
	s9 =	sld [smem:$0x3FB2]  }
0x2f: {  	lr =	sadd.s32 s0, s3;
	s0 =	sld [smem:$0x3FA9]  }
0x30: {  	s3 =	sld [smem:$0x3FAC]  }
0x31: {  	[smem:$0x3FB5] =	sst s10  }
0x32: {  	s10 =	sld [smem:$0x3FB3];
	_ =	sdelay $0x3  }
0x33: {  	p0 =	seq.s32 s10, $0x1;
	s10 =	sld [smem:$0x3FB5];
	_ =	sdelay $0x3  }
0x34: {  	[smem:$0x3FB5] =	sst s10  }
0x35: {  	s10 =	sld [smem:$0x3FB4];
	_ =	sdelay $0x3  }
0x36: {  	p1 =	seq.s32 s10, $0x1;
	s10 =	sld [smem:$0x3FB5];
	_ =	sdelay $0x3  }
0x37: {  	[smem:$0x3FB5] =	sst s10  }
0x38: {  	s10 =	sld [smem:$0x3FB6]  }
0x39: {  	_ = 	snop;
	(pc) =	sbr.ind lr, $3  }
0x3a: {  	_ = 	snop  }
0x3b: {  	_ = 	snop  }
0x3c: {  	p2 =	seq.s32 s10, $0x1;
	s10 =	sld [smem:$0x3FB5]  }
0x3d: {  	_ =	shalt  }
0x3e: {  	_ =	shalt  }
0x3f: {  	_ =	shalt  }
0x40: {  	_ =	shalt  }
0x41: {  	_ =	shalt  }
0x42: {  	_ =	shalt  }
0x43: {  	_ =	shalt  }
0x44: {  	_ =	shalt  }
0x45: {  	_ =	shalt  }
0x46: {  	_ =	shalt  }
0x47: {  	_ =	shalt  }
0x48: {  	_ =	shalt  }
0x49: {  	_ =	shalt  }
0x4a: {  	_ =	shalt  }
0x4b: {  	_ =	shalt  }
0x4c: {  	_ =	shalt  }
0x4d: {  	_ =	shalt  }
0x4e: {  	_ =	shalt  }
0x4f: {  	_ =	shalt  }
0x50: {  	_ =	shalt  }
0x51: {  	_ =	shalt  }
0x52: {  	_ =	shalt  }
0x53: {  	_ =	shalt  }
0x54: {  	_ =	shalt  }
0x55: {  	_ =	shalt  }
0x56: {  	_ =	shalt  }
0x57: {  	_ =	shalt  }
0x58: {  	_ =	shalt  }
0x59: {  	_ =	shalt  }
0x5a: {  	_ =	shalt  }
0x5b: {  	_ =	shalt  }
0x5c: {  	_ =	shalt  }
0x5d: {  	_ =	shalt  }
0x5e: {  	_ =	shalt  }
0x5f: {  	_ =	shalt  }
0x60: {  	_ =	shalt  }
0x61: {  	_ =	shalt  }
0x62: {  	_ =	shalt  }
0x63: {  	_ =	shalt  }
0x64: {  	_ =	shalt  }
0x65: {  	_ =	shalt  }
0x66: {  	_ =	shalt  }
0x67: {  	_ =	shalt  }
0x68: {  	_ =	shalt  }
0x69: {  	_ =	shalt  }
0x6a: {  	_ =	shalt  }
0x6b: {  	_ =	shalt  }
0x6c: {  	_ =	shalt  }
0x6d: {  	_ =	shalt  }
0x6e: {  	_ =	shalt  }
0x6f: {  	_ =	shalt  }
0x70: {  	_ =	shalt  }
0x71: {  	_ =	shalt  }
0x72: {  	_ =	shalt  }
0x73: {  	_ =	shalt  }
0x74: {  	_ =	shalt  }
0x75: {  	_ =	shalt  }
0x76: {  	_ =	shalt  }
0x77: {  	_ =	shalt  }
0x78: {  	_ =	shalt  }
0x79: {  	_ =	shalt  }
0x7a: {  	_ =	shalt  }
0x7b: {  	_ =	shalt  }
0x7c: {  	_ =	shalt  }
0x7d: {  	_ =	shalt  }
0x7e: {  	_ =	shalt  }
0x7f: {  	_ =	shalt  }
0x80: {  	_ =	shalt  }
0x81: {  	_ =	shalt  }
0x82: {  	_ =	shalt  }
0x83: {  	_ =	shalt  }
0x84: {  	_ =	shalt  }
0x85: {  	_ =	shalt  }
0x86: {  	_ =	shalt  }
0x87: {  	_ =	shalt  }
.Lfunc_end0:
.L_simem_size_0:
called_computation_lowered:
.L_overlay_start_0:
0x88: {  	s2 =	sld [smem:$0x3FD9]  }
0x89: {  	s3 =	sld [smem:$0x3FFE];
	_ =	sdelay $0x1  }
0x8a: {  	s1 =	srdreg.scid  }
0x8b: {  	s0 =	sand.u32 $0x1, s1  }
0x8c: {  	s17 =	sshll.u32 s0, $0xA;
	s2 =	sadd.s32 s3, s2  }
0x8d: {  	s2 =	sadd.s32 s2, s17  }
0x8e: {  	[smem:$0x3FC1] =	sst s2  }
0x8f: {  	_ = 	snop  }
0x90: {  	s2 =	sld [smem:$0x3FD0];
	(tm) =	ssettm $0x1  }
0x91: {  	s18 =	sld [smem:$0x3FFB];
	_ =	sdelay $0x3  }
0x92: {  	_ =	strace s18  }
0x93: {  	s3 =	sld [smem:$0x3FFC];
	_ =	sdelay $0x3  }
0x94: {  	_ =	strace s3  }
0x95: {  	s3 =	sld [smem:$0x3FFD];
	_ =	sdelay $0x3  }
0x96: {  	_ =	strace s3  }
0x97: {  	_ =	strace $0x8FFFFFFF  }
0x98: {  	s19 =	sld [smem:$0x3FDB];
	_ =	sdelay $0x1  }
0x99: {  	s4 =	simm.s32 $_scs_section_size  }
0x9a: {  	s5 =	simm.s32 $_size__tile_overlayer_lowered;
	s6 =	simm.s32 $_tile_overlayer_lowered  }
0x9b: {  	s22 =	simm.s32 $0x1BFF;
	s21 =	sshll.u32 s6, $0x1;
	s3 =	sadd.s32 s4, s19  }
0x9c: {  	s7 =	simm.s32 $0x0;
	s20 =	sshll.u32 s5, $0x1;
	s5 =	sadd.s32 s21, s3  }
0x9d: {  	[timem:s7], [sflag:s22] =	dma.local [hbm:s5], s20  }
0x9e: {  	_ =	swait.ge [sflag:s22], s20  }
0x9f: {  	s4 =	ssub.s32 $0x0, s20;
	[sflag:s22] =	ssyncset.done $0x0  }
0xa0: {  	[sflag:s22] =	ssyncadd.s32 s4;
	_ =	sdelay $0x1  }
0xa1: {  	s23 =	simm.s32 $0x1B8B  }
0xa2: {  	_ =	swait.ge [sflag:s23], $0x1  }
0xa3: {  	[sflag:s23] =	ssyncset.done $0x0  }
0xa4: {  	s25 =	simm.s32 $0x1B8E;
	s24 =	sld [smem:$0x3FFE];
	[sflag:s23] =	ssyncadd.s32 $0xFFFFFFFF  }
0xa5: {  	s26 =	simm.s32 $execute0_lowered;
	[smem:$0x3FD2] =	sst s25  }
0xa6: {  	s5 =	sshll.u32 s26, $0x1;
	_ =	strace $0x80000046;
	[dreg:$0x1] =	wrdreg $0xFFFFFFFF  }
0xa7: {  	s28 =	simm.s32 $_size_execute0_lowered;
	s3 =	sadd.s32 s3, s5;
	[dreg:$0x0] =	wrdreg $0x0  }
0xa8: {  	s5 =	sshll.u32 s28, $0x1;
	[dreg:$0x2] =	wrdreg s3  }
0xa9: {  	[dreg:$0x3] =	wrdreg s5  }
0xaa: {  	[dreg:$0x4] =	wrdreg $0xC0  }
0xab: {  	_ =	task [dreg:s7], $0x5FFFF  }
0xac: {  	[dreg:$0x1] =	wrdreg $0xFFFFFFFF  }
0xad: {  	[dreg:$0x0] =	wrdreg $0x60  }
0xae: {  	[dreg:$0x2] =	wrdreg s24  }
0xaf: {  	[dreg:$0x3] =	wrdreg s2  }
0xb0: {  	[dreg:$0x4] =	wrdreg $0xEF000  }
0xb1: {  	[dreg:$0x5] =	wrdreg $0x18F000  }
0xb2: {  	[dreg:$0x6] =	wrdreg $0x191800  }
0xb3: {  	[dreg:$0x7] =	wrdreg $0x9  }
0xb4: {  	_ =	task.clear_ibuf [dreg:s7], $0x8FFFF;
	_ =	strace $0x90000046  }
0xb5: {  	s29 =	simm.s32 $0x9;
	_ =	strace $0x8000004E  }
0xb6: {  	_ =	swait.ge [sflag:s29], $0x1  }
0xb7: {  	[sflag:s29] =	ssyncadd.s32 $0xFFFFFFFF  }
0xb8: {  	_ =	strace $0x9000004E  }
0xb9: {  	_ =	sfence  }
0xba: {  	s30 =	sld [smem:$0x0];
	_ =	sdelay $0x2  }
0xbb: {  	s31 =	sshll.u32 s1, $0xD;
	s1 =	sshrl.u32 s1, $0x2  }
0xbc: {  	s3 =	sand.u32 $0x4000, s31;
	s1 =	sadd.s32 s1, s30  }
0xbd: {  	s0 =	sor.u32 s3, s0;
	s1 =	sshll.u32 s1, $0x11  }
0xbe: {  	s0 =	sor.u32 s1, s0  }
0xbf: {  	s0 =	sadd.s32 $0x8F2B, s0  }
0xc0: {  	[sflag:s0] =	ssyncadd.remote.s32 $0x1  }
0xc1: {  	_ =	sfence.sel $0xFFFF  }
0xc2: {  	[dreg:$0x0] =	wrdreg $0xFFFFFFFF;
	(pc) =	sbr.abs _section_cstart, $3  }
0xc3: {  	[dreg:$0x1] =	wrdreg $0xFFFFFFFF  }
0xc4: {  	_ =	task.clear_ibuf [dreg:s7], $0x2FFFF;
	_ =	strace $0x9FFFFFFF  }
0xc5: {  	(tm) =	ssettm $0x7FFFFFFF  }
tec
execute0_lowered:
.L_overlay_start_1:
0x0: {  	(tag) =	ssettag $0x1  }
0x1: {  	s1 =	rddreg [dreg:$0x0]  }
0x2: {  	s2 =	rddreg [dreg:$0x1]  }
0x3: {  	s0 =	rddreg [dreg:$0x2]  }
0x4: {  	s3 =	rddreg [dreg:$0x3];
	s17 =	stileid.u32  }
0x5: {  	s5 =	srdreg.scid;
	s11 =	smul.u32 $0xA000, s17  }
0x6: {  	s4 =	rddreg [dreg:$0x4];
	s10 =	sand.u32 $0x1, s5;
	s12 =	smul.u32 $0x9E0, s17  }
0x7: {  	s5 =	simm.s32 $0x0;
	s7 =	sadd.s32 $0x1800, s1;
	s6 =	smul.u32 $0xA0000, s10  }
0x8: {  	[smem:$0x7FF] =	sst s5;
	s9 =	ssub.s32 $0x2, s10;
	p0 =	sne.s32 s10, $0x0  }
0x9: {  	_ =	strace $0x80000047;
	s13 =	sadd.s32 s12, s1;
	s16 =	sshrl.u32 s9, $0x1  }
0xa: {  	s2 =	sadd.s32 s2, s12;
	s8 =	sadd.s32 s11, s6;
	s6 =	smul.u32 $0x280, s17  }
0xb: {  	s17 =	smul.u32 $0x28000, s17;
	[dreg:$0x6] =	wrdreg s2;
	s13 =	sadd.s32 $0x29800, s13  }
0xc: {  	s29 =	ssub.s32 s9, s16;
	s8 =	sshrl.u32 s8, $0x3;
	[dreg:$0x7] =	wrdreg s13  }
0xd: {  	s14 =	sadd.s32 s8, s1;
	s28 =	sshrl.u32 s6, $0x3;
	s8 =	sadd.s32 $0x33600, s1  }
0xe: {  	s16 =	sshrl.u32 s17, $0x2;
	s18 =	sor.u32 $0x40, s6;
	s17 =	sadd.s32 $0x5B600, s14  }
0xf: {  	s15 =	sadd.s32 s28, s1;
	s1 =	smax.u32 s29, $0x1;
	[dreg:$0x8] =	wrdreg s17  }
0x10: {  	s9 =	smul.u32 $0x2800, s10;
	s23 =	sadd.s32 s18, s3;
	[dreg:$0xa] =	wrdreg s1  }
0x11: {  	s22 =	sadd.s32 $0x80, s6;
	s2 =	sadd.s32 s18, s4;
	[dreg:$0xc] =	wrdreg s23  }
0x12: {  	s25 =	sadd.s32 $0xC0, s6;
	s29 =	sadd.s32 s22, s3;
	[dreg:$0xd] =	wrdreg s2  }
0x13: {  	s12 =	sadd.s32 s16, s0;
	s16 =	sadd.s32 s25, s3;
	[dreg:$0xf] =	wrdreg s29  }
0x14: {  	s20 =	sshll.u32 s18, $0x6;
	s18 =	sadd.s32 s25, s4;
	[dreg:$0x12] =	wrdreg s16  }
0x15: {  	s11 =	sadd.s32 s11, s0;
	s19 =	sadd.s32 $0x83600, s15;
	[dreg:$0x13] =	wrdreg s18  }
0x16: {  	s24 =	sshll.u32 s22, $0x6;
	s21 =	sadd.s32 s20, s0;
	[dreg:$0x9] =	wrdreg s19  }
0x17: {  	s10 =	sadd.s32 $0x1C0, s6;
	s26 =	sadd.s32 s24, s0;
	[dreg:$0xb] =	wrdreg s21  }
0x18: {  	s28 =	sshll.u32 s25, $0x6;
	s1 =	sadd.s32 s22, s4;
	[dreg:$0xe] =	wrdreg s26  }
0x19: {  	s14 =	sadd.s32 $0x200, s6;
	s15 =	sadd.s32 s28, s0;
	[dreg:$0x10] =	wrdreg s1  }
0x1a: {  	s17 =	sadd.s32 $0x100, s6;
	s18 =	sadd.s32 s14, s3;
	[dreg:$0x11] =	wrdreg s15  }
0x1b: {  	s13 =	sshll.u32 s10, $0x6;
	s21 =	sadd.s32 s17, s3;
	[smem:$0x7F2] =	sst s18  }
0x1c: {  	s20 =	sadd.s32 $0x140, s6;
	s1 =	sadd.s32 s17, s4;
	[dreg:$0x15] =	wrdreg s21  }
0x1d: {  	s24 =	sadd.s32 $0x180, s6;
	s25 =	sadd.s32 s20, s3;
	[dreg:$0x16] =	wrdreg s1  }
0x1e: {  	s16 =	sshll.u32 s14, $0x6;
	s26 =	sadd.s32 s20, s4;
	[dreg:$0x18] =	wrdreg s25  }
0x1f: {  	s30 =	sadd.s32 $0x6000, s12;
	s29 =	sadd.s32 s24, s3;
	[dreg:$0x19] =	wrdreg s26  }
0x20: {  	s19 =	sshll.u32 s17, $0x6;
	s15 =	sadd.s32 s10, s3;
	[dreg:$0x1b] =	wrdreg s29  }
0x21: {  	s22 =	sshll.u32 s20, $0x6;
	s2 =	sadd.s32 s19, s0;
	[dreg:$0x1e] =	wrdreg s15  }
0x22: {  	s31 =	sadd.s32 $0x7000, s12;
	s23 =	sadd.s32 s22, s0;
	[dreg:$0x14] =	wrdreg s2  }
0x23: {  	s28 =	sshll.u32 s24, $0x6;
	s1 =	sadd.s32 s24, s4;
	[dreg:$0x17] =	wrdreg s23  }
0x24: {  	s17 =	sadd.s32 $0x240, s6;
	s19 =	sadd.s32 s14, s4;
	[dreg:$0x1c] =	wrdreg s1  }
0x25: {  	s18 =	simm.s32 $0xDE00;
	s21 =	sadd.s32 s17, s3;
	[smem:$0x7F3] =	sst s19  }
0x26: {  	s20 =	sshll.u32 s17, $0x6;
	s22 =	sshrl.u32 s11, $0x3;
	[smem:$0x7F5] =	sst s21  }
0x27: {  	s24 =	sadd.s32 $0x1000, s12;
	s25 =	sadd.s32 $0x2000, s12;
	[smem:$0x7F7] =	sst s22  }
0x28: {  	s26 =	sadd.s32 $0x3000, s12;
	s29 =	sadd.s32 $0x5000, s12;
	[smem:$0x7F9] =	sst s24  }
0x29: {  	s11 =	simm.s32 $0x4F00;
	s14 =	simm.s32 $0x80;
	[smem:$0x7FA] =	sst s25  }
0x2a: {  	s15 =	simm.s32 $0x9E00;
	s2 =	sadd.s32 s28, s0;
	[smem:$0x7FB] =	sst s26  }
0x2b: {  	s1 =	sadd.s32 s13, s0;
	s22 =	sadd.s32 s6, s4;
	[smem:$0x7FD] =	sst s29  }
0x2c: {  	s23 =	sadd.s32 s6, s3;
	s28 =	sadd.s32 $0x4000, s12;
	[dreg:$0x1a] =	wrdreg s2  }
0x2d: {  	s13 =	simm.s32 $0xDF00;
	s19 =	simm.s32 $0x2;
	[dreg:$0x1d] =	wrdreg s1  }
0x2e: {  	s21 =	simm.s32 $0xDE80;
	s2 =	sadd.s32 s10, s4;
	[smem:$0x7F8] =	sst s23  }
.Ltmp0:
0x2f: {  	s1 =	sadd.s32 s16, s0;
	[smem:$0x7FC] =	sst s28;
	(pc) =	sbr.rel .LBB2_1-.Ltmp0, $4  }
0x30: {  	s10 =	simm.s32 $0x5;
	s16 =	simm.s32 $0x1;
	[dreg:$0x1f] =	wrdreg s2  }
0x31: {  	s23 =	simm.s32 $0x0;
	[smem:$0x7F1] =	sst s1;
	s2 =	sadd.s32 s20, s0  }
0x32: {  	s1 =	sadd.s32 s17, s4;
	s17 =	simm.s32 $0xBE00;
	[smem:$0x7F4] =	sst s2  }
0x33: {  	v1 =	vimm.f32 $1.000000000e+00;
	v2 =	vimm.f32 $0.0e+00;
	v0 =	vmov s9;
	[smem:$0x7F6] =	sst s1;
	s1 =	sadd.s32 $0x8000, s12;
	s2 =	sadd.s32 $0x9000, s12  }
.LBB2_16:
0x34: {  	[spmem:s0] =	stream.indirect.scatter.add.f32 [tilespmem:s17], [sflag:$0x2], $0x40, s26, s14, $0x2000b8;
	[tilespmem:$0x19400] =	vst v63  }
0x35: {  	_ =	swait.ge [sflag:s19], $0x2000  }
0x36: {  	[sflag:s19] =	ssyncset.done $0x0  }
0x37: {  	[sflag:s19] =	ssyncadd.s32 $0xFFFFE000  }
0x38: {  	_ =	strace $0x9000004C  }
0x39: {  	[bflag:$0x0] =	sbarrier.arrive $0xFFFF  }
0x3a: {  	_ =	strace $0x8000004D  }
0x3b: {  	s20 =	stileid.u32;
	s25 =	sld [smem:$0x7F7]  }
0x3c: {  	s20 =	sshll.u32 s20, $0x6  }
0x3d: {  	s20 =	sor.u32 $0x1C05, s20;
	s24 =	rddreg [dreg:$0x8]  }
0x3e: {  	[hbm:s24], [sflag:s20] =	dma.local [spmem:s25], $0x1400  }
0x3f: {  	_ =	swait.ge [sflag:s10], $0x1400  }
0x40: {  	[sflag:s10] =	ssyncset.done $0x0  }
0x41: {  	s24 =	sshrl.u32 @!p0 s22, $0x3;
	s25 =	rddreg [dreg:$0x9];
	[sflag:s10] =	ssyncadd.s32 $0xFFFFEC00  }
0x42: {  	[hbm:s25], [sflag:s20] =	dma.local @!p0 [spmem:s24], $0x50  }
0x43: {  	s20 =	simm.s32 @!p0 $0x5  }
0x44: {  	_ =	swait.ge @!p0 [sflag:s20], $0x50  }
0x45: {  	s23 =	sadd.s32 $0x1, s23;
	s29 =	rddreg [dreg:$0xa]  }
0x46: {  	p1 =	sne.s32 s23, s29  }
.Ltmp1:
0x47: {  	_ = 	snop;
	(pc) =	sbr.rel @!p1 .LBB2_17-.Ltmp1, $4  }
0x48: {  	_ = 	snop  }
0x49: {  	[sflag:s20] =	ssyncset.done @!p0 $0x0  }
0x4a: {  	[sflag:s20] =	ssyncadd.s32 @!p0 $0xFFFFFFB0  }
0x4b: {  	_ =	strace $0x9000004D  }
.LBB2_1:
0x4c: {  	_ =	strace $0x80000048  }
0x4d: {  	s20 =	rddreg [dreg:$0x6]  }
0x4e: {  	[tilespmem:s5], [sflag:$0x5] =	stream.linear.gather [hbm4b:s20+s5], $0x4F00, $0x200038;
	[tilespmem:$0x19400] =	vst v63  }
0x4f: {  	_ =	swait.ge [sflag:s10], $0x4F00  }
0x50: {  	[sflag:s10] =	ssyncset.done $0x0  }
0x51: {  	s29 =	rddreg [dreg:$0x7];
	[sflag:s10] =	ssyncadd.s32 $0xFFFFB100  }
0x52: {  	[tilespmem:s11], [sflag:$0x5] =	stream.linear.gather [hbm4b:s29+s5], $0x4F00, $0x200038;
	[tilespmem:$0x19400] =	vst v63  }
0x53: {  	_ =	swait.ge [sflag:s10], $0x4F00  }
0x54: {  	[sflag:s10] =	ssyncset.done $0x0  }
0x55: {  	[sflag:s10] =	ssyncadd.s32 $0xFFFFB100  }
0x56: {  	[tilespmem:$0xDE00] =	vst v1  }
0x57: {  	[tilespmem:$0xDE10] =	vst v1  }
0x58: {  	[tilespmem:$0xDE20] =	vst v1  }
0x59: {  	[tilespmem:$0xDE30] =	vst v1  }
0x5a: {  	[tilespmem:$0xDE40] =	vst v1  }
0x5b: {  	[tilespmem:$0xDE50] =	vst v1  }
0x5c: {  	[tilespmem:$0xDE60] =	vst v1  }
0x5d: {  	s24 =	simm.s32 $0x0;
	[tilespmem:$0xDE70] =	vst v1  }
.LBB2_2:
0x5e: {  	p1 =	sne.s32 s24, $0x3F00  }
.Ltmp2:
0x5f: {  	s25 =	sshra.s32 s24, $0x2;
	(pc) =	sbr.rel @p1 .LBB2_2-.Ltmp2, $4  }
0x60: {  	[tilespmem:s25+$0xDF00] =	vst v2  }
0x61: {  	[tilespmem:s25+$0xDF10] =	vst v2  }
0x62: {  	[tilespmem:s25+$0xDF20] =	vst v2  }
0x63: {  	s24 =	sadd.s32 $0x100, s24;
	[tilespmem:s25+$0xDF30] =	vst v2  }
0x64: {  	s24 =	simm.s32 $0x0  }
0x65: {  	v5 =	vld [tilespmem:s24+$0x0]  }
0x66: {  	v7 =	vld [tilespmem:s24+$0x10]  }
0x67: {  	v6 =	vld [tilespmem:s24+$0x20]  }
0x68: {  	v4 =	vld [tilespmem:s24+$0x30]  }
0x69: {  	v3 =	vld [tilespmem:s24+$0x40]  }
0x6a: {  	v8 =	vadd.s32 v0, v5;
	v5 =	vld [tilespmem:s24+$0x50]  }
0x6b: {  	s25 =	simm.s32 $0x200;
	[tilespmem:s24+$0x0] =	vst v8;
	v8 =	vadd.s32 v0, v7;
	v7 =	vld [tilespmem:s24+$0x60]  }
.LBB2_4:
0x6c: {  	s26 =	sshra.s32 s25, $0x2;
	p1 =	sne.s32 s25, $0x13A00;
	[tilespmem:s24+$0x10] =	vst v8;
	v6 =	vadd.s32 v0, v6;
	v8 =	vld [tilespmem:s24+$0x70]  }
0x6d: {  	v9 =	vld [tilespmem:s26+$0x0];
	[tilespmem:s24+$0x20] =	vst v6;
	v4 =	vadd.s32 v0, v4  }
0x6e: {  	v10 =	vld [tilespmem:s26+$0x10];
	[tilespmem:s24+$0x30] =	vst v4;
	v3 =	vadd.s32 v0, v3  }
.Ltmp3:
0x6f: {  	v6 =	vld [tilespmem:s26+$0x20];
	[tilespmem:s24+$0x40] =	vst v3;
	v3 =	vadd.s32 v0, v5;
	(pc) =	sbr.rel @p1 .LBB2_4-.Ltmp3, $4  }
0x70: {  	v4 =	vld [tilespmem:s26+$0x30];
	[tilespmem:s24+$0x50] =	vst v3;
	v5 =	vadd.s32 v0, v7  }
0x71: {  	v3 =	vld [tilespmem:s26+$0x40];
	[tilespmem:s24+$0x60] =	vst v5;
	v7 =	vadd.s32 v0, v8  }
0x72: {  	v8 =	vadd.s32 v0, v9;
	v5 =	vld [tilespmem:s26+$0x50];
	[tilespmem:s24+$0x70] =	vst v7;
	s24 =	smov.u32 s26  }
0x73: {  	s25 =	sadd.s32 $0x200, s25;
	[tilespmem:s24+$0x0] =	vst v8;
	v8 =	vadd.s32 v0, v10;
	v7 =	vld [tilespmem:s24+$0x60]  }
0x74: {  	[tilespmem:s24+$0x10] =	vst v8;
	v6 =	vadd.s32 v0, v6;
	v63 =	vld [tilespmem:s24+$0x70]  }
0x75: {  	[tilespmem:s24+$0x20] =	vst v6;
	v4 =	vadd.s32 v0, v4  }
0x76: {  	[tilespmem:s24+$0x30] =	vst v4;
	v3 =	vadd.s32 v0, v3  }
0x77: {  	[tilespmem:s24+$0x40] =	vst v3;
	v3 =	vadd.s32 v0, v5  }
0x78: {  	[tilespmem:s24+$0x50] =	vst v3;
	v3 =	vadd.s32 v0, v7  }
0x79: {  	[tilespmem:s24+$0x60] =	vst v3;
	v3 =	vadd.s32 v0, v63  }
0x7a: {  	[tilespmem:s24+$0x70] =	vst v3  }
0x7b: {  	[spmem:s12] =	stream.linear.scatter [tilespmem:s13], [sflag:$0x5], $0x1000, $0x200038;
	[tilespmem:$0x19400] =	vst v63  }
0x7c: {  	_ =	swait.ge [sflag:s10], $0x1000  }
0x7d: {  	s20 =	sld [smem:$0x7F8]  }
0x7e: {  	[sflag:s10] =	ssyncset.done $0x0  }
0x7f: {  	[sflag:s10] =	ssyncadd.s32 $0xFFFFF000  }
0x80: {  	[spmem:s20] =	stream.linear.scatter [tilespmem:s13], [sflag:$0x5], $0x40, $0x200038;
	[tilespmem:$0x19400] =	vst v63  }
0x81: {  	_ =	swait.ge [sflag:s10], $0x40  }
0x82: {  	[sflag:s10] =	ssyncset.done $0x0  }
0x83: {  	[sflag:s10] =	ssyncadd.s32 $0xFFFFFFC0  }
0x84: {  	[spmem:s22] =	stream.linear.scatter [tilespmem:s13], [sflag:$0x5], $0x40, $0x200038;
	[tilespmem:$0x19400] =	vst v63  }
0x85: {  	_ =	swait.ge [sflag:s10], $0x40  }
0x86: {  	[sflag:s10] =	ssyncset.done $0x0  }
0x87: {  	s25 =	rddreg [dreg:$0xb];
	[sflag:s10] =	ssyncadd.s32 $0xFFFFFFC0  }
0x88: {  	[spmem:s25] =	stream.linear.scatter [tilespmem:s13], [sflag:$0x5], $0x1000, $0x200038;
	[tilespmem:$0x19400] =	vst v63  }
0x89: {  	_ =	swait.ge [sflag:s10], $0x1000  }
0x8a: {  	[sflag:s10] =	ssyncset.done $0x0  }
0x8b: {  	s26 =	rddreg [dreg:$0xc];
	[sflag:s10] =	ssyncadd.s32 $0xFFFFF000  }
0x8c: {  	[spmem:s26] =	stream.linear.scatter [tilespmem:s13], [sflag:$0x5], $0x40, $0x200038;
	[tilespmem:$0x19400] =	vst v63  }
0x8d: {  	_ =	swait.ge [sflag:s10], $0x40  }
0x8e: {  	[sflag:s10] =	ssyncset.done $0x0  }
0x8f: {  	s29 =	rddreg [dreg:$0xd];
	[sflag:s10] =	ssyncadd.s32 $0xFFFFFFC0  }
0x90: {  	[spmem:s29] =	stream.linear.scatter [tilespmem:s13], [sflag:$0x5], $0x40, $0x200038;
	[tilespmem:$0x19400] =	vst v63  }
0x91: {  	_ =	swait.ge [sflag:s10], $0x40  }
0x92: {  	[sflag:s10] =	ssyncset.done $0x0  }
0x93: {  	s24 =	rddreg [dreg:$0xe];
	[sflag:s10] =	ssyncadd.s32 $0xFFFFFFC0  }
0x94: {  	[spmem:s24] =	stream.linear.scatter [tilespmem:s13], [sflag:$0x5], $0x1000, $0x200038;
	[tilespmem:$0x19400] =	vst v63  }
0x95: {  	_ =	swait.ge [sflag:s10], $0x1000  }
0x96: {  	[sflag:s10] =	ssyncset.done $0x0  }
0x97: {  	s25 =	rddreg [dreg:$0xf];
	[sflag:s10] =	ssyncadd.s32 $0xFFFFF000  }
0x98: {  	[spmem:s25] =	stream.linear.scatter [tilespmem:s13], [sflag:$0x5], $0x40, $0x200038;
	[tilespmem:$0x19400] =	vst v63  }
0x99: {  	_ =	swait.ge [sflag:s10], $0x40  }
0x9a: {  	[sflag:s10] =	ssyncset.done $0x0  }
0x9b: {  	s26 =	rddreg [dreg:$0x10];
	[sflag:s10] =	ssyncadd.s32 $0xFFFFFFC0  }
0x9c: {  	[spmem:s26] =	stream.linear.scatter [tilespmem:s13], [sflag:$0x5], $0x40, $0x200038;
	[tilespmem:$0x19400] =	vst v63  }
0x9d: {  	_ =	swait.ge [sflag:s10], $0x40  }
0x9e: {  	[sflag:s10] =	ssyncset.done $0x0  }
0x9f: {  	s29 =	rddreg [dreg:$0x11];
	[sflag:s10] =	ssyncadd.s32 $0xFFFFFFC0  }
0xa0: {  	[spmem:s29] =	stream.linear.scatter [tilespmem:s13], [sflag:$0x5], $0x1000, $0x200038;
	[tilespmem:$0x19400] =	vst v63  }
0xa1: {  	_ =	swait.ge [sflag:s10], $0x1000  }
0xa2: {  	[sflag:s10] =	ssyncset.done $0x0  }
0xa3: {  	s24 =	rddreg [dreg:$0x12];
	[sflag:s10] =	ssyncadd.s32 $0xFFFFF000  }
0xa4: {  	[spmem:s24] =	stream.linear.scatter [tilespmem:s13], [sflag:$0x5], $0x40, $0x200038;
	[tilespmem:$0x19400] =	vst v63  }
0xa5: {  	_ =	swait.ge [sflag:s10], $0x40  }
0xa6: {  	[sflag:s10] =	ssyncset.done $0x0  }
0xa7: {  	s25 =	rddreg [dreg:$0x13];
	[sflag:s10] =	ssyncadd.s32 $0xFFFFFFC0  }
0xa8: {  	[spmem:s25] =	stream.linear.scatter [tilespmem:s13], [sflag:$0x5], $0x40, $0x200038;
	[tilespmem:$0x19400] =	vst v63  }
0xa9: {  	_ =	swait.ge [sflag:s10], $0x40  }
0xaa: {  	[sflag:s10] =	ssyncset.done $0x0  }
0xab: {  	s26 =	rddreg [dreg:$0x14];
	[sflag:s10] =	ssyncadd.s32 $0xFFFFFFC0  }
0xac: {  	[spmem:s26] =	stream.linear.scatter [tilespmem:s13], [sflag:$0x5], $0x1000, $0x200038;
	[tilespmem:$0x19400] =	vst v63  }
0xad: {  	_ =	swait.ge [sflag:s10], $0x1000  }
0xae: {  	[sflag:s10] =	ssyncset.done $0x0  }
0xaf: {  	s29 =	rddreg [dreg:$0x15];
	[sflag:s10] =	ssyncadd.s32 $0xFFFFF000  }
0xb0: {  	[spmem:s29] =	stream.linear.scatter [tilespmem:s13], [sflag:$0x5], $0x40, $0x200038;
	[tilespmem:$0x19400] =	vst v63  }
0xb1: {  	_ =	swait.ge [sflag:s10], $0x40  }
0xb2: {  	[sflag:s10] =	ssyncset.done $0x0  }
0xb3: {  	s24 =	rddreg [dreg:$0x16];
	[sflag:s10] =	ssyncadd.s32 $0xFFFFFFC0  }
0xb4: {  	[spmem:s24] =	stream.linear.scatter [tilespmem:s13], [sflag:$0x5], $0x40, $0x200038;
	[tilespmem:$0x19400] =	vst v63  }
0xb5: {  	_ =	swait.ge [sflag:s10], $0x40  }
0xb6: {  	[sflag:s10] =	ssyncset.done $0x0  }
0xb7: {  	s25 =	rddreg [dreg:$0x17];
	[sflag:s10] =	ssyncadd.s32 $0xFFFFFFC0  }
0xb8: {  	[spmem:s25] =	stream.linear.scatter [tilespmem:s13], [sflag:$0x5], $0x1000, $0x200038;
	[tilespmem:$0x19400] =	vst v63  }
0xb9: {  	_ =	swait.ge [sflag:s10], $0x1000  }
0xba: {  	[sflag:s10] =	ssyncset.done $0x0  }
0xbb: {  	s26 =	rddreg [dreg:$0x18];
	[sflag:s10] =	ssyncadd.s32 $0xFFFFF000  }
0xbc: {  	[spmem:s26] =	stream.linear.scatter [tilespmem:s13], [sflag:$0x5], $0x40, $0x200038;
	[tilespmem:$0x19400] =	vst v63  }
0xbd: {  	_ =	swait.ge [sflag:s10], $0x40  }
0xbe: {  	[sflag:s10] =	ssyncset.done $0x0  }
0xbf: {  	s29 =	rddreg [dreg:$0x19];
	[sflag:s10] =	ssyncadd.s32 $0xFFFFFFC0  }
0xc0: {  	[spmem:s29] =	stream.linear.scatter [tilespmem:s13], [sflag:$0x5], $0x40, $0x200038;
	[tilespmem:$0x19400] =	vst v63  }
0xc1: {  	_ =	swait.ge [sflag:s10], $0x40  }
0xc2: {  	[sflag:s10] =	ssyncset.done $0x0  }
0xc3: {  	s24 =	rddreg [dreg:$0x1a];
	[sflag:s10] =	ssyncadd.s32 $0xFFFFFFC0  }
0xc4: {  	[spmem:s24] =	stream.linear.scatter [tilespmem:s13], [sflag:$0x5], $0x1000, $0x200038;
	[tilespmem:$0x19400] =	vst v63  }
0xc5: {  	_ =	swait.ge [sflag:s10], $0x1000  }
0xc6: {  	[sflag:s10] =	ssyncset.done $0x0  }
0xc7: {  	s25 =	rddreg [dreg:$0x1b];
	[sflag:s10] =	ssyncadd.s32 $0xFFFFF000  }
0xc8: {  	[spmem:s25] =	stream.linear.scatter [tilespmem:s13], [sflag:$0x5], $0x40, $0x200038;
	[tilespmem:$0x19400] =	vst v63  }
0xc9: {  	_ =	swait.ge [sflag:s10], $0x40  }
0xca: {  	[sflag:s10] =	ssyncset.done $0x0  }
0xcb: {  	s26 =	rddreg [dreg:$0x1c];
	[sflag:s10] =	ssyncadd.s32 $0xFFFFFFC0  }
0xcc: {  	[spmem:s26] =	stream.linear.scatter [tilespmem:s13], [sflag:$0x5], $0x40, $0x200038;
	[tilespmem:$0x19400] =	vst v63  }
0xcd: {  	_ =	swait.ge [sflag:s10], $0x40  }
0xce: {  	[sflag:s10] =	ssyncset.done $0x0  }
0xcf: {  	s29 =	rddreg [dreg:$0x1d];
	[sflag:s10] =	ssyncadd.s32 $0xFFFFFFC0  }
0xd0: {  	[spmem:s29] =	stream.linear.scatter [tilespmem:s13], [sflag:$0x5], $0x1000, $0x200038;
	[tilespmem:$0x19400] =	vst v63  }
0xd1: {  	_ =	swait.ge [sflag:s10], $0x1000  }
0xd2: {  	[sflag:s10] =	ssyncset.done $0x0  }
0xd3: {  	s24 =	rddreg [dreg:$0x1e];
	[sflag:s10] =	ssyncadd.s32 $0xFFFFF000  }
0xd4: {  	[spmem:s24] =	stream.linear.scatter [tilespmem:s13], [sflag:$0x5], $0x40, $0x200038;
	[tilespmem:$0x19400] =	vst v63  }
0xd5: {  	_ =	swait.ge [sflag:s10], $0x40  }
0xd6: {  	[sflag:s10] =	ssyncset.done $0x0  }
0xd7: {  	s25 =	rddreg [dreg:$0x1f];
	[sflag:s10] =	ssyncadd.s32 $0xFFFFFFC0  }
0xd8: {  	[spmem:s25] =	stream.linear.scatter [tilespmem:s13], [sflag:$0x5], $0x40, $0x200038;
	[tilespmem:$0x19400] =	vst v63  }
0xd9: {  	_ =	swait.ge [sflag:s10], $0x40  }
0xda: {  	s26 =	sld [smem:$0x7F1]  }
0xdb: {  	[sflag:s10] =	ssyncset.done $0x0  }
0xdc: {  	[sflag:s10] =	ssyncadd.s32 $0xFFFFFFC0  }
0xdd: {  	[spmem:s26] =	stream.linear.scatter [tilespmem:s13], [sflag:$0x5], $0x1000, $0x200038;
	[tilespmem:$0x19400] =	vst v63  }
0xde: {  	_ =	swait.ge [sflag:s10], $0x1000  }
0xdf: {  	s29 =	sld [smem:$0x7F2]  }
0xe0: {  	[sflag:s10] =	ssyncset.done $0x0  }
0xe1: {  	[sflag:s10] =	ssyncadd.s32 $0xFFFFF000  }
0xe2: {  	[spmem:s29] =	stream.linear.scatter [tilespmem:s13], [sflag:$0x5], $0x40, $0x200038;
	[tilespmem:$0x19400] =	vst v63  }
0xe3: {  	_ =	swait.ge [sflag:s10], $0x40  }
0xe4: {  	s24 =	sld [smem:$0x7F3]  }
0xe5: {  	[sflag:s10] =	ssyncset.done $0x0  }
0xe6: {  	[sflag:s10] =	ssyncadd.s32 $0xFFFFFFC0  }
0xe7: {  	[spmem:s24] =	stream.linear.scatter [tilespmem:s13], [sflag:$0x5], $0x40, $0x200038;
	[tilespmem:$0x19400] =	vst v63  }
0xe8: {  	_ =	swait.ge [sflag:s10], $0x40  }
0xe9: {  	s25 =	sld [smem:$0x7F4]  }
0xea: {  	[sflag:s10] =	ssyncset.done $0x0  }
0xeb: {  	[sflag:s10] =	ssyncadd.s32 $0xFFFFFFC0  }
0xec: {  	[spmem:s25] =	stream.linear.scatter [tilespmem:s13], [sflag:$0x5], $0x1000, $0x200038;
	[tilespmem:$0x19400] =	vst v63  }
0xed: {  	_ =	swait.ge [sflag:s10], $0x1000  }
0xee: {  	s26 =	sld [smem:$0x7F5]  }
0xef: {  	[sflag:s10] =	ssyncset.done $0x0  }
0xf0: {  	[sflag:s10] =	ssyncadd.s32 $0xFFFFF000  }
0xf1: {  	[spmem:s26] =	stream.linear.scatter [tilespmem:s13], [sflag:$0x5], $0x40, $0x200038;
	[tilespmem:$0x19400] =	vst v63  }
0xf2: {  	_ =	swait.ge [sflag:s10], $0x40  }
0xf3: {  	s29 =	sld [smem:$0x7F6]  }
0xf4: {  	[sflag:s10] =	ssyncset.done $0x0  }
0xf5: {  	[sflag:s10] =	ssyncadd.s32 $0xFFFFFFC0  }
0xf6: {  	[spmem:s29] =	stream.linear.scatter [tilespmem:s13], [sflag:$0x5], $0x40, $0x200038;
	[tilespmem:$0x19400] =	vst v63  }
0xf7: {  	_ =	swait.ge [sflag:s10], $0x40  }
0xf8: {  	[sflag:s10] =	ssyncset.done $0x0  }
0xf9: {  	[sflag:s10] =	ssyncadd.s32 $0xFFFFFFC0  }
0xfa: {  	_ =	strace $0x90000048  }
0xfb: {  	[bflag:$0x0] =	sbarrier.arrive $0xFFFF  }
0xfc: {  	_ =	strace $0x80000049  }
0xfd: {  	[tilespmem:s15], [sflag:$0x1] =	stream.indirect.gather [hbm4b:s7+s14], $0x40, s5, s14, $0x2000b8;
	[tilespmem:$0x19400] =	vst v63  }
0xfe: {  	_ =	swait.ge [sflag:s16], $0x2000  }
0xff: {  	[sflag:s16] =	ssyncset.done $0x0  }
0x100: {  	[sflag:s16] =	ssyncadd.s32 $0xFFFFE000  }
0x101: {  	[tilespmem:s17], [sflag:$0x1] =	stream.indirect.gather [hbm4b:s7+s14], $0x40, s14, s14, $0x2000b8;
	[tilespmem:$0x19400] =	vst v63  }
0x102: {  	_ = 	snop  }
0x103: {  	[spmem:s0] =	stream.indirect.scatter.add.f32 [tilespmem:s15], [sflag:$0x2], $0x40, s11, s14, $0x2000b8;
	[tilespmem:$0x19400] =	vst v63  }
0x104: {  	s24 =	simm.s32 @p0 $0x1  }
0x105: {  	[spmem:s3] =	stream.indirect.scatter.add.f32 [tilespmem:s18], [sflag:$0x3], $0x1, s11, s14, $0x2000b8;
	[tilespmem:$0x19400] =	vst v63  }
0x106: {  	_ =	swait.ge @p0 [sflag:s24], $0x2000  }
0x107: {  	[sflag:s24] =	ssyncset.done @p0 $0x0  }
0x108: {  	[sflag:s24] =	ssyncadd.s32 @p0 $0xFFFFE000;
	s24 =	simm.s32 @p0 $0x2  }
0x109: {  	_ =	swait.ge @p0 [sflag:s24], $0x2000  }
0x10a: {  	s25 =	simm.s32 @p0 $0x100;
	[sflag:s24] =	ssyncset.done @p0 $0x0  }
0x10b: {  	s26 =	simm.s32 @p0 $0x9E00;
	[sflag:s24] =	ssyncadd.s32 @p0 $0xFFFFE000;
	s24 =	simm.s32 @p0 $0x80  }
0x10c: {  	[tilespmem:s26], [sflag:$0x1] =	stream.indirect.gather @p0 [hbm4b:s7+s24], $0x40, s25, s24, $0x2000b8;
	[tilespmem:$0x19400] =	vst v63  }
0x10d: {  	s25 =	simm.s32 @p0 $0x4F80;
	s26 =	simm.s32 @p0 $0xBE00  }
0x10e: {  	[spmem:s0] =	stream.indirect.scatter.add.f32 @p0 [tilespmem:s26], [sflag:$0x2], $0x40, s25, s24, $0x2000b8;
	[tilespmem:$0x19400] =	vst v63  }
0x10f: {  	s26 =	simm.s32 @p0 $0xDE00  }
0x110: {  	[spmem:s3] =	stream.indirect.scatter.add.f32 @p0 [tilespmem:s26], [sflag:$0x3], $0x1, s25, s24, $0x2000b8;
	[tilespmem:$0x19400] =	vst v63  }
0x111: {  	s24 =	simm.s32 @!p0 $0x80;
	s26 =	simm.s32 @!p0 $0x0;
	s25 =	simm.s32 @!p0 $0xDE00  }
0x112: {  	[spmem:s4] =	stream.indirect.scatter.add.f32 @!p0 [tilespmem:s25], [sflag:$0x4], $0x1, s26, s24, $0x2000b8;
	[tilespmem:$0x19400] =	vst v63  }
0x113: {  	s26 =	simm.s32 @!p0 $0x1  }
0x114: {  	_ =	swait.ge @!p0 [sflag:s26], $0x2000  }
0x115: {  	[sflag:s26] =	ssyncset.done @!p0 $0x0  }
0x116: {  	[sflag:s26] =	ssyncadd.s32 @!p0 $0xFFFFE000;
	s26 =	simm.s32 @!p0 $0x2  }
0x117: {  	_ =	swait.ge @!p0 [sflag:s26], $0x2000  }
0x118: {  	[sflag:s26] =	ssyncset.done @!p0 $0x0  }
0x119: {  	s28 =	simm.s32 @!p0 $0x9E00;
	[sflag:s26] =	ssyncadd.s32 @!p0 $0xFFFFE000;
	s26 =	simm.s32 @!p0 $0x100  }
0x11a: {  	[tilespmem:s28], [sflag:$0x1] =	stream.indirect.gather @!p0 [hbm4b:s7+s24], $0x40, s26, s24, $0x2000b8;
	[tilespmem:$0x19400] =	vst v63  }
0x11b: {  	s26 =	simm.s32 @!p0 $0x4F80;
	s28 =	simm.s32 @!p0 $0xBE00  }
0x11c: {  	[spmem:s0] =	stream.indirect.scatter.add.f32 @!p0 [tilespmem:s28], [sflag:$0x2], $0x40, s26, s24, $0x2000b8;
	[tilespmem:$0x19400] =	vst v63  }
0x11d: {  	_ = 	snop  }
0x11e: {  	[spmem:s3] =	stream.indirect.scatter.add.f32 @!p0 [tilespmem:s25], [sflag:$0x3], $0x1, s26, s24, $0x2000b8;
	[tilespmem:$0x19400] =	vst v63  }
0x11f: {  	_ = 	snop  }
0x120: {  	[spmem:s4] =	stream.indirect.scatter.add.f32 @!p0 [tilespmem:s25], [sflag:$0x4], $0x1, s24, s24, $0x2000b8;
	[tilespmem:$0x19400] =	vst v63  }
0x121: {  	_ =	swait.ge [sflag:s16], $0x2000  }
0x122: {  	[sflag:s16] =	ssyncset.done $0x0  }
0x123: {  	[sflag:s16] =	ssyncadd.s32 $0xFFFFE000  }
0x124: {  	_ =	swait.ge [sflag:s19], $0x2000  }
0x125: {  	[sflag:s19] =	ssyncset.done $0x0  }
0x126: {  	s20 =	simm.s32 $0x180;
	[sflag:s19] =	ssyncadd.s32 $0xFFFFE000  }
0x127: {  	[tilespmem:s17], [sflag:$0x1] =	stream.indirect.gather [hbm4b:s7+s14], $0x40, s20, s14, $0x2000b8;
	[tilespmem:$0x19400] =	vst v63  }
0x128: {  	s29 =	simm.s32 $0x5000  }
0x129: {  	[spmem:s0] =	stream.indirect.scatter.add.f32 [tilespmem:s15], [sflag:$0x2], $0x40, s29, s14, $0x2000b8;
	[tilespmem:$0x19400] =	vst v63  }
0x12a: {  	_ = 	snop  }
0x12b: {  	[spmem:s3] =	stream.indirect.scatter.add.f32 [tilespmem:s18], [sflag:$0x3], $0x1, s29, s14, $0x2000b8;
	[tilespmem:$0x19400] =	vst v63  }
0x12c: {  	s26 =	simm.s32 @!p0 $0x100  }
0x12d: {  	[spmem:s4] =	stream.indirect.scatter.add.f32 @!p0 [tilespmem:s25], [sflag:$0x4], $0x1, s26, s24, $0x2000b8;
	[tilespmem:$0x19400] =	vst v63  }
0x12e: {  	_ =	swait.ge [sflag:s16], $0x2000  }
0x12f: {  	[sflag:s16] =	ssyncset.done $0x0  }
0x130: {  	[sflag:s16] =	ssyncadd.s32 $0xFFFFE000  }
0x131: {  	_ =	swait.ge [sflag:s19], $0x2000  }
0x132: {  	[sflag:s19] =	ssyncset.done $0x0  }
0x133: {  	s20 =	simm.s32 $0x200;
	[sflag:s19] =	ssyncadd.s32 $0xFFFFE000  }
0x134: {  	[tilespmem:s15], [sflag:$0x1] =	stream.indirect.gather [hbm4b:s7+s14], $0x40, s20, s14, $0x2000b8;
	[tilespmem:$0x19400] =	vst v63  }
0x135: {  	s29 =	simm.s32 $0x5080  }
0x136: {  	[spmem:s0] =	stream.indirect.scatter.add.f32 [tilespmem:s17], [sflag:$0x2], $0x40, s29, s14, $0x2000b8;
	[tilespmem:$0x19400] =	vst v63  }
0x137: {  	s28 =	simm.s32 @!p0 $0x180;
	s26 =	simm.s32 $0xFFFED000  }
0x138: {  	[spmem:s3] =	stream.indirect.scatter.add.f32 [tilespmem:s18], [sflag:$0x3], $0x1, s29, s14, $0x2000b8;
	[tilespmem:$0x19400] =	vst v63  }
.LBB2_6:
0x139: {  	[spmem:s4] =	stream.indirect.scatter.add.f32 @!p0 [tilespmem:s25], [sflag:$0x4], $0x1, s28, s24, $0x2000b8;
	[tilespmem:$0x19400] =	vst v63  }
0x13a: {  	s28 =	smov.u32 s26;
	s26 =	sadd.s32 $0x400, s26;
	_ =	swait.ge [sflag:s16], $0x2000  }
0x13b: {  	p1 =	sne.s32 s26, $0x0;
	[sflag:s16] =	ssyncset.done $0x0  }
0x13c: {  	[sflag:s16] =	ssyncadd.s32 $0xFFFFE000  }
0x13d: {  	_ =	swait.ge [sflag:s19], $0x2000  }
0x13e: {  	s29 =	sshra.s32 s28, $0x2;
	[sflag:s19] =	ssyncset.done $0x0  }
0x13f: {  	s20 =	sadd.s32 $0x4E80, s29;
	[sflag:s19] =	ssyncadd.s32 $0xFFFFE000  }
0x140: {  	[tilespmem:s17], [sflag:$0x1] =	stream.indirect.gather [hbm4b:s7+s14], $0x40, s20, s14, $0x2000b8;
	[tilespmem:$0x19400] =	vst v63  }
0x141: {  	s20 =	sadd.s32 $0x9D00, s29  }
0x142: {  	[spmem:s0] =	stream.indirect.scatter.add.f32 [tilespmem:s15], [sflag:$0x2], $0x40, s20, s14, $0x2000b8;
	[tilespmem:$0x19400] =	vst v63  }
0x143: {  	s28 =	sshra.s32 @!p0 s28, $0x2  }
0x144: {  	[spmem:s3] =	stream.indirect.scatter.add.f32 [tilespmem:s18], [sflag:$0x3], $0x1, s20, s14, $0x2000b8;
	[tilespmem:$0x19400] =	vst v63  }
0x145: {  	s20 =	sadd.s32 @!p0 $0x4E00, s28  }
0x146: {  	[spmem:s4] =	stream.indirect.scatter.add.f32 @!p0 [tilespmem:s25], [sflag:$0x4], $0x1, s20, s24, $0x2000b8;
	[tilespmem:$0x19400] =	vst v63  }
0x147: {  	_ =	swait.ge [sflag:s16], $0x2000  }
0x148: {  	[sflag:s16] =	ssyncset.done $0x0  }
0x149: {  	[sflag:s16] =	ssyncadd.s32 $0xFFFFE000  }
0x14a: {  	_ =	swait.ge [sflag:s19], $0x2000  }
0x14b: {  	[sflag:s19] =	ssyncset.done $0x0  }
0x14c: {  	s20 =	sadd.s32 $0x4F00, s29;
	[sflag:s19] =	ssyncadd.s32 $0xFFFFE000  }
0x14d: {  	[tilespmem:s15], [sflag:$0x1] =	stream.indirect.gather [hbm4b:s7+s14], $0x40, s20, s14, $0x2000b8;
	[tilespmem:$0x19400] =	vst v63  }
.Ltmp4:
0x14e: {  	s20 =	sadd.s32 $0x9D80, s29;
	(pc) =	sbr.rel @p1 .LBB2_6-.Ltmp4, $4  }
0x14f: {  	[spmem:s0] =	stream.indirect.scatter.add.f32 [tilespmem:s17], [sflag:$0x2], $0x40, s20, s14, $0x2000b8;
	[tilespmem:$0x19400] =	vst v63  }
0x150: {  	_ = 	snop  }
0x151: {  	[spmem:s3] =	stream.indirect.scatter.add.f32 [tilespmem:s18], [sflag:$0x3], $0x1, s20, s14, $0x2000b8;
	[tilespmem:$0x19400] =	vst v63  }
0x152: {  	s28 =	sadd.s32 @!p0 $0x4E80, s28  }
0x153: {  	[spmem:s4] =	stream.indirect.scatter.add.f32 @!p0 [tilespmem:s25], [sflag:$0x4], $0x1, s28, s24, $0x2000b8;
	[tilespmem:$0x19400] =	vst v63  }
0x154: {  	_ =	swait.ge [sflag:s16], $0x2000  }
0x155: {  	[sflag:s16] =	ssyncset.done $0x0  }
0x156: {  	[sflag:s16] =	ssyncadd.s32 $0xFFFFE000  }
0x157: {  	_ =	swait.ge [sflag:s19], $0x2000  }
0x158: {  	[sflag:s19] =	ssyncset.done $0x0  }
0x159: {  	s20 =	simm.s32 $0x4E80;
	[sflag:s19] =	ssyncadd.s32 $0xFFFFE000  }
0x15a: {  	[tilespmem:s17], [sflag:$0x1] =	stream.indirect.gather [hbm4b:s7+s14], $0x40, s20, s14, $0x2000b8;
	[tilespmem:$0x19400] =	vst v63  }
0x15b: {  	s29 =	simm.s32 $0x9D00  }
0x15c: {  	[spmem:s0] =	stream.indirect.scatter.add.f32 [tilespmem:s15], [sflag:$0x2], $0x40, s29, s14, $0x2000b8;
	[tilespmem:$0x19400] =	vst v63  }
0x15d: {  	s20 =	simm.s32 @p0 $0x1  }
0x15e: {  	[spmem:s3] =	stream.indirect.scatter.add.f32 [tilespmem:s18], [sflag:$0x3], $0x1, s29, s14, $0x2000b8;
	[tilespmem:$0x19400] =	vst v63  }
0x15f: {  	_ =	swait.ge @p0 [sflag:s20], $0x2000  }
0x160: {  	[sflag:s20] =	ssyncset.done @p0 $0x0  }
0x161: {  	[sflag:s20] =	ssyncadd.s32 @p0 $0xFFFFE000;
	s20 =	simm.s32 @p0 $0x2  }
0x162: {  	_ =	swait.ge @p0 [sflag:s20], $0x2000  }
0x163: {  	s24 =	simm.s32 @p0 $0x80;
	[sflag:s20] =	ssyncset.done @p0 $0x0  }
0x164: {  	s25 =	simm.s32 @p0 $0x9D80;
	s26 =	simm.s32 @p0 $0xBE00;
	[sflag:s20] =	ssyncadd.s32 @p0 $0xFFFFE000  }
0x165: {  	[spmem:s0] =	stream.indirect.scatter.add.f32 @p0 [tilespmem:s26], [sflag:$0x2], $0x40, s25, s24, $0x2000b8;
	[tilespmem:$0x19400] =	vst v63  }
0x166: {  	s26 =	simm.s32 @p0 $0xDE00  }
0x167: {  	[spmem:s3] =	stream.indirect.scatter.add.f32 @p0 [tilespmem:s26], [sflag:$0x3], $0x1, s25, s24, $0x2000b8;
	[tilespmem:$0x19400] =	vst v63  }
0x168: {  	_ =	swait.ge @p0 [sflag:s20], $0x2000  }
0x169: {  	[sflag:s20] =	ssyncset.done @p0 $0x0  }
0x16a: {  	[sflag:s20] =	ssyncadd.s32 @p0 $0xFFFFE000;
	s20 =	simm.s32 @p0 $0x3  }
0x16b: {  	_ =	swait.ge @p0 [sflag:s20], $0x4F00  }
0x16c: {  	s24 =	simm.s32 @!p0 $0x4E00;
	[sflag:s20] =	ssyncset.done @p0 $0x0  }
0x16d: {  	s25 =	simm.s32 @!p0 $0xDE00;
	[sflag:s20] =	ssyncadd.s32 @p0 $0xFFFFB100;
	s20 =	simm.s32 @!p0 $0x80  }
0x16e: {  	[spmem:s4] =	stream.indirect.scatter.add.f32 @!p0 [tilespmem:s25], [sflag:$0x4], $0x1, s24, s20, $0x2000b8;
	[tilespmem:$0x19400] =	vst v63  }
0x16f: {  	s24 =	simm.s32 @!p0 $0x1  }
0x170: {  	_ =	swait.ge @!p0 [sflag:s24], $0x2000  }
0x171: {  	[sflag:s24] =	ssyncset.done @!p0 $0x0  }
0x172: {  	[sflag:s24] =	ssyncadd.s32 @!p0 $0xFFFFE000;
	s24 =	simm.s32 @!p0 $0x2  }
0x173: {  	_ =	swait.ge @!p0 [sflag:s24], $0x2000  }
0x174: {  	[sflag:s24] =	ssyncset.done @!p0 $0x0  }
0x175: {  	s28 =	simm.s32 @!p0 $0xBE00;
	s26 =	simm.s32 @!p0 $0x9D80;
	[sflag:s24] =	ssyncadd.s32 @!p0 $0xFFFFE000  }
0x176: {  	[spmem:s0] =	stream.indirect.scatter.add.f32 @!p0 [tilespmem:s28], [sflag:$0x2], $0x40, s26, s20, $0x2000b8;
	[tilespmem:$0x19400] =	vst v63  }
0x177: {  	_ = 	snop  }
0x178: {  	[spmem:s3] =	stream.indirect.scatter.add.f32 @!p0 [tilespmem:s25], [sflag:$0x3], $0x1, s26, s20, $0x2000b8;
	[tilespmem:$0x19400] =	vst v63  }
0x179: {  	s26 =	simm.s32 @!p0 $0x4E80  }
0x17a: {  	[spmem:s4] =	stream.indirect.scatter.add.f32 @!p0 [tilespmem:s25], [sflag:$0x4], $0x1, s26, s20, $0x2000b8;
	[tilespmem:$0x19400] =	vst v63  }
0x17b: {  	_ =	swait.ge @!p0 [sflag:s24], $0x2000  }
0x17c: {  	[sflag:s24] =	ssyncset.done @!p0 $0x0  }
0x17d: {  	s20 =	simm.s32 @!p0 $0x3;
	[sflag:s24] =	ssyncadd.s32 @!p0 $0xFFFFE000  }
0x17e: {  	_ =	swait.ge @!p0 [sflag:s20], $0x4F00  }
0x17f: {  	[sflag:s20] =	ssyncset.done @!p0 $0x0  }
0x180: {  	[sflag:s20] =	ssyncadd.s32 @!p0 $0xFFFFB100;
	s20 =	simm.s32 @!p0 $0x4  }
0x181: {  	_ =	swait.ge @!p0 [sflag:s20], $0x4F00  }
0x182: {  	[sflag:s20] =	ssyncset.done @!p0 $0x0  }
0x183: {  	[sflag:s20] =	ssyncadd.s32 @!p0 $0xFFFFB100  }
0x184: {  	_ =	strace $0x90000049  }
0x185: {  	[bflag:$0x0] =	sbarrier.arrive $0xFFFF  }
0x186: {  	s25 =	simm.s32 $0x0;
	_ =	strace $0x8000004A  }
0x187: {  	v3 =	vld [tilespmem:s25+$0x0]  }
0x188: {  	v4 =	vld [tilespmem:s25+$0x4F00]  }
0x189: {  	v5 =	vld [tilespmem:s25+$0x10]  }
0x18a: {  	v6 =	vld [tilespmem:s25+$0x4F10]  }
0x18b: {  	v7 =	vld [tilespmem:s25+$0x20]  }
0x18c: {  	v8 =	vld [tilespmem:s25+$0x4F20];
	v3 =	vsub.s32 v3, v0  }
0x18d: {  	v9 =	vld [tilespmem:s25+$0x30];
	[tilespmem:s25+$0x0] =	vst v3;
	v3 =	vadd.s32 v0, v4  }
0x18e: {  	[tilespmem:s25+$0x4F00] =	vst v3;
	v3 =	vsub.s32 v5, v0;
	v5 =	vld [tilespmem:s25+$0x4F30]  }
0x18f: {  	[tilespmem:s25+$0x10] =	vst v3;
	v3 =	vadd.s32 v0, v6;
	v6 =	vld [tilespmem:s25+$0x40]  }
0x190: {  	[tilespmem:s25+$0x4F10] =	vst v3;
	v3 =	vsub.s32 v7, v0;
	v7 =	vld [tilespmem:s25+$0x4F40]  }
0x191: {  	v4 =	vld [tilespmem:s25+$0x50];
	[tilespmem:s25+$0x20] =	vst v3;
	v3 =	vadd.s32 v0, v8  }
0x192: {  	v8 =	vsub.s32 v9, v0;
	[tilespmem:s25+$0x4F20] =	vst v3;
	v3 =	vld [tilespmem:s25+$0x4F50]  }
0x193: {  	[tilespmem:s25+$0x30] =	vst v8;
	v8 =	vadd.s32 v0, v5;
	v5 =	vld [tilespmem:s25+$0x60]  }
0x194: {  	[tilespmem:s25+$0x4F30] =	vst v8;
	v8 =	vsub.s32 v6, v0;
	v6 =	vld [tilespmem:s25+$0x4F60]  }
0x195: {  	s26 =	simm.s32 $0x200;
	s24 =	simm.s32 $0x0;
	[tilespmem:s25+$0x40] =	vst v8;
	v8 =	vadd.s32 v0, v7;
	v7 =	vld [tilespmem:s25+$0x70]  }
.LBB2_8:
0x196: {  	s20 =	sshra.s32 s26, $0x2;
	p1 =	sne.s32 s26, $0x13A00;
	[tilespmem:s25+$0x4F40] =	vst v8;
	v4 =	vsub.s32 v4, v0;
	v8 =	vld [tilespmem:s25+$0x4F70]  }
0x197: {  	v9 =	vld [tilespmem:s20+$0x0];
	[tilespmem:s25+$0x50] =	vst v4;
	v3 =	vadd.s32 v0, v3  }
0x198: {  	v4 =	vld [tilespmem:s20+$0x4F00];
	[tilespmem:s25+$0x4F50] =	vst v3;
	v3 =	vsub.s32 v5, v0  }
0x199: {  	v5 =	vld [tilespmem:s20+$0x10];
	[tilespmem:s25+$0x60] =	vst v3;
	v3 =	vadd.s32 v0, v6  }
0x19a: {  	v6 =	vld [tilespmem:s20+$0x4F10];
	[tilespmem:s25+$0x4F60] =	vst v3;
	v3 =	vsub.s32 v7, v0  }
0x19b: {  	v7 =	vld [tilespmem:s20+$0x20];
	[tilespmem:s25+$0x70] =	vst v3;
	v3 =	vadd.s32 v0, v8  }
0x19c: {  	v8 =	vsub.s32 v9, v0;
	v9 =	vld [tilespmem:s20+$0x4F20];
	[tilespmem:s25+$0x4F70] =	vst v3;
	s25 =	smov.u32 s20  }
0x19d: {  	[tilespmem:s25+$0x0] =	vst v8;
	v3 =	vadd.s32 v0, v4;
	v8 =	vld [tilespmem:s25+$0x30]  }
0x19e: {  	[tilespmem:s25+$0x4F00] =	vst v3;
	v3 =	vsub.s32 v5, v0;
	v5 =	vld [tilespmem:s25+$0x4F30]  }
0x19f: {  	[tilespmem:s25+$0x10] =	vst v3;
	v3 =	vadd.s32 v0, v6;
	v6 =	vld [tilespmem:s25+$0x40]  }
0x1a0: {  	[tilespmem:s25+$0x4F10] =	vst v3;
	v3 =	vsub.s32 v7, v0;
	v7 =	vld [tilespmem:s25+$0x4F40]  }
.Ltmp5:
0x1a1: {  	[tilespmem:s25+$0x20] =	vst v3;
	v3 =	vadd.s32 v0, v9;
	v4 =	vld [tilespmem:s25+$0x50];
	(pc) =	sbr.rel @p1 .LBB2_8-.Ltmp5, $4  }
0x1a2: {  	[tilespmem:s25+$0x4F20] =	vst v3;
	v8 =	vsub.s32 v8, v0;
	v3 =	vld [tilespmem:s25+$0x4F50]  }
0x1a3: {  	[tilespmem:s25+$0x30] =	vst v8;
	v8 =	vadd.s32 v0, v5;
	v5 =	vld [tilespmem:s25+$0x60]  }
0x1a4: {  	[tilespmem:s25+$0x4F30] =	vst v8;
	v8 =	vsub.s32 v6, v0;
	v6 =	vld [tilespmem:s25+$0x4F60]  }
0x1a5: {  	s26 =	sadd.s32 $0x200, s26;
	[tilespmem:s25+$0x40] =	vst v8;
	v8 =	vadd.s32 v0, v7;
	v7 =	vld [tilespmem:s25+$0x70]  }
0x1a6: {  	[tilespmem:s25+$0x4F40] =	vst v8;
	v4 =	vsub.s32 v4, v0;
	v63 =	vld [tilespmem:s25+$0x4F70]  }
0x1a7: {  	[tilespmem:s25+$0x50] =	vst v4;
	v3 =	vadd.s32 v0, v3  }
0x1a8: {  	[tilespmem:s25+$0x4F50] =	vst v3;
	v3 =	vsub.s32 v5, v0  }
0x1a9: {  	[tilespmem:s25+$0x60] =	vst v3;
	v3 =	vadd.s32 v0, v6  }
0x1aa: {  	[tilespmem:s25+$0x4F60] =	vst v3;
	v3 =	vsub.s32 v7, v0  }
0x1ab: {  	[tilespmem:s25+$0x70] =	vst v3;
	v3 =	vadd.s32 v0, v63  }
0x1ac: {  	[tilespmem:s25+$0x4F70] =	vst v3  }
.LBB2_10:
0x1ad: {  	s20 =	sshll.u32 s24, $0x7  }
0x1ae: {  	s25 =	sadd.s32 s6, s20  }
0x1af: {  	s20 =	sshll.u32 s25, $0x6  }
0x1b0: {  	s20 =	sand.u32 $0x3FFFFFC0, s20  }
0x1b1: {  	s20 =	sadd.s32 s20, s0  }
0x1b2: {  	[tilespmem:s15], [sflag:$0x5] =	stream.linear.gather [spmem:s20], $0x2000, $0x200038;
	[tilespmem:$0x19400] =	vst v63  }
0x1b3: {  	_ =	swait.ge [sflag:s10], $0x2000  }
0x1b4: {  	[sflag:s10] =	ssyncset.done $0x0  }
0x1b5: {  	s29 =	sadd.s32 s25, s3;
	[sflag:s10] =	ssyncadd.s32 $0xFFFFE000  }
0x1b6: {  	[tilespmem:s21], [sflag:$0x5] =	stream.linear.gather [spmem:s29], $0x80, $0x200038;
	[tilespmem:$0x19400] =	vst v63  }
0x1b7: {  	_ =	swait.ge [sflag:s10], $0x80  }
0x1b8: {  	[sflag:s10] =	ssyncset.done $0x0  }
0x1b9: {  	[sflag:s10] =	ssyncadd.s32 $0xFFFFFF80  }
0x1ba: {  	v3 =	vld [tilespmem:$0xDE80]  }
0x1bb: {  	v4 =	vld [tilespmem:$0xDE90]  }
0x1bc: {  	v5 =	vld [tilespmem:$0xDEA0]  }
0x1bd: {  	v6 =	vld [tilespmem:$0xDEB0]  }
0x1be: {  	v7 =	vld [tilespmem:$0xDEC0]  }
0x1bf: {  	v8 =	vld [tilespmem:$0xDED0];
	v3 =	vmax.f32 v3, $1.000000000e+00  }
0x1c0: {  	v59 =	vld [tilespmem:$0xDEE0];
	(erf) = vrcp.f32 v3;
	v3 =	vmax.f32 v4, $1.000000000e+00  }
0x1c1: {  	v60 =	vld [tilespmem:$0xDEF0];
	(erf) = vrcp.f32 v3;
	v3 =	vmax.f32 v5, $1.000000000e+00  }
0x1c2: {  	(erf) = vrcp.f32 v3;
	v3 =	vmax.f32 v6, $1.000000000e+00  }
0x1c3: {  	(erf) = vrcp.f32 v3;
	v3 =	vmax.f32 v7, $1.000000000e+00  }
0x1c4: {  	(erf) = vrcp.f32 v3;
	v3 =	vmax.f32 v8, $1.000000000e+00  }
0x1c5: {  	(erf) = vrcp.f32 v3;
	v3 =	vmax.f32 v59, $1.000000000e+00  }
0x1c6: {  	(erf) = vrcp.f32 v3;
	v3 =	vmax.f32 v60, $1.000000000e+00  }
0x1c7: {  	(erf) = vrcp.f32 v3;
	_ =	sdelay $0x1  }
0x1c8: {  	v3 =	vpop (erf)  }
0x1c9: {  	v61 =	vpop (erf);
	[tilespmem:$0xDE80] =	vst v3  }
0x1ca: {  	v3 =	vpop (erf);
	[tilespmem:$0xDE90] =	vst v61  }
0x1cb: {  	v62 =	vpop (erf);
	[tilespmem:$0xDEA0] =	vst v3  }
0x1cc: {  	v3 =	vpop (erf);
	[tilespmem:$0xDEB0] =	vst v62  }
0x1cd: {  	v63 =	vpop (erf);
	[tilespmem:$0xDEC0] =	vst v3  }
0x1ce: {  	v3 =	vpop (erf);
	[tilespmem:$0xDED0] =	vst v63  }
0x1cf: {  	[tilespmem:$0xDEE0] =	vst v3;
	v3 =	vpop (erf)  }
0x1d0: {  	s26 =	simm.s32 $0x0;
	s28 =	simm.s32 $0xA000;
	[tilespmem:$0xDEF0] =	vst v3  }
.LBB2_11:
0x1d1: {  	s20 =	sshra.s32 s26, $0x2  }
0x1d2: {  	v3 =	vld [tilespmem:s20+$0xDE80];
	_ =	sdelay $0x1  }
0x1d3: {  	v4 =	vld [tilespmem:s28+$0xFFFFFE00];
	_ =	sdelay $0x1  }
0x1d4: {  	v43 =	vld [tilespmem:s28+$0xFFFFFE10]  }
0x1d5: {  	v5 =	vbroadcast v3, $0x0  }
0x1d6: {  	v44 =	vld [tilespmem:s28+$0xFFFFFE20]  }
0x1d7: {  	v4 =	vmul.f32 v5, v4  }
0x1d8: {  	v45 =	vld [tilespmem:s28+$0xFFFFFE30]  }
0x1d9: {  	[tilespmem:s28+$0xFFFFFE00] =	vst v4;
	v4 =	vmul.f32 v43, v5  }
0x1da: {  	v46 =	vld [tilespmem:s28+$0xFFFFFE40]  }
0x1db: {  	[tilespmem:s28+$0xFFFFFE10] =	vst v4;
	v4 =	vmul.f32 v44, v5  }
0x1dc: {  	v48 =	vld [tilespmem:s28+$0xFFFFFE50]  }
0x1dd: {  	v47 =	vbroadcast v3, $0x1;
	[tilespmem:s28+$0xFFFFFE20] =	vst v4;
	v4 =	vmul.f32 v45, v5  }
0x1de: {  	v49 =	vld [tilespmem:s28+$0xFFFFFE60]  }
0x1df: {  	[tilespmem:s28+$0xFFFFFE30] =	vst v4;
	v4 =	vmul.f32 v46, v47  }
0x1e0: {  	v50 =	vld [tilespmem:s28+$0xFFFFFE70]  }
0x1e1: {  	[tilespmem:s28+$0xFFFFFE40] =	vst v4;
	v4 =	vmul.f32 v48, v47  }
0x1e2: {  	v51 =	vld [tilespmem:s28+$0xFFFFFE80]  }
0x1e3: {  	[tilespmem:s28+$0xFFFFFE50] =	vst v4;
	v4 =	vmul.f32 v49, v47  }
0x1e4: {  	v53 =	vld [tilespmem:s28+$0xFFFFFE90]  }
0x1e5: {  	v52 =	vbroadcast v3, $0x2;
	[tilespmem:s28+$0xFFFFFE60] =	vst v4;
	v4 =	vmul.f32 v50, v47  }
0x1e6: {  	v54 =	vld [tilespmem:s28+$0xFFFFFEA0]  }
0x1e7: {  	[tilespmem:s28+$0xFFFFFE70] =	vst v4;
	v4 =	vmul.f32 v51, v52  }
0x1e8: {  	v55 =	vld [tilespmem:s28+$0xFFFFFEB0]  }
0x1e9: {  	[tilespmem:s28+$0xFFFFFE80] =	vst v4;
	v4 =	vmul.f32 v53, v52  }
0x1ea: {  	v56 =	vld [tilespmem:s28+$0xFFFFFEC0]  }
0x1eb: {  	[tilespmem:s28+$0xFFFFFE90] =	vst v4;
	v4 =	vmul.f32 v54, v52  }
0x1ec: {  	v58 =	vld [tilespmem:s28+$0xFFFFFED0]  }
0x1ed: {  	v57 =	vbroadcast v3, $0x3;
	[tilespmem:s28+$0xFFFFFEA0] =	vst v4;
	v4 =	vmul.f32 v55, v52  }
0x1ee: {  	v59 =	vld [tilespmem:s28+$0xFFFFFEE0]  }
0x1ef: {  	[tilespmem:s28+$0xFFFFFEB0] =	vst v4;
	v4 =	vmul.f32 v56, v57  }
0x1f0: {  	v60 =	vld [tilespmem:s28+$0xFFFFFEF0]  }
0x1f1: {  	[tilespmem:s28+$0xFFFFFEC0] =	vst v4;
	v4 =	vmul.f32 v58, v57  }
0x1f2: {  	v61 =	vld [tilespmem:s28+$0xFFFFFF00]  }
0x1f3: {  	[tilespmem:s28+$0xFFFFFED0] =	vst v4;
	v4 =	vmul.f32 v59, v57  }
0x1f4: {  	v63 =	vld [tilespmem:s28+$0xFFFFFF10]  }
0x1f5: {  	v62 =	vbroadcast v3, $0x4;
	[tilespmem:s28+$0xFFFFFEE0] =	vst v4;
	v4 =	vmul.f32 v60, v57  }
0x1f6: {  	v8 =	vld [tilespmem:s28+$0xFFFFFF20]  }
0x1f7: {  	[tilespmem:s28+$0xFFFFFEF0] =	vst v4;
	v4 =	vmul.f32 v61, v62  }
0x1f8: {  	v9 =	vld [tilespmem:s28+$0xFFFFFF30]  }
0x1f9: {  	[tilespmem:s28+$0xFFFFFF00] =	vst v4;
	v4 =	vmul.f32 v63, v62  }
0x1fa: {  	v10 =	vld [tilespmem:s28+$0xFFFFFF40]  }
0x1fb: {  	[tilespmem:s28+$0xFFFFFF10] =	vst v4;
	v4 =	vmul.f32 v8, v62  }
0x1fc: {  	v12 =	vld [tilespmem:s28+$0xFFFFFF50]  }
0x1fd: {  	v11 =	vbroadcast v3, $0x5;
	[tilespmem:s28+$0xFFFFFF20] =	vst v4;
	v4 =	vmul.f32 v9, v62  }
0x1fe: {  	v13 =	vld [tilespmem:s28+$0xFFFFFF60]  }
0x1ff: {  	[tilespmem:s28+$0xFFFFFF30] =	vst v4;
	v4 =	vmul.f32 v10, v11  }
0x200: {  	v14 =	vld [tilespmem:s28+$0xFFFFFF70]  }
0x201: {  	[tilespmem:s28+$0xFFFFFF40] =	vst v4;
	v4 =	vmul.f32 v12, v11  }
0x202: {  	v15 =	vld [tilespmem:s28+$0xFFFFFF80]  }
0x203: {  	[tilespmem:s28+$0xFFFFFF50] =	vst v4;
	v4 =	vmul.f32 v13, v11  }
0x204: {  	v17 =	vld [tilespmem:s28+$0xFFFFFF90]  }
0x205: {  	v16 =	vbroadcast v3, $0x6;
	[tilespmem:s28+$0xFFFFFF60] =	vst v4;
	v4 =	vmul.f32 v14, v11  }
0x206: {  	v18 =	vld [tilespmem:s28+$0xFFFFFFA0]  }
0x207: {  	[tilespmem:s28+$0xFFFFFF70] =	vst v4;
	v4 =	vmul.f32 v15, v16  }
0x208: {  	v19 =	vld [tilespmem:s28+$0xFFFFFFB0]  }
0x209: {  	[tilespmem:s28+$0xFFFFFF80] =	vst v4;
	v4 =	vmul.f32 v17, v16  }
0x20a: {  	v20 =	vld [tilespmem:s28+$0xFFFFFFC0]  }
0x20b: {  	[tilespmem:s28+$0xFFFFFF90] =	vst v4;
	v4 =	vmul.f32 v18, v16  }
0x20c: {  	v22 =	vld [tilespmem:s28+$0xFFFFFFD0]  }
0x20d: {  	v21 =	vbroadcast v3, $0x7;
	[tilespmem:s28+$0xFFFFFFA0] =	vst v4;
	v4 =	vmul.f32 v19, v16  }
0x20e: {  	v23 =	vld [tilespmem:s28+$0xFFFFFFE0]  }
0x20f: {  	[tilespmem:s28+$0xFFFFFFB0] =	vst v4;
	v4 =	vmul.f32 v20, v21  }
0x210: {  	v24 =	vld [tilespmem:s28+$0xFFFFFFF0]  }
0x211: {  	[tilespmem:s28+$0xFFFFFFC0] =	vst v4;
	v4 =	vmul.f32 v22, v21  }
0x212: {  	v25 =	vld [tilespmem:s28+$0x0]  }
0x213: {  	[tilespmem:s28+$0xFFFFFFD0] =	vst v4;
	v4 =	vmul.f32 v23, v21  }
0x214: {  	v27 =	vld [tilespmem:s28+$0x10]  }
0x215: {  	v26 =	vbroadcast v3, $0x8;
	[tilespmem:s28+$0xFFFFFFE0] =	vst v4;
	v4 =	vmul.f32 v24, v21  }
0x216: {  	v28 =	vld [tilespmem:s28+$0x20]  }
0x217: {  	[tilespmem:s28+$0xFFFFFFF0] =	vst v4;
	v4 =	vmul.f32 v25, v26  }
0x218: {  	v29 =	vld [tilespmem:s28+$0x30]  }
0x219: {  	[tilespmem:s28+$0x0] =	vst v4;
	v4 =	vmul.f32 v27, v26  }
0x21a: {  	v30 =	vld [tilespmem:s28+$0x40]  }
0x21b: {  	[tilespmem:s28+$0x10] =	vst v4;
	v4 =	vmul.f32 v28, v26  }
0x21c: {  	v32 =	vld [tilespmem:s28+$0x50]  }
0x21d: {  	v31 =	vbroadcast v3, $0x9;
	[tilespmem:s28+$0x20] =	vst v4;
	v4 =	vmul.f32 v29, v26  }
0x21e: {  	v33 =	vld [tilespmem:s28+$0x60]  }
0x21f: {  	[tilespmem:s28+$0x30] =	vst v4;
	v4 =	vmul.f32 v30, v31  }
0x220: {  	v34 =	vld [tilespmem:s28+$0x70]  }
0x221: {  	[tilespmem:s28+$0x40] =	vst v4;
	v4 =	vmul.f32 v32, v31  }
0x222: {  	v35 =	vld [tilespmem:s28+$0x80]  }
0x223: {  	[tilespmem:s28+$0x50] =	vst v4;
	v4 =	vmul.f32 v33, v31  }
0x224: {  	v37 =	vld [tilespmem:s28+$0x90]  }
0x225: {  	v36 =	vbroadcast v3, $0xA;
	[tilespmem:s28+$0x60] =	vst v4;
	v4 =	vmul.f32 v34, v31  }
0x226: {  	v38 =	vld [tilespmem:s28+$0xA0]  }
0x227: {  	[tilespmem:s28+$0x70] =	vst v4;
	v4 =	vmul.f32 v35, v36  }
0x228: {  	v39 =	vld [tilespmem:s28+$0xB0]  }
0x229: {  	[tilespmem:s28+$0x80] =	vst v4;
	v4 =	vmul.f32 v37, v36  }
0x22a: {  	v40 =	vld [tilespmem:s28+$0xC0]  }
0x22b: {  	[tilespmem:s28+$0x90] =	vst v4;
	v4 =	vmul.f32 v38, v36  }
0x22c: {  	v42 =	vld [tilespmem:s28+$0xD0]  }
0x22d: {  	v41 =	vbroadcast v3, $0xB;
	[tilespmem:s28+$0xA0] =	vst v4;
	v4 =	vmul.f32 v39, v36  }
0x22e: {  	v43 =	vld [tilespmem:s28+$0xE0]  }
0x22f: {  	[tilespmem:s28+$0xB0] =	vst v4;
	v4 =	vmul.f32 v40, v41  }
0x230: {  	v44 =	vld [tilespmem:s28+$0xF0]  }
0x231: {  	[tilespmem:s28+$0xC0] =	vst v4;
	v4 =	vmul.f32 v42, v41  }
0x232: {  	v45 =	vld [tilespmem:s28+$0x100]  }
0x233: {  	[tilespmem:s28+$0xD0] =	vst v4;
	v4 =	vmul.f32 v43, v41  }
0x234: {  	v47 =	vld [tilespmem:s28+$0x110]  }
0x235: {  	v46 =	vbroadcast v3, $0xC;
	[tilespmem:s28+$0xE0] =	vst v4;
	v4 =	vmul.f32 v44, v41  }
0x236: {  	v48 =	vld [tilespmem:s28+$0x120]  }
0x237: {  	[tilespmem:s28+$0xF0] =	vst v4;
	v4 =	vmul.f32 v45, v46  }
0x238: {  	v49 =	vld [tilespmem:s28+$0x130]  }
0x239: {  	[tilespmem:s28+$0x100] =	vst v4;
	v4 =	vmul.f32 v47, v46  }
0x23a: {  	v50 =	vld [tilespmem:s28+$0x140]  }
0x23b: {  	[tilespmem:s28+$0x110] =	vst v4;
	v4 =	vmul.f32 v48, v46  }
0x23c: {  	v52 =	vld [tilespmem:s28+$0x150]  }
0x23d: {  	v51 =	vbroadcast v3, $0xD;
	[tilespmem:s28+$0x120] =	vst v4;
	v4 =	vmul.f32 v49, v46  }
0x23e: {  	v53 =	vld [tilespmem:s28+$0x160]  }
0x23f: {  	[tilespmem:s28+$0x130] =	vst v4;
	v4 =	vmul.f32 v50, v51  }
0x240: {  	v54 =	vld [tilespmem:s28+$0x170]  }
0x241: {  	[tilespmem:s28+$0x140] =	vst v4;
	v4 =	vmul.f32 v52, v51  }
0x242: {  	v55 =	vld [tilespmem:s28+$0x180]  }
0x243: {  	[tilespmem:s28+$0x150] =	vst v4;
	v4 =	vmul.f32 v53, v51  }
0x244: {  	v57 =	vld [tilespmem:s28+$0x190]  }
0x245: {  	v56 =	vbroadcast v3, $0xE;
	[tilespmem:s28+$0x160] =	vst v4;
	v4 =	vmul.f32 v54, v51  }
0x246: {  	v58 =	vld [tilespmem:s28+$0x1A0]  }
0x247: {  	[tilespmem:s28+$0x170] =	vst v4;
	v4 =	vmul.f32 v55, v56  }
0x248: {  	v59 =	vld [tilespmem:s28+$0x1B0]  }
0x249: {  	[tilespmem:s28+$0x180] =	vst v4;
	v4 =	vmul.f32 v57, v56  }
0x24a: {  	v60 =	vld [tilespmem:s28+$0x1C0]  }
0x24b: {  	[tilespmem:s28+$0x190] =	vst v4;
	v4 =	vmul.f32 v58, v56  }
0x24c: {  	v61 =	vld [tilespmem:s28+$0x1D0]  }
0x24d: {  	v3 =	vbroadcast v3, $0xF;
	[tilespmem:s28+$0x1A0] =	vst v4;
	v4 =	vmul.f32 v59, v56  }
0x24e: {  	v62 =	vld [tilespmem:s28+$0x1E0]  }
0x24f: {  	v63 =	vld [tilespmem:s28+$0x1F0];
	[tilespmem:s28+$0x1B0] =	vst v4;
	v4 =	vmul.f32 v60, v3;
	_ =	sdelay $0x1  }
0x250: {  	p1 =	sne.s32 s26, $0x1C0;
	[tilespmem:s28+$0x1C0] =	vst v4;
	v4 =	vmul.f32 v61, v3  }
.Ltmp6:
0x251: {  	_ = 	snop;
	(pc) =	sbr.rel @p1 .LBB2_11-.Ltmp6, $4  }
0x252: {  	[tilespmem:s28+$0x1D0] =	vst v4;
	v4 =	vmul.f32 v62, v3  }
0x253: {  	v3 =	vmul.f32 v63, v3  }
0x254: {  	[tilespmem:s28+$0x1E0] =	vst v4  }
0x255: {  	s26 =	sadd.s32 $0x40, s26;
	[tilespmem:s28+$0x1F0] =	vst v3;
	s28 =	sadd.s32 $0x400, s28  }
0x256: {  	s20 =	sadd.s32 s9, s25;
	s24 =	sadd.s32 $0x1, s24  }
0x257: {  	s20 =	sshll.u32 s20, $0x3;
	p1 =	sne.s32 s24, $0x5  }
.Ltmp7:
0x258: {  	s20 =	sadd.s32 s8, s20;
	(pc) =	sbr.rel @p1 .LBB2_10-.Ltmp7, $4  }
0x259: {  	[hbm4b:s20+s5] =	stream.linear.scatter [tilespmem:s15], [sflag:$0x5], $0x2000, $0x200038;
	[tilespmem:$0x19400] =	vst v63  }
0x25a: {  	_ =	swait.ge [sflag:s10], $0x2000  }
0x25b: {  	[sflag:s10] =	ssyncset.done $0x0  }
0x25c: {  	[sflag:s10] =	ssyncadd.s32 $0xFFFFE000  }
0x25d: {  	_ =	strace $0x9000004A  }
0x25e: {  	[bflag:$0x0] =	sbarrier.arrive $0xFFFF  }
0x25f: {  	_ =	strace $0x8000004B  }
0x260: {  	[spmem:s12] =	stream.linear.scatter [tilespmem:s13], [sflag:$0x5], $0x1000, $0x200038;
	[tilespmem:$0x19400] =	vst v63  }
0x261: {  	_ =	swait.ge [sflag:s10], $0x1000  }
0x262: {  	s20 =	sld [smem:$0x7F9]  }
0x263: {  	[sflag:s10] =	ssyncset.done $0x0  }
0x264: {  	[sflag:s10] =	ssyncadd.s32 $0xFFFFF000  }
0x265: {  	[spmem:s20] =	stream.linear.scatter [tilespmem:s13], [sflag:$0x5], $0x1000, $0x200038;
	[tilespmem:$0x19400] =	vst v63  }
0x266: {  	_ =	swait.ge [sflag:s10], $0x1000  }
0x267: {  	s29 =	sld [smem:$0x7FA]  }
0x268: {  	[sflag:s10] =	ssyncset.done $0x0  }
0x269: {  	[sflag:s10] =	ssyncadd.s32 $0xFFFFF000  }
0x26a: {  	[spmem:s29] =	stream.linear.scatter [tilespmem:s13], [sflag:$0x5], $0x1000, $0x200038;
	[tilespmem:$0x19400] =	vst v63  }
0x26b: {  	_ =	swait.ge [sflag:s10], $0x1000  }
0x26c: {  	s24 =	sld [smem:$0x7FB]  }
0x26d: {  	[sflag:s10] =	ssyncset.done $0x0  }
0x26e: {  	[sflag:s10] =	ssyncadd.s32 $0xFFFFF000  }
0x26f: {  	[spmem:s24] =	stream.linear.scatter [tilespmem:s13], [sflag:$0x5], $0x1000, $0x200038;
	[tilespmem:$0x19400] =	vst v63  }
0x270: {  	_ =	swait.ge [sflag:s10], $0x1000  }
0x271: {  	s25 =	sld [smem:$0x7FC]  }
0x272: {  	[sflag:s10] =	ssyncset.done $0x0  }
0x273: {  	[sflag:s10] =	ssyncadd.s32 $0xFFFFF000  }
0x274: {  	[spmem:s25] =	stream.linear.scatter [tilespmem:s13], [sflag:$0x5], $0x1000, $0x200038;
	[tilespmem:$0x19400] =	vst v63  }
0x275: {  	_ =	swait.ge [sflag:s10], $0x1000  }
0x276: {  	s26 =	sld [smem:$0x7FD]  }
0x277: {  	[sflag:s10] =	ssyncset.done $0x0  }
0x278: {  	[sflag:s10] =	ssyncadd.s32 $0xFFFFF000  }
0x279: {  	[spmem:s26] =	stream.linear.scatter [tilespmem:s13], [sflag:$0x5], $0x1000, $0x200038;
	[tilespmem:$0x19400] =	vst v63  }
0x27a: {  	_ =	swait.ge [sflag:s10], $0x1000  }
0x27b: {  	[sflag:s10] =	ssyncset.done $0x0  }
0x27c: {  	[sflag:s10] =	ssyncadd.s32 $0xFFFFF000  }
0x27d: {  	[spmem:s30] =	stream.linear.scatter [tilespmem:s13], [sflag:$0x5], $0x1000, $0x200038;
	[tilespmem:$0x19400] =	vst v63  }
0x27e: {  	_ =	swait.ge [sflag:s10], $0x1000  }
0x27f: {  	[sflag:s10] =	ssyncset.done $0x0  }
0x280: {  	[sflag:s10] =	ssyncadd.s32 $0xFFFFF000  }
0x281: {  	[spmem:s31] =	stream.linear.scatter [tilespmem:s13], [sflag:$0x5], $0x1000, $0x200038;
	[tilespmem:$0x19400] =	vst v63  }
0x282: {  	_ =	swait.ge [sflag:s10], $0x1000  }
0x283: {  	[sflag:s10] =	ssyncset.done $0x0  }
0x284: {  	[sflag:s10] =	ssyncadd.s32 $0xFFFFF000  }
0x285: {  	[spmem:s1] =	stream.linear.scatter [tilespmem:s13], [sflag:$0x5], $0x1000, $0x200038;
	[tilespmem:$0x19400] =	vst v63  }
0x286: {  	_ =	swait.ge [sflag:s10], $0x1000  }
0x287: {  	[sflag:s10] =	ssyncset.done $0x0  }
0x288: {  	[sflag:s10] =	ssyncadd.s32 $0xFFFFF000  }
0x289: {  	[spmem:s2] =	stream.linear.scatter [tilespmem:s13], [sflag:$0x5], $0x1000, $0x200038;
	[tilespmem:$0x19400] =	vst v63  }
0x28a: {  	_ =	swait.ge [sflag:s10], $0x1000  }
0x28b: {  	[sflag:s10] =	ssyncset.done $0x0  }
0x28c: {  	[sflag:s10] =	ssyncadd.s32 $0xFFFFF000  }
0x28d: {  	_ =	strace $0x9000004B  }
0x28e: {  	[bflag:$0x0] =	sbarrier.arrive $0xFFFF  }
0x28f: {  	_ =	strace $0x8000004C  }
0x290: {  	[tilespmem:s15], [sflag:$0x1] =	stream.indirect.gather [hbm4b:s8+s14], $0x40, s11, s14, $0x2000b8;
	[tilespmem:$0x19400] =	vst v63  }
0x291: {  	_ =	swait.ge [sflag:s16], $0x2000  }
0x292: {  	[sflag:s16] =	ssyncset.done $0x0  }
0x293: {  	s28 =	simm.s32 $0x4F80;
	[sflag:s16] =	ssyncadd.s32 $0xFFFFE000  }
0x294: {  	[tilespmem:s17], [sflag:$0x1] =	stream.indirect.gather [hbm4b:s8+s14], $0x40, s28, s14, $0x2000b8;
	[tilespmem:$0x19400] =	vst v63  }
0x295: {  	_ = 	snop  }
0x296: {  	[spmem:s0] =	stream.indirect.scatter.add.f32 [tilespmem:s15], [sflag:$0x2], $0x40, s5, s14, $0x2000b8;
	[tilespmem:$0x19400] =	vst v63  }
0x297: {  	_ =	swait.ge [sflag:s16], $0x2000  }
0x298: {  	[sflag:s16] =	ssyncset.done $0x0  }
0x299: {  	[sflag:s16] =	ssyncadd.s32 $0xFFFFE000  }
0x29a: {  	_ =	swait.ge [sflag:s19], $0x2000  }
0x29b: {  	[sflag:s19] =	ssyncset.done $0x0  }
0x29c: {  	s29 =	simm.s32 $0x5000;
	[sflag:s19] =	ssyncadd.s32 $0xFFFFE000  }
0x29d: {  	[tilespmem:s15], [sflag:$0x1] =	stream.indirect.gather [hbm4b:s8+s14], $0x40, s29, s14, $0x2000b8;
	[tilespmem:$0x19400] =	vst v63  }
0x29e: {  	s24 =	simm.s32 $0xFFFECC00  }
0x29f: {  	[spmem:s0] =	stream.indirect.scatter.add.f32 [tilespmem:s17], [sflag:$0x2], $0x40, s14, s14, $0x2000b8;
	[tilespmem:$0x19400] =	vst v63  }
.LBB2_14:
0x2a0: {  	_ =	swait.ge [sflag:s16], $0x2000  }
0x2a1: {  	[sflag:s16] =	ssyncset.done $0x0  }
0x2a2: {  	[sflag:s16] =	ssyncadd.s32 $0xFFFFE000  }
0x2a3: {  	_ =	swait.ge [sflag:s19], $0x2000  }
0x2a4: {  	s25 =	sshra.s32 s24, $0x2;
	[sflag:s19] =	ssyncset.done $0x0  }
0x2a5: {  	s20 =	sadd.s32 $0x9D80, s25;
	[sflag:s19] =	ssyncadd.s32 $0xFFFFE000  }
0x2a6: {  	[tilespmem:s17], [sflag:$0x1] =	stream.indirect.gather [hbm4b:s8+s14], $0x40, s20, s14, $0x2000b8;
	[tilespmem:$0x19400] =	vst v63  }
0x2a7: {  	s29 =	sadd.s32 $0x4E00, s25  }
0x2a8: {  	[spmem:s0] =	stream.indirect.scatter.add.f32 [tilespmem:s15], [sflag:$0x2], $0x40, s29, s14, $0x2000b8;
	[tilespmem:$0x19400] =	vst v63  }
0x2a9: {  	p1 =	seq.s32 s24, $0x0;
	_ =	swait.ge [sflag:s16], $0x2000  }
.Ltmp8:
0x2aa: {  	[sflag:s16] =	ssyncset.done $0x0;
	(pc) =	sbr.rel @p1 .LBB2_16-.Ltmp8, $4  }
0x2ab: {  	[sflag:s16] =	ssyncadd.s32 $0xFFFFE000  }
0x2ac: {  	_ =	swait.ge [sflag:s19], $0x2000  }
0x2ad: {  	[sflag:s19] =	ssyncset.done $0x0  }
0x2ae: {  	s26 =	sadd.s32 $0x4E80, s25;
	[sflag:s19] =	ssyncadd.s32 $0xFFFFE000  }
.Ltmp9:
0x2af: {  	(pc) =	sbr.rel .LBB2_14-.Ltmp9, $4  }
0x2b0: {  	s20 =	sadd.s32 $0x9E00, s25  }
0x2b1: {  	[tilespmem:s15], [sflag:$0x1] =	stream.indirect.gather [hbm4b:s8+s14], $0x40, s20, s14, $0x2000b8;
	[tilespmem:$0x19400] =	vst v63  }
0x2b2: {  	s24 =	sadd.s32 $0x400, s24  }
0x2b3: {  	[spmem:s0] =	stream.indirect.scatter.add.f32 [tilespmem:s17], [sflag:$0x2], $0x40, s26, s14, $0x2000b8;
	[tilespmem:$0x19400] =	vst v63  }
.LBB2_17:
0x2b4: {  	_ =	sfence.sel $0x180000  }
0x2b5: {  	[bflag:$0x0] =	sbarrier.arrive $0xFFFF  }
0x2b6: {  	_ =	strace $0x90000047  }
0x2b7: {  	s0 =	stileid.u32;
	[bflag:$0x2] =	sbarrier.arrive $0xFFFF  }
0x2b8: {  	p0 =	sne.s32 s0, $0x0;
	s0 =	rddreg [dreg:$0x5]  }
0x2b9: {  	s0 =	sadd.s32 @!p0 $0x100000, s0  }
0x2ba: {  	[sflag:s0] =	ssyncadd.tile.s32 @!p0 $0x1;
	_ =	shalt  }
.Lfunc_end2:
_tile_overlayer_lowered:
.L_overlay_start_2:
0x2bb: {  	(tag) =	ssettag $0x2  }
0x2bc: {  	s0 =	rddreg [dreg:$0x0];
	s2 =	stileid.u32  }
0x2bd: {  	s1 =	rddreg [dreg:$0x1];
	p0 =	sne.s32 s2, $0x0  }
0x2be: {  	s3 =	rddreg [dreg:$0x2];
	[bflag:$0x3] =	sbarrier.arrive $0xFFFF;
	s2 =	simm.s32 @!p0 $0x1C05  }
0x2bf: {  	[timem:s3], [sflag:s2] =	dma.local @!p0 [hbm:s0], s1  }
0x2c0: {  	s0 =	simm.s32 @!p0 $0x5  }
0x2c1: {  	_ =	swait.ge @!p0 [sflag:s0], s1  }
0x2c2: {  	s1 =	ssub.s32 @!p0 $0x0, s1;
	[sflag:s0] =	ssyncset.done @!p0 $0x0  }
0x2c3: {  	[sflag:s0] =	ssyncadd.s32 @!p0 s1  }
0x2c4: {  	[bflag:$0x3] =	sbarrier.arrive $0xFFFF  }
0x2c5: {  	_ =	shalt  }

</sc_bundles>
